<compile_context>
chip_gen: v7x
topology: tpu7x:2x2x1
jax: 0.10.2.dev20260603
libtpu: 0.0.44.dev20260713+nightly
codegen_flags: <defaults>
</compile_context>

<pallas_src>
import functools

import jax
import jax.numpy as jnp
from jax import lax
from jax.experimental import pallas as pl
from jax.experimental.pallas import tpu as pltpu
from jax.experimental.pallas import tpu_sc as plsc

F32 = jnp.float32

_NW = 32
_CHUNK = 125
_ROUND = 40
_NPAD = 51200



def _edgek_body(edges_ref, w_ref, b_ref, out_ref):
    out_ref[...] = (
        jnp.dot(edges_ref[...], w_ref[...], preferred_element_type=F32)
        + b_ref[...]
    )


def _edge_keys(e256, wbig, bbig, block_r=2000):
    r = e256.shape[0]
    assert r % block_r == 0
    return pl.pallas_call(
        _edgek_body,
        grid=(r // block_r,),
        in_specs=[
            pl.BlockSpec((block_r, 256), lambda i: (i, 0)),
            pl.BlockSpec(wbig.shape, lambda i: (0, 0)),
            pl.BlockSpec((1, bbig.shape[1]), lambda i: (0, 0)),
        ],
        out_specs=pl.BlockSpec((block_r, 128), lambda i: (i, 0)),
        out_shape=jax.ShapeDtypeStruct((r, 128), F32),
    )(e256, wbig, bbig)




def _gather_rows(idx2d, table):
    nch = idx2d.shape[0]
    g = nch * _CHUNK
    cpt = nch // _NW
    nr = cpt // _ROUND
    assert cpt * _NW == nch and nr * _ROUND == cpt
    mesh = plsc.VectorSubcoreMesh(core_axis_name="c", subcore_axis_name="s")

    @functools.partial(
        pl.kernel,
        out_type=jax.ShapeDtypeStruct((g, 8), F32),
        mesh=mesh,
        scratch_types=[
            pltpu.VMEM((cpt, _CHUNK), jnp.int32),
            pltpu.VMEM((_ROUND * _CHUNK, 8), F32),
            pltpu.SemaphoreType.DMA,
        ],
        compiler_params=pltpu.CompilerParams(use_tc_tiling_on_sc=False),
    )
    def _gather(idx_hbm, table_hbm, out_hbm, idx_v, rows_v, gsem):
        c = lax.axis_index("c")
        s = lax.axis_index("s")
        w = s * 2 + c
        base = w * cpt
        pltpu.sync_copy(idx_hbm.at[pl.ds(base, cpt)], idx_v)

        def round_body(r, carry):
            for b in range(_ROUND):
                pltpu.async_copy(
                    table_hbm.at[idx_v.at[r * _ROUND + b]],
                    rows_v.at[pl.ds(b * _CHUNK, _CHUNK)],
                    gsem,
                )
            for b in range(_ROUND):
                pltpu.make_async_copy(
                    table_hbm.at[idx_v.at[r * _ROUND + b]],
                    rows_v.at[pl.ds(b * _CHUNK, _CHUNK)],
                    gsem,
                ).wait()
            pltpu.sync_copy(
                rows_v,
                out_hbm.at[pl.ds((base + r * _ROUND) * _CHUNK, _ROUND * _CHUNK)],
            )
            return carry

        lax.fori_loop(0, nr, round_body, 0)

    return _gather(idx2d, table)




def _segment_sum_parts(seg2d, feat, n):
    nch = seg2d.shape[0]
    d = feat.shape[1]
    cpt = nch // _NW
    rs = 20
    nr = cpt // rs
    assert cpt * _NW == nch and nr * rs == cpt
    nps = _NPAD // 16
    zc = 128
    assert n <= _NPAD and nps % zc == 0
    mesh = plsc.VectorSubcoreMesh(core_axis_name="c", subcore_axis_name="s")

    @functools.partial(
        pl.kernel,
        out_type=jax.ShapeDtypeStruct((2, _NPAD, d), F32),
        mesh=mesh,
        scratch_types=[
            pltpu.VMEM((cpt, _CHUNK), jnp.int32),
            pltpu.VMEM((rs * _CHUNK, d), F32),
            pltpu.VMEM((zc, d), F32),
            pltpu.VMEM_SHARED((_NPAD, d), F32),
            pltpu.SemaphoreType.DMA,
        ],
        compiler_params=pltpu.CompilerParams(use_tc_tiling_on_sc=False),
    )
    def _scatter(seg_hbm, feat_hbm, out_hbm, idx_v, rows_v, zero_v, acc_sh, ssem):
        c = lax.axis_index("c")
        s = lax.axis_index("s")
        w = c * 16 + s
        base = w * cpt
        pltpu.sync_copy(seg_hbm.at[pl.ds(base, cpt)], idx_v)

        def zrow(i, carry):
            zero_v[i, :] = jnp.zeros((16,), F32)
            return carry

        lax.fori_loop(0, zc, zrow, 0)

        def zchunk(i, carry):
            pltpu.sync_copy(
                zero_v, acc_sh.at[pl.ds(s * nps + i * zc, zc)]
            )
            return carry

        lax.fori_loop(0, nps // zc, zchunk, 0)
        plsc.subcore_barrier()

        def round_body(r, carry):
            pltpu.sync_copy(
                feat_hbm.at[pl.ds((base + r * rs) * _CHUNK, rs * _CHUNK)],
                rows_v,
            )
            for b in range(rs):
                pltpu.async_copy(
                    rows_v.at[pl.ds(b * _CHUNK, _CHUNK)],
                    acc_sh.at[idx_v.at[r * rs + b]],
                    ssem,
                    add=True,
                )
            for b in range(rs):
                pltpu.make_async_copy(
                    rows_v.at[pl.ds(b * _CHUNK, _CHUNK)],
                    acc_sh.at[idx_v.at[r * rs + b]],
                    ssem,
                ).wait()
            return carry

        lax.fori_loop(0, nr, round_body, 0)
        plsc.subcore_barrier()

        pltpu.sync_copy(
            acc_sh.at[pl.ds(s * nps, nps)],
            out_hbm.at[c, pl.ds(s * nps, nps)],
        )

    return _scatter(seg2d, feat)




def _fused_body(nodes_ref, kg_ref, seg0_ref, seg1_ref, wq3_ref, bq3_ref,
                tt_ref, w1n_ref, w1a_ref, w1s_ref, b1e_ref, w2_ref, b2_ref,
                g_ref, beta_ref, out_ref):
    x = nodes_ref[...]
    kg = kg_ref[...]
    qw = jnp.dot(x, wq3_ref[...], preferred_element_type=F32) + bq3_ref[...]
    sc = kg * qw
    m = jnp.max(sc, axis=1, keepdims=True)
    e = jnp.exp(sc - m)
    den = jnp.dot(e, tt_ref[...], preferred_element_type=F32)
    num = jnp.dot(e * kg, tt_ref[...], preferred_element_type=F32)
    att = num / den
    seg = seg0_ref[0] + seg1_ref[0]
    h = (
        jnp.dot(x, w1n_ref[...], preferred_element_type=F32)
        + jnp.dot(att, w1a_ref[...], preferred_element_type=F32)
        + jnp.dot(seg, w1s_ref[...], preferred_element_type=F32)
        + b1e_ref[...]
    )
    h = jnp.maximum(h, 0.0)
    h2 = jax.nn.sigmoid(
        jnp.dot(h, w2_ref[...], preferred_element_type=F32) + b2_ref[...]
    )
    mean = jnp.mean(h2, axis=1, keepdims=True)
    ctr = h2 - mean
    var = jnp.mean(ctr * ctr, axis=1, keepdims=True)
    out_ref[...] = ctr / jnp.sqrt(var + 1e-3) * g_ref[...] + beta_ref[...]


def _fused_mlp(nodes, kg, segparts, wq3, bq3, tt, w1n, w1a, w1s, b1e, w2, b2,
               gamma, beta, block_n=1000):
    n = nodes.shape[0]
    assert n % block_n == 0
    nb = n // block_n
    full = lambda a: pl.BlockSpec(a.shape, lambda i: tuple(0 for _ in a.shape))
    return pl.pallas_call(
        _fused_body,
        grid=(nb,),
        in_specs=[
            pl.BlockSpec((block_n, 128), lambda i: (i, 0)),
            pl.BlockSpec((block_n, 128), lambda i: (i, 0)),
            pl.BlockSpec((1, block_n, 16), lambda i: (0, i, 0)),
            pl.BlockSpec((1, block_n, 16), lambda i: (1, i, 0)),
            full(wq3), full(bq3), full(tt), full(w1n), full(w1a),
            full(w1s), full(b1e), full(w2), full(b2), full(gamma), full(beta),
        ],
        out_specs=pl.BlockSpec((block_n, 128), lambda i: (i, 0)),
        out_shape=jax.ShapeDtypeStruct((n, 128), F32),
    )(nodes, kg, segparts, segparts, wq3, bq3, tt, w1n, w1a, w1s, b1e, w2, b2,
      gamma, beta)




def kernel(nodes, globals_, edges, hyper_feat, edge_ind, seg_ind, W_q, b_q,
           W_k, b_k, W_conv, b_conv, W1, b1, W2, b2, ln_gamma, ln_beta):
    n, dn = nodes.shape
    e, de = edges.shape
    k = edge_ind.shape[1]
    heads = W_conv.shape[2]

    wc = W_conv[1]
    tmat = jnp.tile(jnp.eye(heads, dtype=F32), (1, k))
    wq3 = (W_q @ wc) @ tmat
    bq3 = ((b_q @ wc + b_conv) @ tmat)[None, :]
    wk2 = W_k @ wc
    wbig = jnp.kron(jnp.eye(16, dtype=F32), wk2)
    bbig = ((b_k @ wc + b_conv) @ tmat)[None, :]
    tt = tmat.T

    w1n = W1[:dn]
    w1g = W1[dn:dn + globals_.shape[1]]
    w1a = W1[dn + globals_.shape[1]:dn + globals_.shape[1] + heads]
    w1s = W1[dn + globals_.shape[1] + heads:]
    b1e = (b1 + globals_[0] @ w1g)[None, :]

    e256 = edges.reshape(e // 16, 16 * de)
    kmh128 = _edge_keys(e256, wbig, bbig)
    table = kmh128.reshape(e, 8)

    idx2d = edge_ind.reshape(n * k // _CHUNK, _CHUNK)
    kg = _gather_rows(idx2d, table).reshape(n, k * heads)

    hf128 = lax.optimization_barrier(hyper_feat.reshape(e * de // 128, 128))
    seg2d = seg_ind.reshape(e // _CHUNK, _CHUNK)
    segparts = _segment_sum_parts(seg2d, hf128.reshape(e, de), n)

    return _fused_mlp(nodes, kg, segparts, wq3, bq3, tt, w1n, w1a, w1s, b1e,
                      W2, b2[None, :], ln_gamma[None, :], ln_beta[None, :])

# --- scband reference (transcript-rebuilt; emitter-appended) ---
"""Pipeline reference for scband-hypergraph-node-attention-block-28286654612012 (READ-ONLY COPY).

The authoritative reference and input builder live on the scoring server;
editing this copy changes nothing except your own understanding.
"""

import jax, jax.numpy as jnp
import numpy as np

N = 50000
E = 800000
K = 16
D_NODE = 128
D_EDGE = 16
D_GLOBAL = 16
ATT_KEY = 8
HEADS = 8
H1 = 256
H2 = 128
D_IN = D_NODE + D_GLOBAL + HEADS + D_EDGE


def setup_inputs(seed: int = 0):
    key = jax.random.key(seed)
    ks = jax.random.split(key, 20)
    s = 0.05
    return {
        "nodes": jax.random.normal(ks[0], (N, D_NODE), dtype=jnp.float32),
        "globals_": jax.random.normal(ks[1], (1, D_GLOBAL), dtype=jnp.float32),
        "edges": jax.random.normal(ks[2], (E, D_EDGE), dtype=jnp.float32),
        "hyper_feat": jax.random.normal(ks[3], (E, D_EDGE), dtype=jnp.float32),
        "edge_ind": jax.random.randint(ks[4], (N, K), 0, E, dtype=jnp.int32),
        "seg_ind": jax.random.randint(ks[5], (E,), 0, N, dtype=jnp.int32),
        "W_q": jax.random.normal(ks[6], (D_NODE, ATT_KEY), dtype=jnp.float32) * s,
        "b_q": jnp.zeros((ATT_KEY,), dtype=jnp.float32),
        "W_k": jax.random.normal(ks[7], (D_EDGE, ATT_KEY), dtype=jnp.float32) * s,
        "b_k": jnp.zeros((ATT_KEY,), dtype=jnp.float32),
        "W_conv": jax.random.normal(ks[8], (4, ATT_KEY, HEADS), dtype=jnp.float32) * s,
        "b_conv": jnp.zeros((HEADS,), dtype=jnp.float32),
        "W1": jax.random.normal(ks[9], (D_IN, H1), dtype=jnp.float32) * s,
        "b1": jnp.zeros((H1,), dtype=jnp.float32),
        "W2": jax.random.normal(ks[10], (H1, H2), dtype=jnp.float32) * s,
        "b2": jnp.zeros((H2,), dtype=jnp.float32),
        "ln_gamma": jnp.ones((H2,), dtype=jnp.float32),
        "ln_beta": jnp.zeros((H2,), dtype=jnp.float32),
    }


def _conv1d_same(x, W, b):
    # Conv1D(filters=HEADS, kernel_size=4, padding='same') over a length-1 axis
    out = jax.lax.conv_general_dilated(x, W, window_strides=(1,), padding="SAME", dimension_numbers=("NWC", "WIO", "NWC"))
    return out + b


def reference(nodes, globals_, edges, hyper_feat, edge_ind, seg_ind, W_q, b_q, W_k, b_k, W_conv, b_conv, W1, b1, W2, b2, ln_gamma, ln_beta):
    n = nodes.shape[0]
    # utils._one_to_segments(globals, n_node): broadcast per-graph globals to nodes (single graph)
    g_bcast = jnp.broadcast_to(globals_, (n, globals_.shape[1]))
    # EDGES field: edge attention
    node_q = nodes @ W_q + b_q            # [N, ATT_KEY]
    edge_k = edges @ W_k + b_k            # [E, ATT_KEY]
    q_mh = _conv1d_same(node_q[:, None, :], W_conv, b_conv)  # [N, 1, HEADS]
    k_mh = _conv1d_same(edge_k[:, None, :], W_conv, b_conv)  # [E, 1, HEADS]
    v_mh = k_mh
    # utils._one_to_fixed_number_attention: each node attends over K incident edges
    k_g = jnp.take(k_mh[:, 0, :], edge_ind, axis=0)  # [N, K, HEADS]
    v_g = jnp.take(v_mh[:, 0, :], edge_ind, axis=0)  # [N, K, HEADS]
    scores = q_mh * k_g                               # [N, K, HEADS] per-head scores
    w = jax.nn.softmax(scores, axis=1)
    att = jnp.sum(w * v_g, axis=1)                    # [N, HEADS] (flattened [N,1,HEADS])
    # utils._one_to_unsorted_segments: scatter-add hyperedge features to nodes
    seg_agg = jax.ops.segment_sum(hyper_feat, seg_ind, num_segments=n)  # [N, D_EDGE]
    inputs = jnp.concatenate([nodes, g_bcast, att, seg_agg], axis=1)
    h = jax.nn.relu(inputs @ W1 + b1)
    h = jax.nn.sigmoid(h @ W2 + b2)
    mean = jnp.mean(h, axis=-1, keepdims=True)
    var = jnp.var(h, axis=-1, keepdims=True)
    h = (h - mean) / jnp.sqrt(var + 1e-3) * ln_gamma + ln_beta
    return h

if __name__ == "__main__":
    import jax
    _d = setup_inputs()
    print(jax.jit(kernel)(*tuple(_d.values())))

</pallas_src>

<mosaic_0001>
#map = affine_map<(d0, d1) -> (0, 0)>
module attributes {stable_mosaic.version = 14 : i64} {
  func.func @_gather(%arg0: i32, %arg1: i32, %arg2: memref<6400x125xi32, #tpu.memory_space<hbm>>, %arg3: memref<800000x8xf32, #tpu.memory_space<hbm>>, %arg4: memref<800000x8xf32, #tpu.memory_space<hbm>>, %arg5: memref<200x125xi32, #tpu.memory_space<vmem>>, %arg6: memref<5000x8xf32, #tpu.memory_space<vmem>>, %arg7: memref<!tpu.dma_semaphore, #tpu.memory_space<semaphore_mem>>) attributes {dimension_semantics = [#tpu.dimension_semantics<core_parallel>, #tpu.dimension_semantics<subcore_parallel>], iteration_bounds = array<i64: 2, 16>, scalar_prefetch = 0 : i64, scratch_operands = 3 : i64, tpu.core_type = #tpu.core_type<sc_vector_subcore>, window_params = [{transform_indices = #map}, {transform_indices = #map}, {transform_indices = #map}]} {
    %mul3A = arith.constant 2 : i32
    %mul3A_0 = arith.muli %arg1, %mul3A : i32
    %add3A = arith.addi %mul3A_0, %arg0 : i32
    %mul3A_1 = arith.constant 200 : i32
    %mul3A_2 = arith.muli %add3A, %mul3A_1 : i32
    "tpu.region"() ({
      %run_scoped3A = tpu.sem_alloc : memref<!tpu.dma_semaphore, #tpu.memory_space<semaphore_mem>>
      %dma_start3A = arith.constant 0 : i32
      %dma_start3A_8 = tpu.memref_slice %arg2[%mul3A_2, %dma_start3A] : memref<6400x125xi32, #tpu.memory_space<hbm>> -> memref<200x125xi32, #tpu.memory_space<hbm>>
      %dma_start3A_9 = arith.constant 0 : i32
      %dma_start3A_10 = tpu.memref_slice %arg2[%mul3A_2, %dma_start3A_9] : memref<6400x125xi32, #tpu.memory_space<hbm>> -> memref<200x125xi32, #tpu.memory_space<hbm>>
      tpu.enqueue_dma source(%dma_start3A_10 : memref<200x125xi32, #tpu.memory_space<hbm>>) target(%arg5 : memref<200x125xi32, #tpu.memory_space<vmem>>) target_semaphore(%run_scoped3A : memref<!tpu.dma_semaphore, #tpu.memory_space<semaphore_mem>>)
      %dma_wait3A = arith.constant 0 : i32
      %dma_wait3A_11 = tpu.memref_slice %arg2[%mul3A_2, %dma_wait3A] : memref<6400x125xi32, #tpu.memory_space<hbm>> -> memref<200x125xi32, #tpu.memory_space<hbm>>
      %dma_wait3A_12 = arith.constant 0 : i32
      %dma_wait3A_13 = tpu.memref_slice %arg2[%mul3A_2, %dma_wait3A_12] : memref<6400x125xi32, #tpu.memory_space<hbm>> -> memref<200x125xi32, #tpu.memory_space<hbm>>
      tpu.wait_dma2 semaphore(%run_scoped3A : memref<!tpu.dma_semaphore, #tpu.memory_space<semaphore_mem>>) src(%dma_wait3A_13 : memref<200x125xi32, #tpu.memory_space<hbm>>) dst(%arg5 : memref<200x125xi32, #tpu.memory_space<vmem>>)
      tpu.yield
    }) : () -> ()
    %scan3A = arith.constant 0 : i32
    %scan3A_3 = arith.constant 0 : i32
    %scan3A_4 = arith.constant 5 : i32
    %scan3A_5 = arith.addi %scan3A_3, %scan3A_4 : i32
    %scan3A_6 = arith.constant 1 : i32
    scf.for %scan3A_8 = %scan3A_3 to %scan3A_5 step %scan3A_6  : i32 {
      %mul3A_9 = arith.constant 40 : i32
      %mul3A_10 = arith.muli %scan3A_8, %mul3A_9 : i32
      %add3A_11 = arith.constant 0 : i32
      %add3A_12 = arith.addi %mul3A_10, %add3A_11 : i32
      %dma_start3A = arith.constant 0 : i32
      %dma_start3A_13 = arith.constant 0 : i32
      %dma_start3A_14 = tpu.memref_slice %arg6[%dma_start3A, %dma_start3A_13] : memref<5000x8xf32, #tpu.memory_space<vmem>> -> memref<125x8xf32, #tpu.memory_space<vmem>>
      %dma_start3A_15 = arith.constant 0 : i32
      %dma_start3A_16 = tpu.memref_slice %arg5[%add3A_12, %dma_start3A_15] : memref<200x125xi32, #tpu.memory_space<vmem>> -> memref<1x125xi32, #tpu.memory_space<vmem>>
      %dma_start3A_17 = tpu.memref_squeeze %dma_start3A_16 : memref<1x125xi32, #tpu.memory_space<vmem>> -> memref<125xi32, #tpu.memory_space<vmem>>
      %dma_start3A_18 = arith.constant 0 : i32
      %dma_start3A_19 = arith.constant 0 : i32
      %dma_start3A_20 = tpu.memref_slice %arg3[%dma_start3A_18, %dma_start3A_19] : memref<800000x8xf32, #tpu.memory_space<hbm>> -> memref<800000x8xf32, #tpu.memory_space<hbm>>
      tpu.enqueue_indirect_dma source(%dma_start3A_20 : memref<800000x8xf32, #tpu.memory_space<hbm>>) target(%dma_start3A_14 : memref<125x8xf32, #tpu.memory_space<vmem>>) offsets(%dma_start3A_17 : memref<125xi32, #tpu.memory_space<vmem>>) semaphore(%arg7 : memref<!tpu.dma_semaphore, #tpu.memory_space<semaphore_mem>>)
      %mul3A_21 = arith.constant 40 : i32
      %mul3A_22 = arith.muli %scan3A_8, %mul3A_21 : i32
      %add3A_23 = arith.constant 1 : i32
      %add3A_24 = arith.addi %mul3A_22, %add3A_23 : i32
      %dma_start3A_25 = arith.constant 125 : i32
      %dma_start3A_26 = arith.constant 0 : i32
      %dma_start3A_27 = tpu.memref_slice %arg6[%dma_start3A_25, %dma_start3A_26] : memref<5000x8xf32, #tpu.memory_space<vmem>> -> memref<125x8xf32, #tpu.memory_space<vmem>>
      %dma_start3A_28 = arith.constant 0 : i32
      %dma_start3A_29 = tpu.memref_slice %arg5[%add3A_24, %dma_start3A_28] : memref<200x125xi32, #tpu.memory_space<vmem>> -> memref<1x125xi32, #tpu.memory_space<vmem>>
      %dma_start3A_30 = tpu.memref_squeeze %dma_start3A_29 : memref<1x125xi32, #tpu.memory_space<vmem>> -> memref<125xi32, #tpu.memory_space<vmem>>
      %dma_start3A_31 = arith.constant 0 : i32
      %dma_start3A_32 = arith.constant 0 : i32
      %dma_start3A_33 = tpu.memref_slice %arg3[%dma_start3A_31, %dma_start3A_32] : memref<800000x8xf32, #tpu.memory_space<hbm>> -> memref<800000x8xf32, #tpu.memory_space<hbm>>
      tpu.enqueue_indirect_dma source(%dma_start3A_33 : memref<800000x8xf32, #tpu.memory_space<hbm>>) target(%dma_start3A_27 : memref<125x8xf32, #tpu.memory_space<vmem>>) offsets(%dma_start3A_30 : memref<125xi32, #tpu.memory_space<vmem>>) semaphore(%arg7 : memref<!tpu.dma_semaphore, #tpu.memory_space<semaphore_mem>>)
      %mul3A_34 = arith.constant 40 : i32
      %mul3A_35 = arith.muli %scan3A_8, %mul3A_34 : i32
      %add3A_36 = arith.constant 2 : i32
      %add3A_37 = arith.addi %mul3A_35, %add3A_36 : i32
      %dma_start3A_38 = arith.constant 250 : i32
      %dma_start3A_39 = arith.constant 0 : i32
      %dma_start3A_40 = tpu.memref_slice %arg6[%dma_start3A_38, %dma_start3A_39] : memref<5000x8xf32, #tpu.memory_space<vmem>> -> memref<125x8xf32, #tpu.memory_space<vmem>>
      %dma_start3A_41 = arith.constant 0 : i32
      %dma_start3A_42 = tpu.memref_slice %arg5[%add3A_37, %dma_start3A_41] : memref<200x125xi32, #tpu.memory_space<vmem>> -> memref<1x125xi32, #tpu.memory_space<vmem>>
      %dma_start3A_43 = tpu.memref_squeeze %dma_start3A_42 : memref<1x125xi32, #tpu.memory_space<vmem>> -> memref<125xi32, #tpu.memory_space<vmem>>
      %dma_start3A_44 = arith.constant 0 : i32
      %dma_start3A_45 = arith.constant 0 : i32
      %dma_start3A_46 = tpu.memref_slice %arg3[%dma_start3A_44, %dma_start3A_45] : memref<800000x8xf32, #tpu.memory_space<hbm>> -> memref<800000x8xf32, #tpu.memory_space<hbm>>
      tpu.enqueue_indirect_dma source(%dma_start3A_46 : memref<800000x8xf32, #tpu.memory_space<hbm>>) target(%dma_start3A_40 : memref<125x8xf32, #tpu.memory_space<vmem>>) offsets(%dma_start3A_43 : memref<125xi32, #tpu.memory_space<vmem>>) semaphore(%arg7 : memref<!tpu.dma_semaphore, #tpu.memory_space<semaphore_mem>>)
      %mul3A_47 = arith.constant 40 : i32
      %mul3A_48 = arith.muli %scan3A_8, %mul3A_47 : i32
      %add3A_49 = arith.constant 3 : i32
      %add3A_50 = arith.addi %mul3A_48, %add3A_49 : i32
      %dma_start3A_51 = arith.constant 375 : i32
      %dma_start3A_52 = arith.constant 0 : i32
      %dma_start3A_53 = tpu.memref_slice %arg6[%dma_start3A_51, %dma_start3A_52] : memref<5000x8xf32, #tpu.memory_space<vmem>> -> memref<125x8xf32, #tpu.memory_space<vmem>>
      %dma_start3A_54 = arith.constant 0 : i32
      %dma_start3A_55 = tpu.memref_slice %arg5[%add3A_50, %dma_start3A_54] : memref<200x125xi32, #tpu.memory_space<vmem>> -> memref<1x125xi32, #tpu.memory_space<vmem>>
      %dma_start3A_56 = tpu.memref_squeeze %dma_start3A_55 : memref<1x125xi32, #tpu.memory_space<vmem>> -> memref<125xi32, #tpu.memory_space<vmem>>
      %dma_start3A_57 = arith.constant 0 : i32
      %dma_start3A_58 = arith.constant 0 : i32
      %dma_start3A_59 = tpu.memref_slice %arg3[%dma_start3A_57, %dma_start3A_58] : memref<800000x8xf32, #tpu.memory_space<hbm>> -> memref<800000x8xf32, #tpu.memory_space<hbm>>
      tpu.enqueue_indirect_dma source(%dma_start3A_59 : memref<800000x8xf32, #tpu.memory_space<hbm>>) target(%dma_start3A_53 : memref<125x8xf32, #tpu.memory_space<vmem>>) offsets(%dma_start3A_56 : memref<125xi32, #tpu.memory_space<vmem>>) semaphore(%arg7 : memref<!tpu.dma_semaphore, #tpu.memory_space<semaphore_mem>>)
      %mul3A_60 = arith.constant 40 : i32
      %mul3A_61 = arith.muli %scan3A_8, %mul3A_60 : i32
      %add3A_62 = arith.constant 4 : i32
      %add3A_63 = arith.addi %mul3A_61, %add3A_62 : i32
      %dma_start3A_64 = arith.constant 500 : i32
      %dma_start3A_65 = arith.constant 0 : i32
      %dma_start3A_66 = tpu.memref_slice %arg6[%dma_start3A_64, %dma_start3A_65] : memref<5000x8xf32, #tpu.memory_space<vmem>> -> memref<125x8xf32, #tpu.memory_space<vmem>>
      %dma_start3A_67 = arith.constant 0 : i32
      %dma_start3A_68 = tpu.memref_slice %arg5[%add3A_63, %dma_start3A_67] : memref<200x125xi32, #tpu.memory_space<vmem>> -> memref<1x125xi32, #tpu.memory_space<vmem>>
      %dma_start3A_69 = tpu.memref_squeeze %dma_start3A_68 : memref<1x125xi32, #tpu.memory_space<vmem>> -> memref<125xi32, #tpu.memory_space<vmem>>
      %dma_start3A_70 = arith.constant 0 : i32
      %dma_start3A_71 = arith.constant 0 : i32
      %dma_start3A_72 = tpu.memref_slice %arg3[%dma_start3A_70, %dma_start3A_71] : memref<800000x8xf32, #tpu.memory_space<hbm>> -> memref<800000x8xf32, #tpu.memory_space<hbm>>
      tpu.enqueue_indirect_dma source(%dma_start3A_72 : memref<800000x8xf32, #tpu.memory_space<hbm>>) target(%dma_start3A_66 : memref<125x8xf32, #tpu.memory_space<vmem>>) offsets(%dma_start3A_69 : memref<125xi32, #tpu.memory_space<vmem>>) semaphore(%arg7 : memref<!tpu.dma_semaphore, #tpu.memory_space<semaphore_mem>>)
      %mul3A_73 = arith.constant 40 : i32
      %mul3A_74 = arith.muli %scan3A_8, %mul3A_73 : i32
      %add3A_75 = arith.constant 5 : i32
      %add3A_76 = arith.addi %mul3A_74, %add3A_75 : i32
      %dma_start3A_77 = arith.constant 625 : i32
      %dma_start3A_78 = arith.constant 0 : i32
      %dma_start3A_79 = tpu.memref_slice %arg6[%dma_start3A_77, %dma_start3A_78] : memref<5000x8xf32, #tpu.memory_space<vmem>> -> memref<125x8xf32, #tpu.memory_space<vmem>>
      %dma_start3A_80 = arith.constant 0 : i32
      %dma_start3A_81 = tpu.memref_slice %arg5[%add3A_76, %dma_start3A_80] : memref<200x125xi32, #tpu.memory_space<vmem>> -> memref<1x125xi32, #tpu.memory_space<vmem>>
      %dma_start3A_82 = tpu.memref_squeeze %dma_start3A_81 : memref<1x125xi32, #tpu.memory_space<vmem>> -> memref<125xi32, #tpu.memory_space<vmem>>
      %dma_start3A_83 = arith.constant 0 : i32
      %dma_start3A_84 = arith.constant 0 : i32
      %dma_start3A_85 = tpu.memref_slice %arg3[%dma_start3A_83, %dma_start3A_84] : memref<800000x8xf32, #tpu.memory_space<hbm>> -> memref<800000x8xf32, #tpu.memory_space<hbm>>
      tpu.enqueue_indirect_dma source(%dma_start3A_85 : memref<800000x8xf32, #tpu.memory_space<hbm>>) target(%dma_start3A_79 : memref<125x8xf32, #tpu.memory_space<vmem>>) offsets(%dma_start3A_82 : memref<125xi32, #tpu.memory_space<vmem>>) semaphore(%arg7 : memref<!tpu.dma_semaphore, #tpu.memory_space<semaphore_mem>>)
      %mul3A_86 = arith.constant 40 : i32
      %mul3A_87 = arith.muli %scan3A_8, %mul3A_86 : i32
      %add3A_88 = arith.constant 6 : i32
      %add3A_89 = arith.addi %mul3A_87, %add3A_88 : i32
      %dma_start3A_90 = arith.constant 750 : i32
      %dma_start3A_91 = arith.constant 0 : i32
      %dma_start3A_92 = tpu.memref_slice %arg6[%dma_start3A_90, %dma_start3A_91] : memref<5000x8xf32, #tpu.memory_space<vmem>> -> memref<125x8xf32, #tpu.memory_space<vmem>>
      %dma_start3A_93 = arith.constant 0 : i32
      %dma_start3A_94 = tpu.memref_slice %arg5[%add3A_89, %dma_start3A_93] : memref<200x125xi32, #tpu.memory_space<vmem>> -> memref<1x125xi32, #tpu.memory_space<vmem>>
      %dma_start3A_95 = tpu.memref_squeeze %dma_start3A_94 : memref<1x125xi32, #tpu.memory_space<vmem>> -> memref<125xi32, #tpu.memory_space<vmem>>
      %dma_start3A_96 = arith.constant 0 : i32
      %dma_start3A_97 = arith.constant 0 : i32
      %dma_start3A_98 = tpu.memref_slice %arg3[%dma_start3A_96, %dma_start3A_97] : memref<800000x8xf32, #tpu.memory_space<hbm>> -> memref<800000x8xf32, #tpu.memory_space<hbm>>
      tpu.enqueue_indirect_dma source(%dma_start3A_98 : memref<800000x8xf32, #tpu.memory_space<hbm>>) target(%dma_start3A_92 : memref<125x8xf32, #tpu.memory_space<vmem>>) offsets(%dma_start3A_95 : memref<125xi32, #tpu.memory_space<vmem>>) semaphore(%arg7 : memref<!tpu.dma_semaphore, #tpu.memory_space<semaphore_mem>>)
      %mul3A_99 = arith.constant 40 : i32
      %mul3A_100 = arith.muli %scan3A_8, %mul3A_99 : i32
      %add3A_101 = arith.constant 7 : i32
      %add3A_102 = arith.addi %mul3A_100, %add3A_101 : i32
      %dma_start3A_103 = arith.constant 875 : i32
      %dma_start3A_104 = arith.constant 0 : i32
      %dma_start3A_105 = tpu.memref_slice %arg6[%dma_start3A_103, %dma_start3A_104] : memref<5000x8xf32, #tpu.memory_space<vmem>> -> memref<125x8xf32, #tpu.memory_space<vmem>>
      %dma_start3A_106 = arith.constant 0 : i32
      %dma_start3A_107 = tpu.memref_slice %arg5[%add3A_102, %dma_start3A_106] : memref<200x125xi32, #tpu.memory_space<vmem>> -> memref<1x125xi32, #tpu.memory_space<vmem>>
      %dma_start3A_108 = tpu.memref_squeeze %dma_start3A_107 : memref<1x125xi32, #tpu.memory_space<vmem>> -> memref<125xi32, #tpu.memory_space<vmem>>
      %dma_start3A_109 = arith.constant 0 : i32
      %dma_start3A_110 = arith.constant 0 : i32
      %dma_start3A_111 = tpu.memref_slice %arg3[%dma_start3A_109, %dma_start3A_110] : memref<800000x8xf32, #tpu.memory_space<hbm>> -> memref<800000x8xf32, #tpu.memory_space<hbm>>
      tpu.enqueue_indirect_dma source(%dma_start3A_111 : memref<800000x8xf32, #tpu.memory_space<hbm>>) target(%dma_start3A_105 : memref<125x8xf32, #tpu.memory_space<vmem>>) offsets(%dma_start3A_108 : memref<125xi32, #tpu.memory_space<vmem>>) semaphore(%arg7 : memref<!tpu.dma_semaphore, #tpu.memory_space<semaphore_mem>>)
      %mul3A_112 = arith.constant 40 : i32
      %mul3A_113 = arith.muli %scan3A_8, %mul3A_112 : i32
      %add3A_114 = arith.constant 8 : i32
      %add3A_115 = arith.addi %mul3A_113, %add3A_114 : i32
      %dma_start3A_116 = arith.constant 1000 : i32
      %dma_start3A_117 = arith.constant 0 : i32
      %dma_start3A_118 = tpu.memref_slice %arg6[%dma_start3A_116, %dma_start3A_117] : memref<5000x8xf32, #tpu.memory_space<vmem>> -> memref<125x8xf32, #tpu.memory_space<vmem>>
      %dma_start3A_119 = arith.constant 0 : i32
      %dma_start3A_120 = tpu.memref_slice %arg5[%add3A_115, %dma_start3A_119] : memref<200x125xi32, #tpu.memory_space<vmem>> -> memref<1x125xi32, #tpu.memory_space<vmem>>
      %dma_start3A_121 = tpu.memref_squeeze %dma_start3A_120 : memref<1x125xi32, #tpu.memory_space<vmem>> -> memref<125xi32, #tpu.memory_space<vmem>>
      %dma_start3A_122 = arith.constant 0 : i32
      %dma_start3A_123 = arith.constant 0 : i32
      %dma_start3A_124 = tpu.memref_slice %arg3[%dma_start3A_122, %dma_start3A_123] : memref<800000x8xf32, #tpu.memory_space<hbm>> -> memref<800000x8xf32, #tpu.memory_space<hbm>>
      tpu.enqueue_indirect_dma source(%dma_start3A_124 : memref<800000x8xf32, #tpu.memory_space<hbm>>) target(%dma_start3A_118 : memref<125x8xf32, #tpu.memory_space<vmem>>) offsets(%dma_start3A_121 : memref<125xi32, #tpu.memory_space<vmem>>) semaphore(%arg7 : memref<!tpu.dma_semaphore, #tpu.memory_space<semaphore_mem>>)
      %mul3A_125 = arith.constant 40 : i32
      %mul3A_126 = arith.muli %scan3A_8, %mul3A_125 : i32
      %add3A_127 = arith.constant 9 : i32
      %add3A_128 = arith.addi %mul3A_126, %add3A_127 : i32
      %dma_start3A_129 = arith.constant 1125 : i32
      %dma_start3A_130 = arith.constant 0 : i32
      %dma_start3A_131 = tpu.memref_slice %arg6[%dma_start3A_129, %dma_start3A_130] : memref<5000x8xf32, #tpu.memory_space<vmem>> -> memref<125x8xf32, #tpu.memory_space<vmem>>
      %dma_start3A_132 = arith.constant 0 : i32
      %dma_start3A_133 = tpu.memref_slice %arg5[%add3A_128, %dma_start3A_132] : memref<200x125xi32, #tpu.memory_space<vmem>> -> memref<1x125xi32, #tpu.memory_space<vmem>>
      %dma_start3A_134 = tpu.memref_squeeze %dma_start3A_133 : memref<1x125xi32, #tpu.memory_space<vmem>> -> memref<125xi32, #tpu.memory_space<vmem>>
      %dma_start3A_135 = arith.constant 0 : i32
      %dma_start3A_136 = arith.constant 0 : i32
      %dma_start3A_137 = tpu.memref_slice %arg3[%dma_start3A_135, %dma_start3A_136] : memref<800000x8xf32, #tpu.memory_space<hbm>> -> memref<800000x8xf32, #tpu.memory_space<hbm>>
      tpu.enqueue_indirect_dma source(%dma_start3A_137 : memref<800000x8xf32, #tpu.memory_space<hbm>>) target(%dma_start3A_131 : memref<125x8xf32, #tpu.memory_space<vmem>>) offsets(%dma_start3A_134 : memref<125xi32, #tpu.memory_space<vmem>>) semaphore(%arg7 : memref<!tpu.dma_semaphore, #tpu.memory_space<semaphore_mem>>)
      %mul3A_138 = arith.constant 40 : i32
      %mul3A_139 = arith.muli %scan3A_8, %mul3A_138 : i32
      %add3A_140 = arith.constant 10 : i32
      %add3A_141 = arith.addi %mul3A_139, %add3A_140 : i32
      %dma_start3A_142 = arith.constant 1250 : i32
      %dma_start3A_143 = arith.constant 0 : i32
      %dma_start3A_144 = tpu.memref_slice %arg6[%dma_start3A_142, %dma_start3A_143] : memref<5000x8xf32, #tpu.memory_space<vmem>> -> memref<125x8xf32, #tpu.memory_space<vmem>>
      %dma_start3A_145 = arith.constant 0 : i32
      %dma_start3A_146 = tpu.memref_slice %arg5[%add3A_141, %dma_start3A_145] : memref<200x125xi32, #tpu.memory_space<vmem>> -> memref<1x125xi32, #tpu.memory_space<vmem>>
      %dma_start3A_147 = tpu.memref_squeeze %dma_start3A_146 : memref<1x125xi32, #tpu.memory_space<vmem>> -> memref<125xi32, #tpu.memory_space<vmem>>
      %dma_start3A_148 = arith.constant 0 : i32
      %dma_start3A_149 = arith.constant 0 : i32
      %dma_start3A_150 = tpu.memref_slice %arg3[%dma_start3A_148, %dma_start3A_149] : memref<800000x8xf32, #tpu.memory_space<hbm>> -> memref<800000x8xf32, #tpu.memory_space<hbm>>
      tpu.enqueue_indirect_dma source(%dma_start3A_150 : memref<800000x8xf32, #tpu.memory_space<hbm>>) target(%dma_start3A_144 : memref<125x8xf32, #tpu.memory_space<vmem>>) offsets(%dma_start3A_147 : memref<125xi32, #tpu.memory_space<vmem>>) semaphore(%arg7 : memref<!tpu.dma_semaphore, #tpu.memory_space<semaphore_mem>>)
      %mul3A_151 = arith.constant 40 : i32
      %mul3A_152 = arith.muli %scan3A_8, %mul3A_151 : i32
      %add3A_153 = arith.constant 11 : i32
      %add3A_154 = arith.addi %mul3A_152, %add3A_153 : i32
      %dma_start3A_155 = arith.constant 1375 : i32
      %dma_start3A_156 = arith.constant 0 : i32
      %dma_start3A_157 = tpu.memref_slice %arg6[%dma_start3A_155, %dma_start3A_156] : memref<5000x8xf32, #tpu.memory_space<vmem>> -> memref<125x8xf32, #tpu.memory_space<vmem>>
      %dma_start3A_158 = arith.constant 0 : i32
      %dma_start3A_159 = tpu.memref_slice %arg5[%add3A_154, %dma_start3A_158] : memref<200x125xi32, #tpu.memory_space<vmem>> -> memref<1x125xi32, #tpu.memory_space<vmem>>
      %dma_start3A_160 = tpu.memref_squeeze %dma_start3A_159 : memref<1x125xi32, #tpu.memory_space<vmem>> -> memref<125xi32, #tpu.memory_space<vmem>>
      %dma_start3A_161 = arith.constant 0 : i32
      %dma_start3A_162 = arith.constant 0 : i32
      %dma_start3A_163 = tpu.memref_slice %arg3[%dma_start3A_161, %dma_start3A_162] : memref<800000x8xf32, #tpu.memory_space<hbm>> -> memref<800000x8xf32, #tpu.memory_space<hbm>>
      tpu.enqueue_indirect_dma source(%dma_start3A_163 : memref<800000x8xf32, #tpu.memory_space<hbm>>) target(%dma_start3A_157 : memref<125x8xf32, #tpu.memory_space<vmem>>) offsets(%dma_start3A_160 : memref<125xi32, #tpu.memory_space<vmem>>) semaphore(%arg7 : memref<!tpu.dma_semaphore, #tpu.memory_space<semaphore_mem>>)
      %mul3A_164 = arith.constant 40 : i32
      %mul3A_165 = arith.muli %scan3A_8, %mul3A_164 : i32
      %add3A_166 = arith.constant 12 : i32
      %add3A_167 = arith.addi %mul3A_165, %add3A_166 : i32
      %dma_start3A_168 = arith.constant 1500 : i32
      %dma_start3A_169 = arith.constant 0 : i32
      %dma_start3A_170 = tpu.memref_slice %arg6[%dma_start3A_168, %dma_start3A_169] : memref<5000x8xf32, #tpu.memory_space<vmem>> -> memref<125x8xf32, #tpu.memory_space<vmem>>
      %dma_start3A_171 = arith.constant 0 : i32
      %dma_start3A_172 = tpu.memref_slice %arg5[%add3A_167, %dma_start3A_171] : memref<200x125xi32, #tpu.memory_space<vmem>> -> memref<1x125xi32, #tpu.memory_space<vmem>>
      %dma_start3A_173 = tpu.memref_squeeze %dma_start3A_172 : memref<1x125xi32, #tpu.memory_space<vmem>> -> memref<125xi32, #tpu.memory_space<vmem>>
      %dma_start3A_174 = arith.constant 0 : i32
      %dma_start3A_175 = arith.constant 0 : i32
      %dma_start3A_176 = tpu.memref_slice %arg3[%dma_start3A_174, %dma_start3A_175] : memref<800000x8xf32, #tpu.memory_space<hbm>> -> memref<800000x8xf32, #tpu.memory_space<hbm>>
      tpu.enqueue_indirect_dma source(%dma_start3A_176 : memref<800000x8xf32, #tpu.memory_space<hbm>>) target(%dma_start3A_170 : memref<125x8xf32, #tpu.memory_space<vmem>>) offsets(%dma_start3A_173 : memref<125xi32, #tpu.memory_space<vmem>>) semaphore(%arg7 : memref<!tpu.dma_semaphore, #tpu.memory_space<semaphore_mem>>)
      %mul3A_177 = arith.constant 40 : i32
      %mul3A_178 = arith.muli %scan3A_8, %mul3A_177 : i32
      %add3A_179 = arith.constant 13 : i32
      %add3A_180 = arith.addi %mul3A_178, %add3A_179 : i32
      %dma_start3A_181 = arith.constant 1625 : i32
      %dma_start3A_182 = arith.constant 0 : i32
      %dma_start3A_183 = tpu.memref_slice %arg6[%dma_start3A_181, %dma_start3A_182] : memref<5000x8xf32, #tpu.memory_space<vmem>> -> memref<125x8xf32, #tpu.memory_space<vmem>>
      %dma_start3A_184 = arith.constant 0 : i32
      %dma_start3A_185 = tpu.memref_slice %arg5[%add3A_180, %dma_start3A_184] : memref<200x125xi32, #tpu.memory_space<vmem>> -> memref<1x125xi32, #tpu.memory_space<vmem>>
      %dma_start3A_186 = tpu.memref_squeeze %dma_start3A_185 : memref<1x125xi32, #tpu.memory_space<vmem>> -> memref<125xi32, #tpu.memory_space<vmem>>
      %dma_start3A_187 = arith.constant 0 : i32
      %dma_start3A_188 = arith.constant 0 : i32
      %dma_start3A_189 = tpu.memref_slice %arg3[%dma_start3A_187, %dma_start3A_188] : memref<800000x8xf32, #tpu.memory_space<hbm>> -> memref<800000x8xf32, #tpu.memory_space<hbm>>
      tpu.enqueue_indirect_dma source(%dma_start3A_189 : memref<800000x8xf32, #tpu.memory_space<hbm>>) target(%dma_start3A_183 : memref<125x8xf32, #tpu.memory_space<vmem>>) offsets(%dma_start3A_186 : memref<125xi32, #tpu.memory_space<vmem>>) semaphore(%arg7 : memref<!tpu.dma_semaphore, #tpu.memory_space<semaphore_mem>>)
      %mul3A_190 = arith.constant 40 : i32
      %mul3A_191 = arith.muli %scan3A_8, %mul3A_190 : i32
      %add3A_192 = arith.constant 14 : i32
      %add3A_193 = arith.addi %mul3A_191, %add3A_192 : i32
      %dma_start3A_194 = arith.constant 1750 : i32
      %dma_start3A_195 = arith.constant 0 : i32
      %dma_start3A_196 = tpu.memref_slice %arg6[%dma_start3A_194, %dma_start3A_195] : memref<5000x8xf32, #tpu.memory_space<vmem>> -> memref<125x8xf32, #tpu.memory_space<vmem>>
      %dma_start3A_197 = arith.constant 0 : i32
      %dma_start3A_198 = tpu.memref_slice %arg5[%add3A_193, %dma_start3A_197] : memref<200x125xi32, #tpu.memory_space<vmem>> -> memref<1x125xi32, #tpu.memory_space<vmem>>
      %dma_start3A_199 = tpu.memref_squeeze %dma_start3A_198 : memref<1x125xi32, #tpu.memory_space<vmem>> -> memref<125xi32, #tpu.memory_space<vmem>>
      %dma_start3A_200 = arith.constant 0 : i32
      %dma_start3A_201 = arith.constant 0 : i32
      %dma_start3A_202 = tpu.memref_slice %arg3[%dma_start3A_200, %dma_start3A_201] : memref<800000x8xf32, #tpu.memory_space<hbm>> -> memref<800000x8xf32, #tpu.memory_space<hbm>>
      tpu.enqueue_indirect_dma source(%dma_start3A_202 : memref<800000x8xf32, #tpu.memory_space<hbm>>) target(%dma_start3A_196 : memref<125x8xf32, #tpu.memory_space<vmem>>) offsets(%dma_start3A_199 : memref<125xi32, #tpu.memory_space<vmem>>) semaphore(%arg7 : memref<!tpu.dma_semaphore, #tpu.memory_space<semaphore_mem>>)
      %mul3A_203 = arith.constant 40 : i32
      %mul3A_204 = arith.muli %scan3A_8, %mul3A_203 : i32
      %add3A_205 = arith.constant 15 : i32
      %add3A_206 = arith.addi %mul3A_204, %add3A_205 : i32
      %dma_start3A_207 = arith.constant 1875 : i32
      %dma_start3A_208 = arith.constant 0 : i32
      %dma_start3A_209 = tpu.memref_slice %arg6[%dma_start3A_207, %dma_start3A_208] : memref<5000x8xf32, #tpu.memory_space<vmem>> -> memref<125x8xf32, #tpu.memory_space<vmem>>
      %dma_start3A_210 = arith.constant 0 : i32
      %dma_start3A_211 = tpu.memref_slice %arg5[%add3A_206, %dma_start3A_210] : memref<200x125xi32, #tpu.memory_space<vmem>> -> memref<1x125xi32, #tpu.memory_space<vmem>>
      %dma_start3A_212 = tpu.memref_squeeze %dma_start3A_211 : memref<1x125xi32, #tpu.memory_space<vmem>> -> memref<125xi32, #tpu.memory_space<vmem>>
      %dma_start3A_213 = arith.constant 0 : i32
      %dma_start3A_214 = arith.constant 0 : i32
      %dma_start3A_215 = tpu.memref_slice %arg3[%dma_start3A_213, %dma_start3A_214] : memref<800000x8xf32, #tpu.memory_space<hbm>> -> memref<800000x8xf32, #tpu.memory_space<hbm>>
      tpu.enqueue_indirect_dma source(%dma_start3A_215 : memref<800000x8xf32, #tpu.memory_space<hbm>>) target(%dma_start3A_209 : memref<125x8xf32, #tpu.memory_space<vmem>>) offsets(%dma_start3A_212 : memref<125xi32, #tpu.memory_space<vmem>>) semaphore(%arg7 : memref<!tpu.dma_semaphore, #tpu.memory_space<semaphore_mem>>)
      %mul3A_216 = arith.constant 40 : i32
      %mul3A_217 = arith.muli %scan3A_8, %mul3A_216 : i32
      %add3A_218 = arith.constant 16 : i32
      %add3A_219 = arith.addi %mul3A_217, %add3A_218 : i32
      %dma_start3A_220 = arith.constant 2000 : i32
      %dma_start3A_221 = arith.constant 0 : i32
      %dma_start3A_222 = tpu.memref_slice %arg6[%dma_start3A_220, %dma_start3A_221] : memref<5000x8xf32, #tpu.memory_space<vmem>> -> memref<125x8xf32, #tpu.memory_space<vmem>>
      %dma_start3A_223 = arith.constant 0 : i32
      %dma_start3A_224 = tpu.memref_slice %arg5[%add3A_219, %dma_start3A_223] : memref<200x125xi32, #tpu.memory_space<vmem>> -> memref<1x125xi32, #tpu.memory_space<vmem>>
      %dma_start3A_225 = tpu.memref_squeeze %dma_start3A_224 : memref<1x125xi32, #tpu.memory_space<vmem>> -> memref<125xi32, #tpu.memory_space<vmem>>
      %dma_start3A_226 = arith.constant 0 : i32
      %dma_start3A_227 = arith.constant 0 : i32
      %dma_start3A_228 = tpu.memref_slice %arg3[%dma_start3A_226, %dma_start3A_227] : memref<800000x8xf32, #tpu.memory_space<hbm>> -> memref<800000x8xf32, #tpu.memory_space<hbm>>
      tpu.enqueue_indirect_dma source(%dma_start3A_228 : memref<800000x8xf32, #tpu.memory_space<hbm>>) target(%dma_start3A_222 : memref<125x8xf32, #tpu.memory_space<vmem>>) offsets(%dma_start3A_225 : memref<125xi32, #tpu.memory_space<vmem>>) semaphore(%arg7 : memref<!tpu.dma_semaphore, #tpu.memory_space<semaphore_mem>>)
      %mul3A_229 = arith.constant 40 : i32
      %mul3A_230 = arith.muli %scan3A_8, %mul3A_229 : i32
      %add3A_231 = arith.constant 17 : i32
      %add3A_232 = arith.addi %mul3A_230, %add3A_231 : i32
      %dma_start3A_233 = arith.constant 2125 : i32
      %dma_start3A_234 = arith.constant 0 : i32
      %dma_start3A_235 = tpu.memref_slice %arg6[%dma_start3A_233, %dma_start3A_234] : memref<5000x8xf32, #tpu.memory_space<vmem>> -> memref<125x8xf32, #tpu.memory_space<vmem>>
      %dma_start3A_236 = arith.constant 0 : i32
      %dma_start3A_237 = tpu.memref_slice %arg5[%add3A_232, %dma_start3A_236] : memref<200x125xi32, #tpu.memory_space<vmem>> -> memref<1x125xi32, #tpu.memory_space<vmem>>
      %dma_start3A_238 = tpu.memref_squeeze %dma_start3A_237 : memref<1x125xi32, #tpu.memory_space<vmem>> -> memref<125xi32, #tpu.memory_space<vmem>>
      %dma_start3A_239 = arith.constant 0 : i32
      %dma_start3A_240 = arith.constant 0 : i32
      %dma_start3A_241 = tpu.memref_slice %arg3[%dma_start3A_239, %dma_start3A_240] : memref<800000x8xf32, #tpu.memory_space<hbm>> -> memref<800000x8xf32, #tpu.memory_space<hbm>>
      tpu.enqueue_indirect_dma source(%dma_start3A_241 : memref<800000x8xf32, #tpu.memory_space<hbm>>) target(%dma_start3A_235 : memref<125x8xf32, #tpu.memory_space<vmem>>) offsets(%dma_start3A_238 : memref<125xi32, #tpu.memory_space<vmem>>) semaphore(%arg7 : memref<!tpu.dma_semaphore, #tpu.memory_space<semaphore_mem>>)
      %mul3A_242 = arith.constant 40 : i32
      %mul3A_243 = arith.muli %scan3A_8, %mul3A_242 : i32
      %add3A_244 = arith.constant 18 : i32
      %add3A_245 = arith.addi %mul3A_243, %add3A_244 : i32
      %dma_start3A_246 = arith.constant 2250 : i32
      %dma_start3A_247 = arith.constant 0 : i32
      %dma_start3A_248 = tpu.memref_slice %arg6[%dma_start3A_246, %dma_start3A_247] : memref<5000x8xf32, #tpu.memory_space<vmem>> -> memref<125x8xf32, #tpu.memory_space<vmem>>
      %dma_start3A_249 = arith.constant 0 : i32
      %dma_start3A_250 = tpu.memref_slice %arg5[%add3A_245, %dma_start3A_249] : memref<200x125xi32, #tpu.memory_space<vmem>> -> memref<1x125xi32, #tpu.memory_space<vmem>>
      %dma_start3A_251 = tpu.memref_squeeze %dma_start3A_250 : memref<1x125xi32, #tpu.memory_space<vmem>> -> memref<125xi32, #tpu.memory_space<vmem>>
      %dma_start3A_252 = arith.constant 0 : i32
      %dma_start3A_253 = arith.constant 0 : i32
      %dma_start3A_254 = tpu.memref_slice %arg3[%dma_start3A_252, %dma_start3A_253] : memref<800000x8xf32, #tpu.memory_space<hbm>> -> memref<800000x8xf32, #tpu.memory_space<hbm>>
      tpu.enqueue_indirect_dma source(%dma_start3A_254 : memref<800000x8xf32, #tpu.memory_space<hbm>>) target(%dma_start3A_248 : memref<125x8xf32, #tpu.memory_space<vmem>>) offsets(%dma_start3A_251 : memref<125xi32, #tpu.memory_space<vmem>>) semaphore(%arg7 : memref<!tpu.dma_semaphore, #tpu.memory_space<semaphore_mem>>)
      %mul3A_255 = arith.constant 40 : i32
      %mul3A_256 = arith.muli %scan3A_8, %mul3A_255 : i32
      %add3A_257 = arith.constant 19 : i32
      %add3A_258 = arith.addi %mul3A_256, %add3A_257 : i32
      %dma_start3A_259 = arith.constant 2375 : i32
      %dma_start3A_260 = arith.constant 0 : i32
      %dma_start3A_261 = tpu.memref_slice %arg6[%dma_start3A_259, %dma_start3A_260] : memref<5000x8xf32, #tpu.memory_space<vmem>> -> memref<125x8xf32, #tpu.memory_space<vmem>>
      %dma_start3A_262 = arith.constant 0 : i32
      %dma_start3A_263 = tpu.memref_slice %arg5[%add3A_258, %dma_start3A_262] : memref<200x125xi32, #tpu.memory_space<vmem>> -> memref<1x125xi32, #tpu.memory_space<vmem>>
      %dma_start3A_264 = tpu.memref_squeeze %dma_start3A_263 : memref<1x125xi32, #tpu.memory_space<vmem>> -> memref<125xi32, #tpu.memory_space<vmem>>
      %dma_start3A_265 = arith.constant 0 : i32
      %dma_start3A_266 = arith.constant 0 : i32
      %dma_start3A_267 = tpu.memref_slice %arg3[%dma_start3A_265, %dma_start3A_266] : memref<800000x8xf32, #tpu.memory_space<hbm>> -> memref<800000x8xf32, #tpu.memory_space<hbm>>
      tpu.enqueue_indirect_dma source(%dma_start3A_267 : memref<800000x8xf32, #tpu.memory_space<hbm>>) target(%dma_start3A_261 : memref<125x8xf32, #tpu.memory_space<vmem>>) offsets(%dma_start3A_264 : memref<125xi32, #tpu.memory_space<vmem>>) semaphore(%arg7 : memref<!tpu.dma_semaphore, #tpu.memory_space<semaphore_mem>>)
      %mul3A_268 = arith.constant 40 : i32
      %mul3A_269 = arith.muli %scan3A_8, %mul3A_268 : i32
      %add3A_270 = arith.constant 20 : i32
      %add3A_271 = arith.addi %mul3A_269, %add3A_270 : i32
      %dma_start3A_272 = arith.constant 2500 : i32
      %dma_start3A_273 = arith.constant 0 : i32
      %dma_start3A_274 = tpu.memref_slice %arg6[%dma_start3A_272, %dma_start3A_273] : memref<5000x8xf32, #tpu.memory_space<vmem>> -> memref<125x8xf32, #tpu.memory_space<vmem>>
      %dma_start3A_275 = arith.constant 0 : i32
      %dma_start3A_276 = tpu.memref_slice %arg5[%add3A_271, %dma_start3A_275] : memref<200x125xi32, #tpu.memory_space<vmem>> -> memref<1x125xi32, #tpu.memory_space<vmem>>
      %dma_start3A_277 = tpu.memref_squeeze %dma_start3A_276 : memref<1x125xi32, #tpu.memory_space<vmem>> -> memref<125xi32, #tpu.memory_space<vmem>>
      %dma_start3A_278 = arith.constant 0 : i32
      %dma_start3A_279 = arith.constant 0 : i32
      %dma_start3A_280 = tpu.memref_slice %arg3[%dma_start3A_278, %dma_start3A_279] : memref<800000x8xf32, #tpu.memory_space<hbm>> -> memref<800000x8xf32, #tpu.memory_space<hbm>>
      tpu.enqueue_indirect_dma source(%dma_start3A_280 : memref<800000x8xf32, #tpu.memory_space<hbm>>) target(%dma_start3A_274 : memref<125x8xf32, #tpu.memory_space<vmem>>) offsets(%dma_start3A_277 : memref<125xi32, #tpu.memory_space<vmem>>) semaphore(%arg7 : memref<!tpu.dma_semaphore, #tpu.memory_space<semaphore_mem>>)
      %mul3A_281 = arith.constant 40 : i32
      %mul3A_282 = arith.muli %scan3A_8, %mul3A_281 : i32
      %add3A_283 = arith.constant 21 : i32
      %add3A_284 = arith.addi %mul3A_282, %add3A_283 : i32
      %dma_start3A_285 = arith.constant 2625 : i32
      %dma_start3A_286 = arith.constant 0 : i32
      %dma_start3A_287 = tpu.memref_slice %arg6[%dma_start3A_285, %dma_start3A_286] : memref<5000x8xf32, #tpu.memory_space<vmem>> -> memref<125x8xf32, #tpu.memory_space<vmem>>
      %dma_start3A_288 = arith.constant 0 : i32
      %dma_start3A_289 = tpu.memref_slice %arg5[%add3A_284, %dma_start3A_288] : memref<200x125xi32, #tpu.memory_space<vmem>> -> memref<1x125xi32, #tpu.memory_space<vmem>>
      %dma_start3A_290 = tpu.memref_squeeze %dma_start3A_289 : memref<1x125xi32, #tpu.memory_space<vmem>> -> memref<125xi32, #tpu.memory_space<vmem>>
      %dma_start3A_291 = arith.constant 0 : i32
      %dma_start3A_292 = arith.constant 0 : i32
      %dma_start3A_293 = tpu.memref_slice %arg3[%dma_start3A_291, %dma_start3A_292] : memref<800000x8xf32, #tpu.memory_space<hbm>> -> memref<800000x8xf32, #tpu.memory_space<hbm>>
      tpu.enqueue_indirect_dma source(%dma_start3A_293 : memref<800000x8xf32, #tpu.memory_space<hbm>>) target(%dma_start3A_287 : memref<125x8xf32, #tpu.memory_space<vmem>>) offsets(%dma_start3A_290 : memref<125xi32, #tpu.memory_space<vmem>>) semaphore(%arg7 : memref<!tpu.dma_semaphore, #tpu.memory_space<semaphore_mem>>)
      %mul3A_294 = arith.constant 40 : i32
      %mul3A_295 = arith.muli %scan3A_8, %mul3A_294 : i32
      %add3A_296 = arith.constant 22 : i32
      %add3A_297 = arith.addi %mul3A_295, %add3A_296 : i32
      %dma_start3A_298 = arith.constant 2750 : i32
      %dma_start3A_299 = arith.constant 0 : i32
      %dma_start3A_300 = tpu.memref_slice %arg6[%dma_start3A_298, %dma_start3A_299] : memref<5000x8xf32, #tpu.memory_space<vmem>> -> memref<125x8xf32, #tpu.memory_space<vmem>>
      %dma_start3A_301 = arith.constant 0 : i32
      %dma_start3A_302 = tpu.memref_slice %arg5[%add3A_297, %dma_start3A_301] : memref<200x125xi32, #tpu.memory_space<vmem>> -> memref<1x125xi32, #tpu.memory_space<vmem>>
      %dma_start3A_303 = tpu.memref_squeeze %dma_start3A_302 : memref<1x125xi32, #tpu.memory_space<vmem>> -> memref<125xi32, #tpu.memory_space<vmem>>
      %dma_start3A_304 = arith.constant 0 : i32
      %dma_start3A_305 = arith.constant 0 : i32
      %dma_start3A_306 = tpu.memref_slice %arg3[%dma_start3A_304, %dma_start3A_305] : memref<800000x8xf32, #tpu.memory_space<hbm>> -> memref<800000x8xf32, #tpu.memory_space<hbm>>
      tpu.enqueue_indirect_dma source(%dma_start3A_306 : memref<800000x8xf32, #tpu.memory_space<hbm>>) target(%dma_start3A_300 : memref<125x8xf32, #tpu.memory_space<vmem>>) offsets(%dma_start3A_303 : memref<125xi32, #tpu.memory_space<vmem>>) semaphore(%arg7 : memref<!tpu.dma_semaphore, #tpu.memory_space<semaphore_mem>>)
      %mul3A_307 = arith.constant 40 : i32
      %mul3A_308 = arith.muli %scan3A_8, %mul3A_307 : i32
      %add3A_309 = arith.constant 23 : i32
      %add3A_310 = arith.addi %mul3A_308, %add3A_309 : i32
      %dma_start3A_311 = arith.constant 2875 : i32
      %dma_start3A_312 = arith.constant 0 : i32
      %dma_start3A_313 = tpu.memref_slice %arg6[%dma_start3A_311, %dma_start3A_312] : memref<5000x8xf32, #tpu.memory_space<vmem>> -> memref<125x8xf32, #tpu.memory_space<vmem>>
      %dma_start3A_314 = arith.constant 0 : i32
      %dma_start3A_315 = tpu.memref_slice %arg5[%add3A_310, %dma_start3A_314] : memref<200x125xi32, #tpu.memory_space<vmem>> -> memref<1x125xi32, #tpu.memory_space<vmem>>
      %dma_start3A_316 = tpu.memref_squeeze %dma_start3A_315 : memref<1x125xi32, #tpu.memory_space<vmem>> -> memref<125xi32, #tpu.memory_space<vmem>>
      %dma_start3A_317 = arith.constant 0 : i32
      %dma_start3A_318 = arith.constant 0 : i32
      %dma_start3A_319 = tpu.memref_slice %arg3[%dma_start3A_317, %dma_start3A_318] : memref<800000x8xf32, #tpu.memory_space<hbm>> -> memref<800000x8xf32, #tpu.memory_space<hbm>>
      tpu.enqueue_indirect_dma source(%dma_start3A_319 : memref<800000x8xf32, #tpu.memory_space<hbm>>) target(%dma_start3A_313 : memref<125x8xf32, #tpu.memory_space<vmem>>) offsets(%dma_start3A_316 : memref<125xi32, #tpu.memory_space<vmem>>) semaphore(%arg7 : memref<!tpu.dma_semaphore, #tpu.memory_space<semaphore_mem>>)
      %mul3A_320 = arith.constant 40 : i32
      %mul3A_321 = arith.muli %scan3A_8, %mul3A_320 : i32
      %add3A_322 = arith.constant 24 : i32
      %add3A_323 = arith.addi %mul3A_321, %add3A_322 : i32
      %dma_start3A_324 = arith.constant 3000 : i32
      %dma_start3A_325 = arith.constant 0 : i32
      %dma_start3A_326 = tpu.memref_slice %arg6[%dma_start3A_324, %dma_start3A_325] : memref<5000x8xf32, #tpu.memory_space<vmem>> -> memref<125x8xf32, #tpu.memory_space<vmem>>
      %dma_start3A_327 = arith.constant 0 : i32
      %dma_start3A_328 = tpu.memref_slice %arg5[%add3A_323, %dma_start3A_327] : memref<200x125xi32, #tpu.memory_space<vmem>> -> memref<1x125xi32, #tpu.memory_space<vmem>>
      %dma_start3A_329 = tpu.memref_squeeze %dma_start3A_328 : memref<1x125xi32, #tpu.memory_space<vmem>> -> memref<125xi32, #tpu.memory_space<vmem>>
      %dma_start3A_330 = arith.constant 0 : i32
      %dma_start3A_331 = arith.constant 0 : i32
      %dma_start3A_332 = tpu.memref_slice %arg3[%dma_start3A_330, %dma_start3A_331] : memref<800000x8xf32, #tpu.memory_space<hbm>> -> memref<800000x8xf32, #tpu.memory_space<hbm>>
      tpu.enqueue_indirect_dma source(%dma_start3A_332 : memref<800000x8xf32, #tpu.memory_space<hbm>>) target(%dma_start3A_326 : memref<125x8xf32, #tpu.memory_space<vmem>>) offsets(%dma_start3A_329 : memref<125xi32, #tpu.memory_space<vmem>>) semaphore(%arg7 : memref<!tpu.dma_semaphore, #tpu.memory_space<semaphore_mem>>)
      %mul3A_333 = arith.constant 40 : i32
      %mul3A_334 = arith.muli %scan3A_8, %mul3A_333 : i32
      %add3A_335 = arith.constant 25 : i32
      %add3A_336 = arith.addi %mul3A_334, %add3A_335 : i32
      %dma_start3A_337 = arith.constant 3125 : i32
      %dma_start3A_338 = arith.constant 0 : i32
      %dma_start3A_339 = tpu.memref_slice %arg6[%dma_start3A_337, %dma_start3A_338] : memref<5000x8xf32, #tpu.memory_space<vmem>> -> memref<125x8xf32, #tpu.memory_space<vmem>>
      %dma_start3A_340 = arith.constant 0 : i32
      %dma_start3A_341 = tpu.memref_slice %arg5[%add3A_336, %dma_start3A_340] : memref<200x125xi32, #tpu.memory_space<vmem>> -> memref<1x125xi32, #tpu.memory_space<vmem>>
      %dma_start3A_342 = tpu.memref_squeeze %dma_start3A_341 : memref<1x125xi32, #tpu.memory_space<vmem>> -> memref<125xi32, #tpu.memory_space<vmem>>
      %dma_start3A_343 = arith.constant 0 : i32
      %dma_start3A_344 = arith.constant 0 : i32
      %dma_start3A_345 = tpu.memref_slice %arg3[%dma_start3A_343, %dma_start3A_344] : memref<800000x8xf32, #tpu.memory_space<hbm>> -> memref<800000x8xf32, #tpu.memory_space<hbm>>
      tpu.enqueue_indirect_dma source(%dma_start3A_345 : memref<800000x8xf32, #tpu.memory_space<hbm>>) target(%dma_start3A_339 : memref<125x8xf32, #tpu.memory_space<vmem>>) offsets(%dma_start3A_342 : memref<125xi32, #tpu.memory_space<vmem>>) semaphore(%arg7 : memref<!tpu.dma_semaphore, #tpu.memory_space<semaphore_mem>>)
      %mul3A_346 = arith.constant 40 : i32
      %mul3A_347 = arith.muli %scan3A_8, %mul3A_346 : i32
      %add3A_348 = arith.constant 26 : i32
      %add3A_349 = arith.addi %mul3A_347, %add3A_348 : i32
      %dma_start3A_350 = arith.constant 3250 : i32
      %dma_start3A_351 = arith.constant 0 : i32
      %dma_start3A_352 = tpu.memref_slice %arg6[%dma_start3A_350, %dma_start3A_351] : memref<5000x8xf32, #tpu.memory_space<vmem>> -> memref<125x8xf32, #tpu.memory_space<vmem>>
      %dma_start3A_353 = arith.constant 0 : i32
      %dma_start3A_354 = tpu.memref_slice %arg5[%add3A_349, %dma_start3A_353] : memref<200x125xi32, #tpu.memory_space<vmem>> -> memref<1x125xi32, #tpu.memory_space<vmem>>
      %dma_start3A_355 = tpu.memref_squeeze %dma_start3A_354 : memref<1x125xi32, #tpu.memory_space<vmem>> -> memref<125xi32, #tpu.memory_space<vmem>>
      %dma_start3A_356 = arith.constant 0 : i32
      %dma_start3A_357 = arith.constant 0 : i32
      %dma_start3A_358 = tpu.memref_slice %arg3[%dma_start3A_356, %dma_start3A_357] : memref<800000x8xf32, #tpu.memory_space<hbm>> -> memref<800000x8xf32, #tpu.memory_space<hbm>>
      tpu.enqueue_indirect_dma source(%dma_start3A_358 : memref<800000x8xf32, #tpu.memory_space<hbm>>) target(%dma_start3A_352 : memref<125x8xf32, #tpu.memory_space<vmem>>) offsets(%dma_start3A_355 : memref<125xi32, #tpu.memory_space<vmem>>) semaphore(%arg7 : memref<!tpu.dma_semaphore, #tpu.memory_space<semaphore_mem>>)
      %mul3A_359 = arith.constant 40 : i32
      %mul3A_360 = arith.muli %scan3A_8, %mul3A_359 : i32
      %add3A_361 = arith.constant 27 : i32
      %add3A_362 = arith.addi %mul3A_360, %add3A_361 : i32
      %dma_start3A_363 = arith.constant 3375 : i32
      %dma_start3A_364 = arith.constant 0 : i32
      %dma_start3A_365 = tpu.memref_slice %arg6[%dma_start3A_363, %dma_start3A_364] : memref<5000x8xf32, #tpu.memory_space<vmem>> -> memref<125x8xf32, #tpu.memory_space<vmem>>
      %dma_start3A_366 = arith.constant 0 : i32
      %dma_start3A_367 = tpu.memref_slice %arg5[%add3A_362, %dma_start3A_366] : memref<200x125xi32, #tpu.memory_space<vmem>> -> memref<1x125xi32, #tpu.memory_space<vmem>>
      %dma_start3A_368 = tpu.memref_squeeze %dma_start3A_367 : memref<1x125xi32, #tpu.memory_space<vmem>> -> memref<125xi32, #tpu.memory_space<vmem>>
      %dma_start3A_369 = arith.constant 0 : i32
      %dma_start3A_370 = arith.constant 0 : i32
      %dma_start3A_371 = tpu.memref_slice %arg3[%dma_start3A_369, %dma_start3A_370] : memref<800000x8xf32, #tpu.memory_space<hbm>> -> memref<800000x8xf32, #tpu.memory_space<hbm>>
      tpu.enqueue_indirect_dma source(%dma_start3A_371 : memref<800000x8xf32, #tpu.memory_space<hbm>>) target(%dma_start3A_365 : memref<125x8xf32, #tpu.memory_space<vmem>>) offsets(%dma_start3A_368 : memref<125xi32, #tpu.memory_space<vmem>>) semaphore(%arg7 : memref<!tpu.dma_semaphore, #tpu.memory_space<semaphore_mem>>)
      %mul3A_372 = arith.constant 40 : i32
      %mul3A_373 = arith.muli %scan3A_8, %mul3A_372 : i32
      %add3A_374 = arith.constant 28 : i32
      %add3A_375 = arith.addi %mul3A_373, %add3A_374 : i32
      %dma_start3A_376 = arith.constant 3500 : i32
      %dma_start3A_377 = arith.constant 0 : i32
      %dma_start3A_378 = tpu.memref_slice %arg6[%dma_start3A_376, %dma_start3A_377] : memref<5000x8xf32, #tpu.memory_space<vmem>> -> memref<125x8xf32, #tpu.memory_space<vmem>>
      %dma_start3A_379 = arith.constant 0 : i32
      %dma_start3A_380 = tpu.memref_slice %arg5[%add3A_375, %dma_start3A_379] : memref<200x125xi32, #tpu.memory_space<vmem>> -> memref<1x125xi32, #tpu.memory_space<vmem>>
      %dma_start3A_381 = tpu.memref_squeeze %dma_start3A_380 : memref<1x125xi32, #tpu.memory_space<vmem>> -> memref<125xi32, #tpu.memory_space<vmem>>
      %dma_start3A_382 = arith.constant 0 : i32
      %dma_start3A_383 = arith.constant 0 : i32
      %dma_start3A_384 = tpu.memref_slice %arg3[%dma_start3A_382, %dma_start3A_383] : memref<800000x8xf32, #tpu.memory_space<hbm>> -> memref<800000x8xf32, #tpu.memory_space<hbm>>
      tpu.enqueue_indirect_dma source(%dma_start3A_384 : memref<800000x8xf32, #tpu.memory_space<hbm>>) target(%dma_start3A_378 : memref<125x8xf32, #tpu.memory_space<vmem>>) offsets(%dma_start3A_381 : memref<125xi32, #tpu.memory_space<vmem>>) semaphore(%arg7 : memref<!tpu.dma_semaphore, #tpu.memory_space<semaphore_mem>>)
      %mul3A_385 = arith.constant 40 : i32
      %mul3A_386 = arith.muli %scan3A_8, %mul3A_385 : i32
      %add3A_387 = arith.constant 29 : i32
      %add3A_388 = arith.addi %mul3A_386, %add3A_387 : i32
      %dma_start3A_389 = arith.constant 3625 : i32
      %dma_start3A_390 = arith.constant 0 : i32
      %dma_start3A_391 = tpu.memref_slice %arg6[%dma_start3A_389, %dma_start3A_390] : memref<5000x8xf32, #tpu.memory_space<vmem>> -> memref<125x8xf32, #tpu.memory_space<vmem>>
      %dma_start3A_392 = arith.constant 0 : i32
      %dma_start3A_393 = tpu.memref_slice %arg5[%add3A_388, %dma_start3A_392] : memref<200x125xi32, #tpu.memory_space<vmem>> -> memref<1x125xi32, #tpu.memory_space<vmem>>
      %dma_start3A_394 = tpu.memref_squeeze %dma_start3A_393 : memref<1x125xi32, #tpu.memory_space<vmem>> -> memref<125xi32, #tpu.memory_space<vmem>>
      %dma_start3A_395 = arith.constant 0 : i32
      %dma_start3A_396 = arith.constant 0 : i32
      %dma_start3A_397 = tpu.memref_slice %arg3[%dma_start3A_395, %dma_start3A_396] : memref<800000x8xf32, #tpu.memory_space<hbm>> -> memref<800000x8xf32, #tpu.memory_space<hbm>>
      tpu.enqueue_indirect_dma source(%dma_start3A_397 : memref<800000x8xf32, #tpu.memory_space<hbm>>) target(%dma_start3A_391 : memref<125x8xf32, #tpu.memory_space<vmem>>) offsets(%dma_start3A_394 : memref<125xi32, #tpu.memory_space<vmem>>) semaphore(%arg7 : memref<!tpu.dma_semaphore, #tpu.memory_space<semaphore_mem>>)
      %mul3A_398 = arith.constant 40 : i32
      %mul3A_399 = arith.muli %scan3A_8, %mul3A_398 : i32
      %add3A_400 = arith.constant 30 : i32
      %add3A_401 = arith.addi %mul3A_399, %add3A_400 : i32
      %dma_start3A_402 = arith.constant 3750 : i32
      %dma_start3A_403 = arith.constant 0 : i32
      %dma_start3A_404 = tpu.memref_slice %arg6[%dma_start3A_402, %dma_start3A_403] : memref<5000x8xf32, #tpu.memory_space<vmem>> -> memref<125x8xf32, #tpu.memory_space<vmem>>
      %dma_start3A_405 = arith.constant 0 : i32
      %dma_start3A_406 = tpu.memref_slice %arg5[%add3A_401, %dma_start3A_405] : memref<200x125xi32, #tpu.memory_space<vmem>> -> memref<1x125xi32, #tpu.memory_space<vmem>>
      %dma_start3A_407 = tpu.memref_squeeze %dma_start3A_406 : memref<1x125xi32, #tpu.memory_space<vmem>> -> memref<125xi32, #tpu.memory_space<vmem>>
      %dma_start3A_408 = arith.constant 0 : i32
      %dma_start3A_409 = arith.constant 0 : i32
      %dma_start3A_410 = tpu.memref_slice %arg3[%dma_start3A_408, %dma_start3A_409] : memref<800000x8xf32, #tpu.memory_space<hbm>> -> memref<800000x8xf32, #tpu.memory_space<hbm>>
      tpu.enqueue_indirect_dma source(%dma_start3A_410 : memref<800000x8xf32, #tpu.memory_space<hbm>>) target(%dma_start3A_404 : memref<125x8xf32, #tpu.memory_space<vmem>>) offsets(%dma_start3A_407 : memref<125xi32, #tpu.memory_space<vmem>>) semaphore(%arg7 : memref<!tpu.dma_semaphore, #tpu.memory_space<semaphore_mem>>)
      %mul3A_411 = arith.constant 40 : i32
      %mul3A_412 = arith.muli %scan3A_8, %mul3A_411 : i32
      %add3A_413 = arith.constant 31 : i32
      %add3A_414 = arith.addi %mul3A_412, %add3A_413 : i32
      %dma_start3A_415 = arith.constant 3875 : i32
      %dma_start3A_416 = arith.constant 0 : i32
      %dma_start3A_417 = tpu.memref_slice %arg6[%dma_start3A_415, %dma_start3A_416] : memref<5000x8xf32, #tpu.memory_space<vmem>> -> memref<125x8xf32, #tpu.memory_space<vmem>>
      %dma_start3A_418 = arith.constant 0 : i32
      %dma_start3A_419 = tpu.memref_slice %arg5[%add3A_414, %dma_start3A_418] : memref<200x125xi32, #tpu.memory_space<vmem>> -> memref<1x125xi32, #tpu.memory_space<vmem>>
      %dma_start3A_420 = tpu.memref_squeeze %dma_start3A_419 : memref<1x125xi32, #tpu.memory_space<vmem>> -> memref<125xi32, #tpu.memory_space<vmem>>
      %dma_start3A_421 = arith.constant 0 : i32
      %dma_start3A_422 = arith.constant 0 : i32
      %dma_start3A_423 = tpu.memref_slice %arg3[%dma_start3A_421, %dma_start3A_422] : memref<800000x8xf32, #tpu.memory_space<hbm>> -> memref<800000x8xf32, #tpu.memory_space<hbm>>
      tpu.enqueue_indirect_dma source(%dma_start3A_423 : memref<800000x8xf32, #tpu.memory_space<hbm>>) target(%dma_start3A_417 : memref<125x8xf32, #tpu.memory_space<vmem>>) offsets(%dma_start3A_420 : memref<125xi32, #tpu.memory_space<vmem>>) semaphore(%arg7 : memref<!tpu.dma_semaphore, #tpu.memory_space<semaphore_mem>>)
      %mul3A_424 = arith.constant 40 : i32
      %mul3A_425 = arith.muli %scan3A_8, %mul3A_424 : i32
      %add3A_426 = arith.constant 32 : i32
      %add3A_427 = arith.addi %mul3A_425, %add3A_426 : i32
      %dma_start3A_428 = arith.constant 4000 : i32
      %dma_start3A_429 = arith.constant 0 : i32
      %dma_start3A_430 = tpu.memref_slice %arg6[%dma_start3A_428, %dma_start3A_429] : memref<5000x8xf32, #tpu.memory_space<vmem>> -> memref<125x8xf32, #tpu.memory_space<vmem>>
      %dma_start3A_431 = arith.constant 0 : i32
      %dma_start3A_432 = tpu.memref_slice %arg5[%add3A_427, %dma_start3A_431] : memref<200x125xi32, #tpu.memory_space<vmem>> -> memref<1x125xi32, #tpu.memory_space<vmem>>
      %dma_start3A_433 = tpu.memref_squeeze %dma_start3A_432 : memref<1x125xi32, #tpu.memory_space<vmem>> -> memref<125xi32, #tpu.memory_space<vmem>>
      %dma_start3A_434 = arith.constant 0 : i32
      %dma_start3A_435 = arith.constant 0 : i32
      %dma_start3A_436 = tpu.memref_slice %arg3[%dma_start3A_434, %dma_start3A_435] : memref<800000x8xf32, #tpu.memory_space<hbm>> -> memref<800000x8xf32, #tpu.memory_space<hbm>>
      tpu.enqueue_indirect_dma source(%dma_start3A_436 : memref<800000x8xf32, #tpu.memory_space<hbm>>) target(%dma_start3A_430 : memref<125x8xf32, #tpu.memory_space<vmem>>) offsets(%dma_start3A_433 : memref<125xi32, #tpu.memory_space<vmem>>) semaphore(%arg7 : memref<!tpu.dma_semaphore, #tpu.memory_space<semaphore_mem>>)
      %mul3A_437 = arith.constant 40 : i32
      %mul3A_438 = arith.muli %scan3A_8, %mul3A_437 : i32
      %add3A_439 = arith.constant 33 : i32
      %add3A_440 = arith.addi %mul3A_438, %add3A_439 : i32
      %dma_start3A_441 = arith.constant 4125 : i32
      %dma_start3A_442 = arith.constant 0 : i32
      %dma_start3A_443 = tpu.memref_slice %arg6[%dma_start3A_441, %dma_start3A_442] : memref<5000x8xf32, #tpu.memory_space<vmem>> -> memref<125x8xf32, #tpu.memory_space<vmem>>
      %dma_start3A_444 = arith.constant 0 : i32
      %dma_start3A_445 = tpu.memref_slice %arg5[%add3A_440, %dma_start3A_444] : memref<200x125xi32, #tpu.memory_space<vmem>> -> memref<1x125xi32, #tpu.memory_space<vmem>>
      %dma_start3A_446 = tpu.memref_squeeze %dma_start3A_445 : memref<1x125xi32, #tpu.memory_space<vmem>> -> memref<125xi32, #tpu.memory_space<vmem>>
      %dma_start3A_447 = arith.constant 0 : i32
      %dma_start3A_448 = arith.constant 0 : i32
      %dma_start3A_449 = tpu.memref_slice %arg3[%dma_start3A_447, %dma_start3A_448] : memref<800000x8xf32, #tpu.memory_space<hbm>> -> memref<800000x8xf32, #tpu.memory_space<hbm>>
      tpu.enqueue_indirect_dma source(%dma_start3A_449 : memref<800000x8xf32, #tpu.memory_space<hbm>>) target(%dma_start3A_443 : memref<125x8xf32, #tpu.memory_space<vmem>>) offsets(%dma_start3A_446 : memref<125xi32, #tpu.memory_space<vmem>>) semaphore(%arg7 : memref<!tpu.dma_semaphore, #tpu.memory_space<semaphore_mem>>)
      %mul3A_450 = arith.constant 40 : i32
      %mul3A_451 = arith.muli %scan3A_8, %mul3A_450 : i32
      %add3A_452 = arith.constant 34 : i32
      %add3A_453 = arith.addi %mul3A_451, %add3A_452 : i32
      %dma_start3A_454 = arith.constant 4250 : i32
      %dma_start3A_455 = arith.constant 0 : i32
      %dma_start3A_456 = tpu.memref_slice %arg6[%dma_start3A_454, %dma_start3A_455] : memref<5000x8xf32, #tpu.memory_space<vmem>> -> memref<125x8xf32, #tpu.memory_space<vmem>>
      %dma_start3A_457 = arith.constant 0 : i32
      %dma_start3A_458 = tpu.memref_slice %arg5[%add3A_453, %dma_start3A_457] : memref<200x125xi32, #tpu.memory_space<vmem>> -> memref<1x125xi32, #tpu.memory_space<vmem>>
      %dma_start3A_459 = tpu.memref_squeeze %dma_start3A_458 : memref<1x125xi32, #tpu.memory_space<vmem>> -> memref<125xi32, #tpu.memory_space<vmem>>
      %dma_start3A_460 = arith.constant 0 : i32
      %dma_start3A_461 = arith.constant 0 : i32
      %dma_start3A_462 = tpu.memref_slice %arg3[%dma_start3A_460, %dma_start3A_461] : memref<800000x8xf32, #tpu.memory_space<hbm>> -> memref<800000x8xf32, #tpu.memory_space<hbm>>
      tpu.enqueue_indirect_dma source(%dma_start3A_462 : memref<800000x8xf32, #tpu.memory_space<hbm>>) target(%dma_start3A_456 : memref<125x8xf32, #tpu.memory_space<vmem>>) offsets(%dma_start3A_459 : memref<125xi32, #tpu.memory_space<vmem>>) semaphore(%arg7 : memref<!tpu.dma_semaphore, #tpu.memory_space<semaphore_mem>>)
      %mul3A_463 = arith.constant 40 : i32
      %mul3A_464 = arith.muli %scan3A_8, %mul3A_463 : i32
      %add3A_465 = arith.constant 35 : i32
      %add3A_466 = arith.addi %mul3A_464, %add3A_465 : i32
      %dma_start3A_467 = arith.constant 4375 : i32
      %dma_start3A_468 = arith.constant 0 : i32
      %dma_start3A_469 = tpu.memref_slice %arg6[%dma_start3A_467, %dma_start3A_468] : memref<5000x8xf32, #tpu.memory_space<vmem>> -> memref<125x8xf32, #tpu.memory_space<vmem>>
      %dma_start3A_470 = arith.constant 0 : i32
      %dma_start3A_471 = tpu.memref_slice %arg5[%add3A_466, %dma_start3A_470] : memref<200x125xi32, #tpu.memory_space<vmem>> -> memref<1x125xi32, #tpu.memory_space<vmem>>
      %dma_start3A_472 = tpu.memref_squeeze %dma_start3A_471 : memref<1x125xi32, #tpu.memory_space<vmem>> -> memref<125xi32, #tpu.memory_space<vmem>>
      %dma_start3A_473 = arith.constant 0 : i32
      %dma_start3A_474 = arith.constant 0 : i32
      %dma_start3A_475 = tpu.memref_slice %arg3[%dma_start3A_473, %dma_start3A_474] : memref<800000x8xf32, #tpu.memory_space<hbm>> -> memref<800000x8xf32, #tpu.memory_space<hbm>>
      tpu.enqueue_indirect_dma source(%dma_start3A_475 : memref<800000x8xf32, #tpu.memory_space<hbm>>) target(%dma_start3A_469 : memref<125x8xf32, #tpu.memory_space<vmem>>) offsets(%dma_start3A_472 : memref<125xi32, #tpu.memory_space<vmem>>) semaphore(%arg7 : memref<!tpu.dma_semaphore, #tpu.memory_space<semaphore_mem>>)
      %mul3A_476 = arith.constant 40 : i32
      %mul3A_477 = arith.muli %scan3A_8, %mul3A_476 : i32
      %add3A_478 = arith.constant 36 : i32
      %add3A_479 = arith.addi %mul3A_477, %add3A_478 : i32
      %dma_start3A_480 = arith.constant 4500 : i32
      %dma_start3A_481 = arith.constant 0 : i32
      %dma_start3A_482 = tpu.memref_slice %arg6[%dma_start3A_480, %dma_start3A_481] : memref<5000x8xf32, #tpu.memory_space<vmem>> -> memref<125x8xf32, #tpu.memory_space<vmem>>
      %dma_start3A_483 = arith.constant 0 : i32
      %dma_start3A_484 = tpu.memref_slice %arg5[%add3A_479, %dma_start3A_483] : memref<200x125xi32, #tpu.memory_space<vmem>> -> memref<1x125xi32, #tpu.memory_space<vmem>>
      %dma_start3A_485 = tpu.memref_squeeze %dma_start3A_484 : memref<1x125xi32, #tpu.memory_space<vmem>> -> memref<125xi32, #tpu.memory_space<vmem>>
      %dma_start3A_486 = arith.constant 0 : i32
      %dma_start3A_487 = arith.constant 0 : i32
      %dma_start3A_488 = tpu.memref_slice %arg3[%dma_start3A_486, %dma_start3A_487] : memref<800000x8xf32, #tpu.memory_space<hbm>> -> memref<800000x8xf32, #tpu.memory_space<hbm>>
      tpu.enqueue_indirect_dma source(%dma_start3A_488 : memref<800000x8xf32, #tpu.memory_space<hbm>>) target(%dma_start3A_482 : memref<125x8xf32, #tpu.memory_space<vmem>>) offsets(%dma_start3A_485 : memref<125xi32, #tpu.memory_space<vmem>>) semaphore(%arg7 : memref<!tpu.dma_semaphore, #tpu.memory_space<semaphore_mem>>)
      %mul3A_489 = arith.constant 40 : i32
      %mul3A_490 = arith.muli %scan3A_8, %mul3A_489 : i32
      %add3A_491 = arith.constant 37 : i32
      %add3A_492 = arith.addi %mul3A_490, %add3A_491 : i32
      %dma_start3A_493 = arith.constant 4625 : i32
      %dma_start3A_494 = arith.constant 0 : i32
      %dma_start3A_495 = tpu.memref_slice %arg6[%dma_start3A_493, %dma_start3A_494] : memref<5000x8xf32, #tpu.memory_space<vmem>> -> memref<125x8xf32, #tpu.memory_space<vmem>>
      %dma_start3A_496 = arith.constant 0 : i32
      %dma_start3A_497 = tpu.memref_slice %arg5[%add3A_492, %dma_start3A_496] : memref<200x125xi32, #tpu.memory_space<vmem>> -> memref<1x125xi32, #tpu.memory_space<vmem>>
      %dma_start3A_498 = tpu.memref_squeeze %dma_start3A_497 : memref<1x125xi32, #tpu.memory_space<vmem>> -> memref<125xi32, #tpu.memory_space<vmem>>
      %dma_start3A_499 = arith.constant 0 : i32
      %dma_start3A_500 = arith.constant 0 : i32
      %dma_start3A_501 = tpu.memref_slice %arg3[%dma_start3A_499, %dma_start3A_500] : memref<800000x8xf32, #tpu.memory_space<hbm>> -> memref<800000x8xf32, #tpu.memory_space<hbm>>
      tpu.enqueue_indirect_dma source(%dma_start3A_501 : memref<800000x8xf32, #tpu.memory_space<hbm>>) target(%dma_start3A_495 : memref<125x8xf32, #tpu.memory_space<vmem>>) offsets(%dma_start3A_498 : memref<125xi32, #tpu.memory_space<vmem>>) semaphore(%arg7 : memref<!tpu.dma_semaphore, #tpu.memory_space<semaphore_mem>>)
      %mul3A_502 = arith.constant 40 : i32
      %mul3A_503 = arith.muli %scan3A_8, %mul3A_502 : i32
      %add3A_504 = arith.constant 38 : i32
      %add3A_505 = arith.addi %mul3A_503, %add3A_504 : i32
      %dma_start3A_506 = arith.constant 4750 : i32
      %dma_start3A_507 = arith.constant 0 : i32
      %dma_start3A_508 = tpu.memref_slice %arg6[%dma_start3A_506, %dma_start3A_507] : memref<5000x8xf32, #tpu.memory_space<vmem>> -> memref<125x8xf32, #tpu.memory_space<vmem>>
      %dma_start3A_509 = arith.constant 0 : i32
      %dma_start3A_510 = tpu.memref_slice %arg5[%add3A_505, %dma_start3A_509] : memref<200x125xi32, #tpu.memory_space<vmem>> -> memref<1x125xi32, #tpu.memory_space<vmem>>
      %dma_start3A_511 = tpu.memref_squeeze %dma_start3A_510 : memref<1x125xi32, #tpu.memory_space<vmem>> -> memref<125xi32, #tpu.memory_space<vmem>>
      %dma_start3A_512 = arith.constant 0 : i32
      %dma_start3A_513 = arith.constant 0 : i32
      %dma_start3A_514 = tpu.memref_slice %arg3[%dma_start3A_512, %dma_start3A_513] : memref<800000x8xf32, #tpu.memory_space<hbm>> -> memref<800000x8xf32, #tpu.memory_space<hbm>>
      tpu.enqueue_indirect_dma source(%dma_start3A_514 : memref<800000x8xf32, #tpu.memory_space<hbm>>) target(%dma_start3A_508 : memref<125x8xf32, #tpu.memory_space<vmem>>) offsets(%dma_start3A_511 : memref<125xi32, #tpu.memory_space<vmem>>) semaphore(%arg7 : memref<!tpu.dma_semaphore, #tpu.memory_space<semaphore_mem>>)
      %mul3A_515 = arith.constant 40 : i32
      %mul3A_516 = arith.muli %scan3A_8, %mul3A_515 : i32
      %add3A_517 = arith.constant 39 : i32
      %add3A_518 = arith.addi %mul3A_516, %add3A_517 : i32
      %dma_start3A_519 = arith.constant 4875 : i32
      %dma_start3A_520 = arith.constant 0 : i32
      %dma_start3A_521 = tpu.memref_slice %arg6[%dma_start3A_519, %dma_start3A_520] : memref<5000x8xf32, #tpu.memory_space<vmem>> -> memref<125x8xf32, #tpu.memory_space<vmem>>
      %dma_start3A_522 = arith.constant 0 : i32
      %dma_start3A_523 = tpu.memref_slice %arg5[%add3A_518, %dma_start3A_522] : memref<200x125xi32, #tpu.memory_space<vmem>> -> memref<1x125xi32, #tpu.memory_space<vmem>>
      %dma_start3A_524 = tpu.memref_squeeze %dma_start3A_523 : memref<1x125xi32, #tpu.memory_space<vmem>> -> memref<125xi32, #tpu.memory_space<vmem>>
      %dma_start3A_525 = arith.constant 0 : i32
      %dma_start3A_526 = arith.constant 0 : i32
      %dma_start3A_527 = tpu.memref_slice %arg3[%dma_start3A_525, %dma_start3A_526] : memref<800000x8xf32, #tpu.memory_space<hbm>> -> memref<800000x8xf32, #tpu.memory_space<hbm>>
      tpu.enqueue_indirect_dma source(%dma_start3A_527 : memref<800000x8xf32, #tpu.memory_space<hbm>>) target(%dma_start3A_521 : memref<125x8xf32, #tpu.memory_space<vmem>>) offsets(%dma_start3A_524 : memref<125xi32, #tpu.memory_space<vmem>>) semaphore(%arg7 : memref<!tpu.dma_semaphore, #tpu.memory_space<semaphore_mem>>)
      %mul3A_528 = arith.constant 40 : i32
      %mul3A_529 = arith.muli %scan3A_8, %mul3A_528 : i32
      %add3A_530 = arith.constant 0 : i32
      %add3A_531 = arith.addi %mul3A_529, %add3A_530 : i32
      %dma_wait3A = arith.constant 0 : i32
      %dma_wait3A_532 = arith.constant 0 : i32
      %dma_wait3A_533 = tpu.memref_slice %arg6[%dma_wait3A, %dma_wait3A_532] : memref<5000x8xf32, #tpu.memory_space<vmem>> -> memref<125x8xf32, #tpu.memory_space<vmem>>
      %dma_wait3A_534 = arith.constant 0 : i32
      %dma_wait3A_535 = tpu.memref_slice %arg5[%add3A_531, %dma_wait3A_534] : memref<200x125xi32, #tpu.memory_space<vmem>> -> memref<1x125xi32, #tpu.memory_space<vmem>>
      %dma_wait3A_536 = tpu.memref_squeeze %dma_wait3A_535 : memref<1x125xi32, #tpu.memory_space<vmem>> -> memref<125xi32, #tpu.memory_space<vmem>>
      %dma_wait3A_537 = arith.constant 0 : i32
      %dma_wait3A_538 = arith.constant 0 : i32
      %dma_wait3A_539 = tpu.memref_slice %arg3[%dma_wait3A_537, %dma_wait3A_538] : memref<800000x8xf32, #tpu.memory_space<hbm>> -> memref<800000x8xf32, #tpu.memory_space<hbm>>
      tpu.wait_indirect_dma semaphore(%arg7 : memref<!tpu.dma_semaphore, #tpu.memory_space<semaphore_mem>>) src(%dma_wait3A_539 : memref<800000x8xf32, #tpu.memory_space<hbm>>) dst(%dma_wait3A_533 : memref<125x8xf32, #tpu.memory_space<vmem>>)
      %mul3A_540 = arith.constant 40 : i32
      %mul3A_541 = arith.muli %scan3A_8, %mul3A_540 : i32
      %add3A_542 = arith.constant 1 : i32
      %add3A_543 = arith.addi %mul3A_541, %add3A_542 : i32
      %dma_wait3A_544 = arith.constant 125 : i32
      %dma_wait3A_545 = arith.constant 0 : i32
      %dma_wait3A_546 = tpu.memref_slice %arg6[%dma_wait3A_544, %dma_wait3A_545] : memref<5000x8xf32, #tpu.memory_space<vmem>> -> memref<125x8xf32, #tpu.memory_space<vmem>>
      %dma_wait3A_547 = arith.constant 0 : i32
      %dma_wait3A_548 = tpu.memref_slice %arg5[%add3A_543, %dma_wait3A_547] : memref<200x125xi32, #tpu.memory_space<vmem>> -> memref<1x125xi32, #tpu.memory_space<vmem>>
      %dma_wait3A_549 = tpu.memref_squeeze %dma_wait3A_548 : memref<1x125xi32, #tpu.memory_space<vmem>> -> memref<125xi32, #tpu.memory_space<vmem>>
      %dma_wait3A_550 = arith.constant 0 : i32
      %dma_wait3A_551 = arith.constant 0 : i32
      %dma_wait3A_552 = tpu.memref_slice %arg3[%dma_wait3A_550, %dma_wait3A_551] : memref<800000x8xf32, #tpu.memory_space<hbm>> -> memref<800000x8xf32, #tpu.memory_space<hbm>>
      tpu.wait_indirect_dma semaphore(%arg7 : memref<!tpu.dma_semaphore, #tpu.memory_space<semaphore_mem>>) src(%dma_wait3A_552 : memref<800000x8xf32, #tpu.memory_space<hbm>>) dst(%dma_wait3A_546 : memref<125x8xf32, #tpu.memory_space<vmem>>)
      %mul3A_553 = arith.constant 40 : i32
      %mul3A_554 = arith.muli %scan3A_8, %mul3A_553 : i32
      %add3A_555 = arith.constant 2 : i32
      %add3A_556 = arith.addi %mul3A_554, %add3A_555 : i32
      %dma_wait3A_557 = arith.constant 250 : i32
      %dma_wait3A_558 = arith.constant 0 : i32
      %dma_wait3A_559 = tpu.memref_slice %arg6[%dma_wait3A_557, %dma_wait3A_558] : memref<5000x8xf32, #tpu.memory_space<vmem>> -> memref<125x8xf32, #tpu.memory_space<vmem>>
      %dma_wait3A_560 = arith.constant 0 : i32
      %dma_wait3A_561 = tpu.memref_slice %arg5[%add3A_556, %dma_wait3A_560] : memref<200x125xi32, #tpu.memory_space<vmem>> -> memref<1x125xi32, #tpu.memory_space<vmem>>
      %dma_wait3A_562 = tpu.memref_squeeze %dma_wait3A_561 : memref<1x125xi32, #tpu.memory_space<vmem>> -> memref<125xi32, #tpu.memory_space<vmem>>
      %dma_wait3A_563 = arith.constant 0 : i32
      %dma_wait3A_564 = arith.constant 0 : i32
      %dma_wait3A_565 = tpu.memref_slice %arg3[%dma_wait3A_563, %dma_wait3A_564] : memref<800000x8xf32, #tpu.memory_space<hbm>> -> memref<800000x8xf32, #tpu.memory_space<hbm>>
      tpu.wait_indirect_dma semaphore(%arg7 : memref<!tpu.dma_semaphore, #tpu.memory_space<semaphore_mem>>) src(%dma_wait3A_565 : memref<800000x8xf32, #tpu.memory_space<hbm>>) dst(%dma_wait3A_559 : memref<125x8xf32, #tpu.memory_space<vmem>>)
      %mul3A_566 = arith.constant 40 : i32
      %mul3A_567 = arith.muli %scan3A_8, %mul3A_566 : i32
      %add3A_568 = arith.constant 3 : i32
      %add3A_569 = arith.addi %mul3A_567, %add3A_568 : i32
      %dma_wait3A_570 = arith.constant 375 : i32
      %dma_wait3A_571 = arith.constant 0 : i32
      %dma_wait3A_572 = tpu.memref_slice %arg6[%dma_wait3A_570, %dma_wait3A_571] : memref<5000x8xf32, #tpu.memory_space<vmem>> -> memref<125x8xf32, #tpu.memory_space<vmem>>
      %dma_wait3A_573 = arith.constant 0 : i32
      %dma_wait3A_574 = tpu.memref_slice %arg5[%add3A_569, %dma_wait3A_573] : memref<200x125xi32, #tpu.memory_space<vmem>> -> memref<1x125xi32, #tpu.memory_space<vmem>>
      %dma_wait3A_575 = tpu.memref_squeeze %dma_wait3A_574 : memref<1x125xi32, #tpu.memory_space<vmem>> -> memref<125xi32, #tpu.memory_space<vmem>>
      %dma_wait3A_576 = arith.constant 0 : i32
      %dma_wait3A_577 = arith.constant 0 : i32
      %dma_wait3A_578 = tpu.memref_slice %arg3[%dma_wait3A_576, %dma_wait3A_577] : memref<800000x8xf32, #tpu.memory_space<hbm>> -> memref<800000x8xf32, #tpu.memory_space<hbm>>
      tpu.wait_indirect_dma semaphore(%arg7 : memref<!tpu.dma_semaphore, #tpu.memory_space<semaphore_mem>>) src(%dma_wait3A_578 : memref<800000x8xf32, #tpu.memory_space<hbm>>) dst(%dma_wait3A_572 : memref<125x8xf32, #tpu.memory_space<vmem>>)
      %mul3A_579 = arith.constant 40 : i32
      %mul3A_580 = arith.muli %scan3A_8, %mul3A_579 : i32
      %add3A_581 = arith.constant 4 : i32
      %add3A_582 = arith.addi %mul3A_580, %add3A_581 : i32
      %dma_wait3A_583 = arith.constant 500 : i32
      %dma_wait3A_584 = arith.constant 0 : i32
      %dma_wait3A_585 = tpu.memref_slice %arg6[%dma_wait3A_583, %dma_wait3A_584] : memref<5000x8xf32, #tpu.memory_space<vmem>> -> memref<125x8xf32, #tpu.memory_space<vmem>>
      %dma_wait3A_586 = arith.constant 0 : i32
      %dma_wait3A_587 = tpu.memref_slice %arg5[%add3A_582, %dma_wait3A_586] : memref<200x125xi32, #tpu.memory_space<vmem>> -> memref<1x125xi32, #tpu.memory_space<vmem>>
      %dma_wait3A_588 = tpu.memref_squeeze %dma_wait3A_587 : memref<1x125xi32, #tpu.memory_space<vmem>> -> memref<125xi32, #tpu.memory_space<vmem>>
      %dma_wait3A_589 = arith.constant 0 : i32
      %dma_wait3A_590 = arith.constant 0 : i32
      %dma_wait3A_591 = tpu.memref_slice %arg3[%dma_wait3A_589, %dma_wait3A_590] : memref<800000x8xf32, #tpu.memory_space<hbm>> -> memref<800000x8xf32, #tpu.memory_space<hbm>>
      tpu.wait_indirect_dma semaphore(%arg7 : memref<!tpu.dma_semaphore, #tpu.memory_space<semaphore_mem>>) src(%dma_wait3A_591 : memref<800000x8xf32, #tpu.memory_space<hbm>>) dst(%dma_wait3A_585 : memref<125x8xf32, #tpu.memory_space<vmem>>)
      %mul3A_592 = arith.constant 40 : i32
      %mul3A_593 = arith.muli %scan3A_8, %mul3A_592 : i32
      %add3A_594 = arith.constant 5 : i32
      %add3A_595 = arith.addi %mul3A_593, %add3A_594 : i32
      %dma_wait3A_596 = arith.constant 625 : i32
      %dma_wait3A_597 = arith.constant 0 : i32
      %dma_wait3A_598 = tpu.memref_slice %arg6[%dma_wait3A_596, %dma_wait3A_597] : memref<5000x8xf32, #tpu.memory_space<vmem>> -> memref<125x8xf32, #tpu.memory_space<vmem>>
      %dma_wait3A_599 = arith.constant 0 : i32
      %dma_wait3A_600 = tpu.memref_slice %arg5[%add3A_595, %dma_wait3A_599] : memref<200x125xi32, #tpu.memory_space<vmem>> -> memref<1x125xi32, #tpu.memory_space<vmem>>
      %dma_wait3A_601 = tpu.memref_squeeze %dma_wait3A_600 : memref<1x125xi32, #tpu.memory_space<vmem>> -> memref<125xi32, #tpu.memory_space<vmem>>
      %dma_wait3A_602 = arith.constant 0 : i32
      %dma_wait3A_603 = arith.constant 0 : i32
      %dma_wait3A_604 = tpu.memref_slice %arg3[%dma_wait3A_602, %dma_wait3A_603] : memref<800000x8xf32, #tpu.memory_space<hbm>> -> memref<800000x8xf32, #tpu.memory_space<hbm>>
      tpu.wait_indirect_dma semaphore(%arg7 : memref<!tpu.dma_semaphore, #tpu.memory_space<semaphore_mem>>) src(%dma_wait3A_604 : memref<800000x8xf32, #tpu.memory_space<hbm>>) dst(%dma_wait3A_598 : memref<125x8xf32, #tpu.memory_space<vmem>>)
      %mul3A_605 = arith.constant 40 : i32
      %mul3A_606 = arith.muli %scan3A_8, %mul3A_605 : i32
      %add3A_607 = arith.constant 6 : i32
      %add3A_608 = arith.addi %mul3A_606, %add3A_607 : i32
      %dma_wait3A_609 = arith.constant 750 : i32
      %dma_wait3A_610 = arith.constant 0 : i32
      %dma_wait3A_611 = tpu.memref_slice %arg6[%dma_wait3A_609, %dma_wait3A_610] : memref<5000x8xf32, #tpu.memory_space<vmem>> -> memref<125x8xf32, #tpu.memory_space<vmem>>
      %dma_wait3A_612 = arith.constant 0 : i32
      %dma_wait3A_613 = tpu.memref_slice %arg5[%add3A_608, %dma_wait3A_612] : memref<200x125xi32, #tpu.memory_space<vmem>> -> memref<1x125xi32, #tpu.memory_space<vmem>>
      %dma_wait3A_614 = tpu.memref_squeeze %dma_wait3A_613 : memref<1x125xi32, #tpu.memory_space<vmem>> -> memref<125xi32, #tpu.memory_space<vmem>>
      %dma_wait3A_615 = arith.constant 0 : i32
      %dma_wait3A_616 = arith.constant 0 : i32
      %dma_wait3A_617 = tpu.memref_slice %arg3[%dma_wait3A_615, %dma_wait3A_616] : memref<800000x8xf32, #tpu.memory_space<hbm>> -> memref<800000x8xf32, #tpu.memory_space<hbm>>
      tpu.wait_indirect_dma semaphore(%arg7 : memref<!tpu.dma_semaphore, #tpu.memory_space<semaphore_mem>>) src(%dma_wait3A_617 : memref<800000x8xf32, #tpu.memory_space<hbm>>) dst(%dma_wait3A_611 : memref<125x8xf32, #tpu.memory_space<vmem>>)
      %mul3A_618 = arith.constant 40 : i32
      %mul3A_619 = arith.muli %scan3A_8, %mul3A_618 : i32
      %add3A_620 = arith.constant 7 : i32
      %add3A_621 = arith.addi %mul3A_619, %add3A_620 : i32
      %dma_wait3A_622 = arith.constant 875 : i32
      %dma_wait3A_623 = arith.constant 0 : i32
      %dma_wait3A_624 = tpu.memref_slice %arg6[%dma_wait3A_622, %dma_wait3A_623] : memref<5000x8xf32, #tpu.memory_space<vmem>> -> memref<125x8xf32, #tpu.memory_space<vmem>>
      %dma_wait3A_625 = arith.constant 0 : i32
      %dma_wait3A_626 = tpu.memref_slice %arg5[%add3A_621, %dma_wait3A_625] : memref<200x125xi32, #tpu.memory_space<vmem>> -> memref<1x125xi32, #tpu.memory_space<vmem>>
      %dma_wait3A_627 = tpu.memref_squeeze %dma_wait3A_626 : memref<1x125xi32, #tpu.memory_space<vmem>> -> memref<125xi32, #tpu.memory_space<vmem>>
      %dma_wait3A_628 = arith.constant 0 : i32
      %dma_wait3A_629 = arith.constant 0 : i32
      %dma_wait3A_630 = tpu.memref_slice %arg3[%dma_wait3A_628, %dma_wait3A_629] : memref<800000x8xf32, #tpu.memory_space<hbm>> -> memref<800000x8xf32, #tpu.memory_space<hbm>>
      tpu.wait_indirect_dma semaphore(%arg7 : memref<!tpu.dma_semaphore, #tpu.memory_space<semaphore_mem>>) src(%dma_wait3A_630 : memref<800000x8xf32, #tpu.memory_space<hbm>>) dst(%dma_wait3A_624 : memref<125x8xf32, #tpu.memory_space<vmem>>)
      %mul3A_631 = arith.constant 40 : i32
      %mul3A_632 = arith.muli %scan3A_8, %mul3A_631 : i32
      %add3A_633 = arith.constant 8 : i32
      %add3A_634 = arith.addi %mul3A_632, %add3A_633 : i32
      %dma_wait3A_635 = arith.constant 1000 : i32
      %dma_wait3A_636 = arith.constant 0 : i32
      %dma_wait3A_637 = tpu.memref_slice %arg6[%dma_wait3A_635, %dma_wait3A_636] : memref<5000x8xf32, #tpu.memory_space<vmem>> -> memref<125x8xf32, #tpu.memory_space<vmem>>
      %dma_wait3A_638 = arith.constant 0 : i32
      %dma_wait3A_639 = tpu.memref_slice %arg5[%add3A_634, %dma_wait3A_638] : memref<200x125xi32, #tpu.memory_space<vmem>> -> memref<1x125xi32, #tpu.memory_space<vmem>>
      %dma_wait3A_640 = tpu.memref_squeeze %dma_wait3A_639 : memref<1x125xi32, #tpu.memory_space<vmem>> -> memref<125xi32, #tpu.memory_space<vmem>>
      %dma_wait3A_641 = arith.constant 0 : i32
      %dma_wait3A_642 = arith.constant 0 : i32
      %dma_wait3A_643 = tpu.memref_slice %arg3[%dma_wait3A_641, %dma_wait3A_642] : memref<800000x8xf32, #tpu.memory_space<hbm>> -> memref<800000x8xf32, #tpu.memory_space<hbm>>
      tpu.wait_indirect_dma semaphore(%arg7 : memref<!tpu.dma_semaphore, #tpu.memory_space<semaphore_mem>>) src(%dma_wait3A_643 : memref<800000x8xf32, #tpu.memory_space<hbm>>) dst(%dma_wait3A_637 : memref<125x8xf32, #tpu.memory_space<vmem>>)
      %mul3A_644 = arith.constant 40 : i32
      %mul3A_645 = arith.muli %scan3A_8, %mul3A_644 : i32
      %add3A_646 = arith.constant 9 : i32
      %add3A_647 = arith.addi %mul3A_645, %add3A_646 : i32
      %dma_wait3A_648 = arith.constant 1125 : i32
      %dma_wait3A_649 = arith.constant 0 : i32
      %dma_wait3A_650 = tpu.memref_slice %arg6[%dma_wait3A_648, %dma_wait3A_649] : memref<5000x8xf32, #tpu.memory_space<vmem>> -> memref<125x8xf32, #tpu.memory_space<vmem>>
      %dma_wait3A_651 = arith.constant 0 : i32
      %dma_wait3A_652 = tpu.memref_slice %arg5[%add3A_647, %dma_wait3A_651] : memref<200x125xi32, #tpu.memory_space<vmem>> -> memref<1x125xi32, #tpu.memory_space<vmem>>
      %dma_wait3A_653 = tpu.memref_squeeze %dma_wait3A_652 : memref<1x125xi32, #tpu.memory_space<vmem>> -> memref<125xi32, #tpu.memory_space<vmem>>
      %dma_wait3A_654 = arith.constant 0 : i32
      %dma_wait3A_655 = arith.constant 0 : i32
      %dma_wait3A_656 = tpu.memref_slice %arg3[%dma_wait3A_654, %dma_wait3A_655] : memref<800000x8xf32, #tpu.memory_space<hbm>> -> memref<800000x8xf32, #tpu.memory_space<hbm>>
      tpu.wait_indirect_dma semaphore(%arg7 : memref<!tpu.dma_semaphore, #tpu.memory_space<semaphore_mem>>) src(%dma_wait3A_656 : memref<800000x8xf32, #tpu.memory_space<hbm>>) dst(%dma_wait3A_650 : memref<125x8xf32, #tpu.memory_space<vmem>>)
      %mul3A_657 = arith.constant 40 : i32
      %mul3A_658 = arith.muli %scan3A_8, %mul3A_657 : i32
      %add3A_659 = arith.constant 10 : i32
      %add3A_660 = arith.addi %mul3A_658, %add3A_659 : i32
      %dma_wait3A_661 = arith.constant 1250 : i32
      %dma_wait3A_662 = arith.constant 0 : i32
      %dma_wait3A_663 = tpu.memref_slice %arg6[%dma_wait3A_661, %dma_wait3A_662] : memref<5000x8xf32, #tpu.memory_space<vmem>> -> memref<125x8xf32, #tpu.memory_space<vmem>>
      %dma_wait3A_664 = arith.constant 0 : i32
      %dma_wait3A_665 = tpu.memref_slice %arg5[%add3A_660, %dma_wait3A_664] : memref<200x125xi32, #tpu.memory_space<vmem>> -> memref<1x125xi32, #tpu.memory_space<vmem>>
      %dma_wait3A_666 = tpu.memref_squeeze %dma_wait3A_665 : memref<1x125xi32, #tpu.memory_space<vmem>> -> memref<125xi32, #tpu.memory_space<vmem>>
      %dma_wait3A_667 = arith.constant 0 : i32
      %dma_wait3A_668 = arith.constant 0 : i32
      %dma_wait3A_669 = tpu.memref_slice %arg3[%dma_wait3A_667, %dma_wait3A_668] : memref<800000x8xf32, #tpu.memory_space<hbm>> -> memref<800000x8xf32, #tpu.memory_space<hbm>>
      tpu.wait_indirect_dma semaphore(%arg7 : memref<!tpu.dma_semaphore, #tpu.memory_space<semaphore_mem>>) src(%dma_wait3A_669 : memref<800000x8xf32, #tpu.memory_space<hbm>>) dst(%dma_wait3A_663 : memref<125x8xf32, #tpu.memory_space<vmem>>)
      %mul3A_670 = arith.constant 40 : i32
      %mul3A_671 = arith.muli %scan3A_8, %mul3A_670 : i32
      %add3A_672 = arith.constant 11 : i32
      %add3A_673 = arith.addi %mul3A_671, %add3A_672 : i32
      %dma_wait3A_674 = arith.constant 1375 : i32
      %dma_wait3A_675 = arith.constant 0 : i32
      %dma_wait3A_676 = tpu.memref_slice %arg6[%dma_wait3A_674, %dma_wait3A_675] : memref<5000x8xf32, #tpu.memory_space<vmem>> -> memref<125x8xf32, #tpu.memory_space<vmem>>
      %dma_wait3A_677 = arith.constant 0 : i32
      %dma_wait3A_678 = tpu.memref_slice %arg5[%add3A_673, %dma_wait3A_677] : memref<200x125xi32, #tpu.memory_space<vmem>> -> memref<1x125xi32, #tpu.memory_space<vmem>>
      %dma_wait3A_679 = tpu.memref_squeeze %dma_wait3A_678 : memref<1x125xi32, #tpu.memory_space<vmem>> -> memref<125xi32, #tpu.memory_space<vmem>>
      %dma_wait3A_680 = arith.constant 0 : i32
      %dma_wait3A_681 = arith.constant 0 : i32
      %dma_wait3A_682 = tpu.memref_slice %arg3[%dma_wait3A_680, %dma_wait3A_681] : memref<800000x8xf32, #tpu.memory_space<hbm>> -> memref<800000x8xf32, #tpu.memory_space<hbm>>
      tpu.wait_indirect_dma semaphore(%arg7 : memref<!tpu.dma_semaphore, #tpu.memory_space<semaphore_mem>>) src(%dma_wait3A_682 : memref<800000x8xf32, #tpu.memory_space<hbm>>) dst(%dma_wait3A_676 : memref<125x8xf32, #tpu.memory_space<vmem>>)
      %mul3A_683 = arith.constant 40 : i32
      %mul3A_684 = arith.muli %scan3A_8, %mul3A_683 : i32
      %add3A_685 = arith.constant 12 : i32
      %add3A_686 = arith.addi %mul3A_684, %add3A_685 : i32
      %dma_wait3A_687 = arith.constant 1500 : i32
      %dma_wait3A_688 = arith.constant 0 : i32
      %dma_wait3A_689 = tpu.memref_slice %arg6[%dma_wait3A_687, %dma_wait3A_688] : memref<5000x8xf32, #tpu.memory_space<vmem>> -> memref<125x8xf32, #tpu.memory_space<vmem>>
      %dma_wait3A_690 = arith.constant 0 : i32
      %dma_wait3A_691 = tpu.memref_slice %arg5[%add3A_686, %dma_wait3A_690] : memref<200x125xi32, #tpu.memory_space<vmem>> -> memref<1x125xi32, #tpu.memory_space<vmem>>
      %dma_wait3A_692 = tpu.memref_squeeze %dma_wait3A_691 : memref<1x125xi32, #tpu.memory_space<vmem>> -> memref<125xi32, #tpu.memory_space<vmem>>
      %dma_wait3A_693 = arith.constant 0 : i32
      %dma_wait3A_694 = arith.constant 0 : i32
      %dma_wait3A_695 = tpu.memref_slice %arg3[%dma_wait3A_693, %dma_wait3A_694] : memref<800000x8xf32, #tpu.memory_space<hbm>> -> memref<800000x8xf32, #tpu.memory_space<hbm>>
      tpu.wait_indirect_dma semaphore(%arg7 : memref<!tpu.dma_semaphore, #tpu.memory_space<semaphore_mem>>) src(%dma_wait3A_695 : memref<800000x8xf32, #tpu.memory_space<hbm>>) dst(%dma_wait3A_689 : memref<125x8xf32, #tpu.memory_space<vmem>>)
      %mul3A_696 = arith.constant 40 : i32
      %mul3A_697 = arith.muli %scan3A_8, %mul3A_696 : i32
      %add3A_698 = arith.constant 13 : i32
      %add3A_699 = arith.addi %mul3A_697, %add3A_698 : i32
      %dma_wait3A_700 = arith.constant 1625 : i32
      %dma_wait3A_701 = arith.constant 0 : i32
      %dma_wait3A_702 = tpu.memref_slice %arg6[%dma_wait3A_700, %dma_wait3A_701] : memref<5000x8xf32, #tpu.memory_space<vmem>> -> memref<125x8xf32, #tpu.memory_space<vmem>>
      %dma_wait3A_703 = arith.constant 0 : i32
      %dma_wait3A_704 = tpu.memref_slice %arg5[%add3A_699, %dma_wait3A_703] : memref<200x125xi32, #tpu.memory_space<vmem>> -> memref<1x125xi32, #tpu.memory_space<vmem>>
      %dma_wait3A_705 = tpu.memref_squeeze %dma_wait3A_704 : memref<1x125xi32, #tpu.memory_space<vmem>> -> memref<125xi32, #tpu.memory_space<vmem>>
      %dma_wait3A_706 = arith.constant 0 : i32
      %dma_wait3A_707 = arith.constant 0 : i32
      %dma_wait3A_708 = tpu.memref_slice %arg3[%dma_wait3A_706, %dma_wait3A_707] : memref<800000x8xf32, #tpu.memory_space<hbm>> -> memref<800000x8xf32, #tpu.memory_space<hbm>>
      tpu.wait_indirect_dma semaphore(%arg7 : memref<!tpu.dma_semaphore, #tpu.memory_space<semaphore_mem>>) src(%dma_wait3A_708 : memref<800000x8xf32, #tpu.memory_space<hbm>>) dst(%dma_wait3A_702 : memref<125x8xf32, #tpu.memory_space<vmem>>)
      %mul3A_709 = arith.constant 40 : i32
      %mul3A_710 = arith.muli %scan3A_8, %mul3A_709 : i32
      %add3A_711 = arith.constant 14 : i32
      %add3A_712 = arith.addi %mul3A_710, %add3A_711 : i32
      %dma_wait3A_713 = arith.constant 1750 : i32
      %dma_wait3A_714 = arith.constant 0 : i32
      %dma_wait3A_715 = tpu.memref_slice %arg6[%dma_wait3A_713, %dma_wait3A_714] : memref<5000x8xf32, #tpu.memory_space<vmem>> -> memref<125x8xf32, #tpu.memory_space<vmem>>
      %dma_wait3A_716 = arith.constant 0 : i32
      %dma_wait3A_717 = tpu.memref_slice %arg5[%add3A_712, %dma_wait3A_716] : memref<200x125xi32, #tpu.memory_space<vmem>> -> memref<1x125xi32, #tpu.memory_space<vmem>>
      %dma_wait3A_718 = tpu.memref_squeeze %dma_wait3A_717 : memref<1x125xi32, #tpu.memory_space<vmem>> -> memref<125xi32, #tpu.memory_space<vmem>>
      %dma_wait3A_719 = arith.constant 0 : i32
      %dma_wait3A_720 = arith.constant 0 : i32
      %dma_wait3A_721 = tpu.memref_slice %arg3[%dma_wait3A_719, %dma_wait3A_720] : memref<800000x8xf32, #tpu.memory_space<hbm>> -> memref<800000x8xf32, #tpu.memory_space<hbm>>
      tpu.wait_indirect_dma semaphore(%arg7 : memref<!tpu.dma_semaphore, #tpu.memory_space<semaphore_mem>>) src(%dma_wait3A_721 : memref<800000x8xf32, #tpu.memory_space<hbm>>) dst(%dma_wait3A_715 : memref<125x8xf32, #tpu.memory_space<vmem>>)
      %mul3A_722 = arith.constant 40 : i32
      %mul3A_723 = arith.muli %scan3A_8, %mul3A_722 : i32
      %add3A_724 = arith.constant 15 : i32
      %add3A_725 = arith.addi %mul3A_723, %add3A_724 : i32
      %dma_wait3A_726 = arith.constant 1875 : i32
      %dma_wait3A_727 = arith.constant 0 : i32
      %dma_wait3A_728 = tpu.memref_slice %arg6[%dma_wait3A_726, %dma_wait3A_727] : memref<5000x8xf32, #tpu.memory_space<vmem>> -> memref<125x8xf32, #tpu.memory_space<vmem>>
      %dma_wait3A_729 = arith.constant 0 : i32
      %dma_wait3A_730 = tpu.memref_slice %arg5[%add3A_725, %dma_wait3A_729] : memref<200x125xi32, #tpu.memory_space<vmem>> -> memref<1x125xi32, #tpu.memory_space<vmem>>
      %dma_wait3A_731 = tpu.memref_squeeze %dma_wait3A_730 : memref<1x125xi32, #tpu.memory_space<vmem>> -> memref<125xi32, #tpu.memory_space<vmem>>
      %dma_wait3A_732 = arith.constant 0 : i32
      %dma_wait3A_733 = arith.constant 0 : i32
      %dma_wait3A_734 = tpu.memref_slice %arg3[%dma_wait3A_732, %dma_wait3A_733] : memref<800000x8xf32, #tpu.memory_space<hbm>> -> memref<800000x8xf32, #tpu.memory_space<hbm>>
      tpu.wait_indirect_dma semaphore(%arg7 : memref<!tpu.dma_semaphore, #tpu.memory_space<semaphore_mem>>) src(%dma_wait3A_734 : memref<800000x8xf32, #tpu.memory_space<hbm>>) dst(%dma_wait3A_728 : memref<125x8xf32, #tpu.memory_space<vmem>>)
      %mul3A_735 = arith.constant 40 : i32
      %mul3A_736 = arith.muli %scan3A_8, %mul3A_735 : i32
      %add3A_737 = arith.constant 16 : i32
      %add3A_738 = arith.addi %mul3A_736, %add3A_737 : i32
      %dma_wait3A_739 = arith.constant 2000 : i32
      %dma_wait3A_740 = arith.constant 0 : i32
      %dma_wait3A_741 = tpu.memref_slice %arg6[%dma_wait3A_739, %dma_wait3A_740] : memref<5000x8xf32, #tpu.memory_space<vmem>> -> memref<125x8xf32, #tpu.memory_space<vmem>>
      %dma_wait3A_742 = arith.constant 0 : i32
      %dma_wait3A_743 = tpu.memref_slice %arg5[%add3A_738, %dma_wait3A_742] : memref<200x125xi32, #tpu.memory_space<vmem>> -> memref<1x125xi32, #tpu.memory_space<vmem>>
      %dma_wait3A_744 = tpu.memref_squeeze %dma_wait3A_743 : memref<1x125xi32, #tpu.memory_space<vmem>> -> memref<125xi32, #tpu.memory_space<vmem>>
      %dma_wait3A_745 = arith.constant 0 : i32
      %dma_wait3A_746 = arith.constant 0 : i32
      %dma_wait3A_747 = tpu.memref_slice %arg3[%dma_wait3A_745, %dma_wait3A_746] : memref<800000x8xf32, #tpu.memory_space<hbm>> -> memref<800000x8xf32, #tpu.memory_space<hbm>>
      tpu.wait_indirect_dma semaphore(%arg7 : memref<!tpu.dma_semaphore, #tpu.memory_space<semaphore_mem>>) src(%dma_wait3A_747 : memref<800000x8xf32, #tpu.memory_space<hbm>>) dst(%dma_wait3A_741 : memref<125x8xf32, #tpu.memory_space<vmem>>)
      %mul3A_748 = arith.constant 40 : i32
      %mul3A_749 = arith.muli %scan3A_8, %mul3A_748 : i32
      %add3A_750 = arith.constant 17 : i32
      %add3A_751 = arith.addi %mul3A_749, %add3A_750 : i32
      %dma_wait3A_752 = arith.constant 2125 : i32
      %dma_wait3A_753 = arith.constant 0 : i32
      %dma_wait3A_754 = tpu.memref_slice %arg6[%dma_wait3A_752, %dma_wait3A_753] : memref<5000x8xf32, #tpu.memory_space<vmem>> -> memref<125x8xf32, #tpu.memory_space<vmem>>
      %dma_wait3A_755 = arith.constant 0 : i32
      %dma_wait3A_756 = tpu.memref_slice %arg5[%add3A_751, %dma_wait3A_755] : memref<200x125xi32, #tpu.memory_space<vmem>> -> memref<1x125xi32, #tpu.memory_space<vmem>>
      %dma_wait3A_757 = tpu.memref_squeeze %dma_wait3A_756 : memref<1x125xi32, #tpu.memory_space<vmem>> -> memref<125xi32, #tpu.memory_space<vmem>>
      %dma_wait3A_758 = arith.constant 0 : i32
      %dma_wait3A_759 = arith.constant 0 : i32
      %dma_wait3A_760 = tpu.memref_slice %arg3[%dma_wait3A_758, %dma_wait3A_759] : memref<800000x8xf32, #tpu.memory_space<hbm>> -> memref<800000x8xf32, #tpu.memory_space<hbm>>
      tpu.wait_indirect_dma semaphore(%arg7 : memref<!tpu.dma_semaphore, #tpu.memory_space<semaphore_mem>>) src(%dma_wait3A_760 : memref<800000x8xf32, #tpu.memory_space<hbm>>) dst(%dma_wait3A_754 : memref<125x8xf32, #tpu.memory_space<vmem>>)
      %mul3A_761 = arith.constant 40 : i32
      %mul3A_762 = arith.muli %scan3A_8, %mul3A_761 : i32
      %add3A_763 = arith.constant 18 : i32
      %add3A_764 = arith.addi %mul3A_762, %add3A_763 : i32
      %dma_wait3A_765 = arith.constant 2250 : i32
      %dma_wait3A_766 = arith.constant 0 : i32
      %dma_wait3A_767 = tpu.memref_slice %arg6[%dma_wait3A_765, %dma_wait3A_766] : memref<5000x8xf32, #tpu.memory_space<vmem>> -> memref<125x8xf32, #tpu.memory_space<vmem>>
      %dma_wait3A_768 = arith.constant 0 : i32
      %dma_wait3A_769 = tpu.memref_slice %arg5[%add3A_764, %dma_wait3A_768] : memref<200x125xi32, #tpu.memory_space<vmem>> -> memref<1x125xi32, #tpu.memory_space<vmem>>
      %dma_wait3A_770 = tpu.memref_squeeze %dma_wait3A_769 : memref<1x125xi32, #tpu.memory_space<vmem>> -> memref<125xi32, #tpu.memory_space<vmem>>
      %dma_wait3A_771 = arith.constant 0 : i32
      %dma_wait3A_772 = arith.constant 0 : i32
      %dma_wait3A_773 = tpu.memref_slice %arg3[%dma_wait3A_771, %dma_wait3A_772] : memref<800000x8xf32, #tpu.memory_space<hbm>> -> memref<800000x8xf32, #tpu.memory_space<hbm>>
      tpu.wait_indirect_dma semaphore(%arg7 : memref<!tpu.dma_semaphore, #tpu.memory_space<semaphore_mem>>) src(%dma_wait3A_773 : memref<800000x8xf32, #tpu.memory_space<hbm>>) dst(%dma_wait3A_767 : memref<125x8xf32, #tpu.memory_space<vmem>>)
      %mul3A_774 = arith.constant 40 : i32
      %mul3A_775 = arith.muli %scan3A_8, %mul3A_774 : i32
      %add3A_776 = arith.constant 19 : i32
      %add3A_777 = arith.addi %mul3A_775, %add3A_776 : i32
      %dma_wait3A_778 = arith.constant 2375 : i32
      %dma_wait3A_779 = arith.constant 0 : i32
      %dma_wait3A_780 = tpu.memref_slice %arg6[%dma_wait3A_778, %dma_wait3A_779] : memref<5000x8xf32, #tpu.memory_space<vmem>> -> memref<125x8xf32, #tpu.memory_space<vmem>>
      %dma_wait3A_781 = arith.constant 0 : i32
      %dma_wait3A_782 = tpu.memref_slice %arg5[%add3A_777, %dma_wait3A_781] : memref<200x125xi32, #tpu.memory_space<vmem>> -> memref<1x125xi32, #tpu.memory_space<vmem>>
      %dma_wait3A_783 = tpu.memref_squeeze %dma_wait3A_782 : memref<1x125xi32, #tpu.memory_space<vmem>> -> memref<125xi32, #tpu.memory_space<vmem>>
      %dma_wait3A_784 = arith.constant 0 : i32
      %dma_wait3A_785 = arith.constant 0 : i32
      %dma_wait3A_786 = tpu.memref_slice %arg3[%dma_wait3A_784, %dma_wait3A_785] : memref<800000x8xf32, #tpu.memory_space<hbm>> -> memref<800000x8xf32, #tpu.memory_space<hbm>>
      tpu.wait_indirect_dma semaphore(%arg7 : memref<!tpu.dma_semaphore, #tpu.memory_space<semaphore_mem>>) src(%dma_wait3A_786 : memref<800000x8xf32, #tpu.memory_space<hbm>>) dst(%dma_wait3A_780 : memref<125x8xf32, #tpu.memory_space<vmem>>)
      %mul3A_787 = arith.constant 40 : i32
      %mul3A_788 = arith.muli %scan3A_8, %mul3A_787 : i32
      %add3A_789 = arith.constant 20 : i32
      %add3A_790 = arith.addi %mul3A_788, %add3A_789 : i32
      %dma_wait3A_791 = arith.constant 2500 : i32
      %dma_wait3A_792 = arith.constant 0 : i32
      %dma_wait3A_793 = tpu.memref_slice %arg6[%dma_wait3A_791, %dma_wait3A_792] : memref<5000x8xf32, #tpu.memory_space<vmem>> -> memref<125x8xf32, #tpu.memory_space<vmem>>
      %dma_wait3A_794 = arith.constant 0 : i32
      %dma_wait3A_795 = tpu.memref_slice %arg5[%add3A_790, %dma_wait3A_794] : memref<200x125xi32, #tpu.memory_space<vmem>> -> memref<1x125xi32, #tpu.memory_space<vmem>>
      %dma_wait3A_796 = tpu.memref_squeeze %dma_wait3A_795 : memref<1x125xi32, #tpu.memory_space<vmem>> -> memref<125xi32, #tpu.memory_space<vmem>>
      %dma_wait3A_797 = arith.constant 0 : i32
      %dma_wait3A_798 = arith.constant 0 : i32
      %dma_wait3A_799 = tpu.memref_slice %arg3[%dma_wait3A_797, %dma_wait3A_798] : memref<800000x8xf32, #tpu.memory_space<hbm>> -> memref<800000x8xf32, #tpu.memory_space<hbm>>
      tpu.wait_indirect_dma semaphore(%arg7 : memref<!tpu.dma_semaphore, #tpu.memory_space<semaphore_mem>>) src(%dma_wait3A_799 : memref<800000x8xf32, #tpu.memory_space<hbm>>) dst(%dma_wait3A_793 : memref<125x8xf32, #tpu.memory_space<vmem>>)
      %mul3A_800 = arith.constant 40 : i32
      %mul3A_801 = arith.muli %scan3A_8, %mul3A_800 : i32
      %add3A_802 = arith.constant 21 : i32
      %add3A_803 = arith.addi %mul3A_801, %add3A_802 : i32
      %dma_wait3A_804 = arith.constant 2625 : i32
      %dma_wait3A_805 = arith.constant 0 : i32
      %dma_wait3A_806 = tpu.memref_slice %arg6[%dma_wait3A_804, %dma_wait3A_805] : memref<5000x8xf32, #tpu.memory_space<vmem>> -> memref<125x8xf32, #tpu.memory_space<vmem>>
      %dma_wait3A_807 = arith.constant 0 : i32
      %dma_wait3A_808 = tpu.memref_slice %arg5[%add3A_803, %dma_wait3A_807] : memref<200x125xi32, #tpu.memory_space<vmem>> -> memref<1x125xi32, #tpu.memory_space<vmem>>
      %dma_wait3A_809 = tpu.memref_squeeze %dma_wait3A_808 : memref<1x125xi32, #tpu.memory_space<vmem>> -> memref<125xi32, #tpu.memory_space<vmem>>
      %dma_wait3A_810 = arith.constant 0 : i32
      %dma_wait3A_811 = arith.constant 0 : i32
      %dma_wait3A_812 = tpu.memref_slice %arg3[%dma_wait3A_810, %dma_wait3A_811] : memref<800000x8xf32, #tpu.memory_space<hbm>> -> memref<800000x8xf32, #tpu.memory_space<hbm>>
      tpu.wait_indirect_dma semaphore(%arg7 : memref<!tpu.dma_semaphore, #tpu.memory_space<semaphore_mem>>) src(%dma_wait3A_812 : memref<800000x8xf32, #tpu.memory_space<hbm>>) dst(%dma_wait3A_806 : memref<125x8xf32, #tpu.memory_space<vmem>>)
      %mul3A_813 = arith.constant 40 : i32
      %mul3A_814 = arith.muli %scan3A_8, %mul3A_813 : i32
      %add3A_815 = arith.constant 22 : i32
      %add3A_816 = arith.addi %mul3A_814, %add3A_815 : i32
      %dma_wait3A_817 = arith.constant 2750 : i32
      %dma_wait3A_818 = arith.constant 0 : i32
      %dma_wait3A_819 = tpu.memref_slice %arg6[%dma_wait3A_817, %dma_wait3A_818] : memref<5000x8xf32, #tpu.memory_space<vmem>> -> memref<125x8xf32, #tpu.memory_space<vmem>>
      %dma_wait3A_820 = arith.constant 0 : i32
      %dma_wait3A_821 = tpu.memref_slice %arg5[%add3A_816, %dma_wait3A_820] : memref<200x125xi32, #tpu.memory_space<vmem>> -> memref<1x125xi32, #tpu.memory_space<vmem>>
      %dma_wait3A_822 = tpu.memref_squeeze %dma_wait3A_821 : memref<1x125xi32, #tpu.memory_space<vmem>> -> memref<125xi32, #tpu.memory_space<vmem>>
      %dma_wait3A_823 = arith.constant 0 : i32
      %dma_wait3A_824 = arith.constant 0 : i32
      %dma_wait3A_825 = tpu.memref_slice %arg3[%dma_wait3A_823, %dma_wait3A_824] : memref<800000x8xf32, #tpu.memory_space<hbm>> -> memref<800000x8xf32, #tpu.memory_space<hbm>>
      tpu.wait_indirect_dma semaphore(%arg7 : memref<!tpu.dma_semaphore, #tpu.memory_space<semaphore_mem>>) src(%dma_wait3A_825 : memref<800000x8xf32, #tpu.memory_space<hbm>>) dst(%dma_wait3A_819 : memref<125x8xf32, #tpu.memory_space<vmem>>)
      %mul3A_826 = arith.constant 40 : i32
      %mul3A_827 = arith.muli %scan3A_8, %mul3A_826 : i32
      %add3A_828 = arith.constant 23 : i32
      %add3A_829 = arith.addi %mul3A_827, %add3A_828 : i32
      %dma_wait3A_830 = arith.constant 2875 : i32
      %dma_wait3A_831 = arith.constant 0 : i32
      %dma_wait3A_832 = tpu.memref_slice %arg6[%dma_wait3A_830, %dma_wait3A_831] : memref<5000x8xf32, #tpu.memory_space<vmem>> -> memref<125x8xf32, #tpu.memory_space<vmem>>
      %dma_wait3A_833 = arith.constant 0 : i32
      %dma_wait3A_834 = tpu.memref_slice %arg5[%add3A_829, %dma_wait3A_833] : memref<200x125xi32, #tpu.memory_space<vmem>> -> memref<1x125xi32, #tpu.memory_space<vmem>>
      %dma_wait3A_835 = tpu.memref_squeeze %dma_wait3A_834 : memref<1x125xi32, #tpu.memory_space<vmem>> -> memref<125xi32, #tpu.memory_space<vmem>>
      %dma_wait3A_836 = arith.constant 0 : i32
      %dma_wait3A_837 = arith.constant 0 : i32
      %dma_wait3A_838 = tpu.memref_slice %arg3[%dma_wait3A_836, %dma_wait3A_837] : memref<800000x8xf32, #tpu.memory_space<hbm>> -> memref<800000x8xf32, #tpu.memory_space<hbm>>
      tpu.wait_indirect_dma semaphore(%arg7 : memref<!tpu.dma_semaphore, #tpu.memory_space<semaphore_mem>>) src(%dma_wait3A_838 : memref<800000x8xf32, #tpu.memory_space<hbm>>) dst(%dma_wait3A_832 : memref<125x8xf32, #tpu.memory_space<vmem>>)
      %mul3A_839 = arith.constant 40 : i32
      %mul3A_840 = arith.muli %scan3A_8, %mul3A_839 : i32
      %add3A_841 = arith.constant 24 : i32
      %add3A_842 = arith.addi %mul3A_840, %add3A_841 : i32
      %dma_wait3A_843 = arith.constant 3000 : i32
      %dma_wait3A_844 = arith.constant 0 : i32
      %dma_wait3A_845 = tpu.memref_slice %arg6[%dma_wait3A_843, %dma_wait3A_844] : memref<5000x8xf32, #tpu.memory_space<vmem>> -> memref<125x8xf32, #tpu.memory_space<vmem>>
      %dma_wait3A_846 = arith.constant 0 : i32
      %dma_wait3A_847 = tpu.memref_slice %arg5[%add3A_842, %dma_wait3A_846] : memref<200x125xi32, #tpu.memory_space<vmem>> -> memref<1x125xi32, #tpu.memory_space<vmem>>
      %dma_wait3A_848 = tpu.memref_squeeze %dma_wait3A_847 : memref<1x125xi32, #tpu.memory_space<vmem>> -> memref<125xi32, #tpu.memory_space<vmem>>
      %dma_wait3A_849 = arith.constant 0 : i32
      %dma_wait3A_850 = arith.constant 0 : i32
      %dma_wait3A_851 = tpu.memref_slice %arg3[%dma_wait3A_849, %dma_wait3A_850] : memref<800000x8xf32, #tpu.memory_space<hbm>> -> memref<800000x8xf32, #tpu.memory_space<hbm>>
      tpu.wait_indirect_dma semaphore(%arg7 : memref<!tpu.dma_semaphore, #tpu.memory_space<semaphore_mem>>) src(%dma_wait3A_851 : memref<800000x8xf32, #tpu.memory_space<hbm>>) dst(%dma_wait3A_845 : memref<125x8xf32, #tpu.memory_space<vmem>>)
      %mul3A_852 = arith.constant 40 : i32
      %mul3A_853 = arith.muli %scan3A_8, %mul3A_852 : i32
      %add3A_854 = arith.constant 25 : i32
      %add3A_855 = arith.addi %mul3A_853, %add3A_854 : i32
      %dma_wait3A_856 = arith.constant 3125 : i32
      %dma_wait3A_857 = arith.constant 0 : i32
      %dma_wait3A_858 = tpu.memref_slice %arg6[%dma_wait3A_856, %dma_wait3A_857] : memref<5000x8xf32, #tpu.memory_space<vmem>> -> memref<125x8xf32, #tpu.memory_space<vmem>>
      %dma_wait3A_859 = arith.constant 0 : i32
      %dma_wait3A_860 = tpu.memref_slice %arg5[%add3A_855, %dma_wait3A_859] : memref<200x125xi32, #tpu.memory_space<vmem>> -> memref<1x125xi32, #tpu.memory_space<vmem>>
      %dma_wait3A_861 = tpu.memref_squeeze %dma_wait3A_860 : memref<1x125xi32, #tpu.memory_space<vmem>> -> memref<125xi32, #tpu.memory_space<vmem>>
      %dma_wait3A_862 = arith.constant 0 : i32
      %dma_wait3A_863 = arith.constant 0 : i32
      %dma_wait3A_864 = tpu.memref_slice %arg3[%dma_wait3A_862, %dma_wait3A_863] : memref<800000x8xf32, #tpu.memory_space<hbm>> -> memref<800000x8xf32, #tpu.memory_space<hbm>>
      tpu.wait_indirect_dma semaphore(%arg7 : memref<!tpu.dma_semaphore, #tpu.memory_space<semaphore_mem>>) src(%dma_wait3A_864 : memref<800000x8xf32, #tpu.memory_space<hbm>>) dst(%dma_wait3A_858 : memref<125x8xf32, #tpu.memory_space<vmem>>)
      %mul3A_865 = arith.constant 40 : i32
      %mul3A_866 = arith.muli %scan3A_8, %mul3A_865 : i32
      %add3A_867 = arith.constant 26 : i32
      %add3A_868 = arith.addi %mul3A_866, %add3A_867 : i32
      %dma_wait3A_869 = arith.constant 3250 : i32
      %dma_wait3A_870 = arith.constant 0 : i32
      %dma_wait3A_871 = tpu.memref_slice %arg6[%dma_wait3A_869, %dma_wait3A_870] : memref<5000x8xf32, #tpu.memory_space<vmem>> -> memref<125x8xf32, #tpu.memory_space<vmem>>
      %dma_wait3A_872 = arith.constant 0 : i32
      %dma_wait3A_873 = tpu.memref_slice %arg5[%add3A_868, %dma_wait3A_872] : memref<200x125xi32, #tpu.memory_space<vmem>> -> memref<1x125xi32, #tpu.memory_space<vmem>>
      %dma_wait3A_874 = tpu.memref_squeeze %dma_wait3A_873 : memref<1x125xi32, #tpu.memory_space<vmem>> -> memref<125xi32, #tpu.memory_space<vmem>>
      %dma_wait3A_875 = arith.constant 0 : i32
      %dma_wait3A_876 = arith.constant 0 : i32
      %dma_wait3A_877 = tpu.memref_slice %arg3[%dma_wait3A_875, %dma_wait3A_876] : memref<800000x8xf32, #tpu.memory_space<hbm>> -> memref<800000x8xf32, #tpu.memory_space<hbm>>
      tpu.wait_indirect_dma semaphore(%arg7 : memref<!tpu.dma_semaphore, #tpu.memory_space<semaphore_mem>>) src(%dma_wait3A_877 : memref<800000x8xf32, #tpu.memory_space<hbm>>) dst(%dma_wait3A_871 : memref<125x8xf32, #tpu.memory_space<vmem>>)
      %mul3A_878 = arith.constant 40 : i32
      %mul3A_879 = arith.muli %scan3A_8, %mul3A_878 : i32
      %add3A_880 = arith.constant 27 : i32
      %add3A_881 = arith.addi %mul3A_879, %add3A_880 : i32
      %dma_wait3A_882 = arith.constant 3375 : i32
      %dma_wait3A_883 = arith.constant 0 : i32
      %dma_wait3A_884 = tpu.memref_slice %arg6[%dma_wait3A_882, %dma_wait3A_883] : memref<5000x8xf32, #tpu.memory_space<vmem>> -> memref<125x8xf32, #tpu.memory_space<vmem>>
      %dma_wait3A_885 = arith.constant 0 : i32
      %dma_wait3A_886 = tpu.memref_slice %arg5[%add3A_881, %dma_wait3A_885] : memref<200x125xi32, #tpu.memory_space<vmem>> -> memref<1x125xi32, #tpu.memory_space<vmem>>
      %dma_wait3A_887 = tpu.memref_squeeze %dma_wait3A_886 : memref<1x125xi32, #tpu.memory_space<vmem>> -> memref<125xi32, #tpu.memory_space<vmem>>
      %dma_wait3A_888 = arith.constant 0 : i32
      %dma_wait3A_889 = arith.constant 0 : i32
      %dma_wait3A_890 = tpu.memref_slice %arg3[%dma_wait3A_888, %dma_wait3A_889] : memref<800000x8xf32, #tpu.memory_space<hbm>> -> memref<800000x8xf32, #tpu.memory_space<hbm>>
      tpu.wait_indirect_dma semaphore(%arg7 : memref<!tpu.dma_semaphore, #tpu.memory_space<semaphore_mem>>) src(%dma_wait3A_890 : memref<800000x8xf32, #tpu.memory_space<hbm>>) dst(%dma_wait3A_884 : memref<125x8xf32, #tpu.memory_space<vmem>>)
      %mul3A_891 = arith.constant 40 : i32
      %mul3A_892 = arith.muli %scan3A_8, %mul3A_891 : i32
      %add3A_893 = arith.constant 28 : i32
      %add3A_894 = arith.addi %mul3A_892, %add3A_893 : i32
      %dma_wait3A_895 = arith.constant 3500 : i32
      %dma_wait3A_896 = arith.constant 0 : i32
      %dma_wait3A_897 = tpu.memref_slice %arg6[%dma_wait3A_895, %dma_wait3A_896] : memref<5000x8xf32, #tpu.memory_space<vmem>> -> memref<125x8xf32, #tpu.memory_space<vmem>>
      %dma_wait3A_898 = arith.constant 0 : i32
      %dma_wait3A_899 = tpu.memref_slice %arg5[%add3A_894, %dma_wait3A_898] : memref<200x125xi32, #tpu.memory_space<vmem>> -> memref<1x125xi32, #tpu.memory_space<vmem>>
      %dma_wait3A_900 = tpu.memref_squeeze %dma_wait3A_899 : memref<1x125xi32, #tpu.memory_space<vmem>> -> memref<125xi32, #tpu.memory_space<vmem>>
      %dma_wait3A_901 = arith.constant 0 : i32
      %dma_wait3A_902 = arith.constant 0 : i32
      %dma_wait3A_903 = tpu.memref_slice %arg3[%dma_wait3A_901, %dma_wait3A_902] : memref<800000x8xf32, #tpu.memory_space<hbm>> -> memref<800000x8xf32, #tpu.memory_space<hbm>>
      tpu.wait_indirect_dma semaphore(%arg7 : memref<!tpu.dma_semaphore, #tpu.memory_space<semaphore_mem>>) src(%dma_wait3A_903 : memref<800000x8xf32, #tpu.memory_space<hbm>>) dst(%dma_wait3A_897 : memref<125x8xf32, #tpu.memory_space<vmem>>)
      %mul3A_904 = arith.constant 40 : i32
      %mul3A_905 = arith.muli %scan3A_8, %mul3A_904 : i32
      %add3A_906 = arith.constant 29 : i32
      %add3A_907 = arith.addi %mul3A_905, %add3A_906 : i32
      %dma_wait3A_908 = arith.constant 3625 : i32
      %dma_wait3A_909 = arith.constant 0 : i32
      %dma_wait3A_910 = tpu.memref_slice %arg6[%dma_wait3A_908, %dma_wait3A_909] : memref<5000x8xf32, #tpu.memory_space<vmem>> -> memref<125x8xf32, #tpu.memory_space<vmem>>
      %dma_wait3A_911 = arith.constant 0 : i32
      %dma_wait3A_912 = tpu.memref_slice %arg5[%add3A_907, %dma_wait3A_911] : memref<200x125xi32, #tpu.memory_space<vmem>> -> memref<1x125xi32, #tpu.memory_space<vmem>>
      %dma_wait3A_913 = tpu.memref_squeeze %dma_wait3A_912 : memref<1x125xi32, #tpu.memory_space<vmem>> -> memref<125xi32, #tpu.memory_space<vmem>>
      %dma_wait3A_914 = arith.constant 0 : i32
      %dma_wait3A_915 = arith.constant 0 : i32
      %dma_wait3A_916 = tpu.memref_slice %arg3[%dma_wait3A_914, %dma_wait3A_915] : memref<800000x8xf32, #tpu.memory_space<hbm>> -> memref<800000x8xf32, #tpu.memory_space<hbm>>
      tpu.wait_indirect_dma semaphore(%arg7 : memref<!tpu.dma_semaphore, #tpu.memory_space<semaphore_mem>>) src(%dma_wait3A_916 : memref<800000x8xf32, #tpu.memory_space<hbm>>) dst(%dma_wait3A_910 : memref<125x8xf32, #tpu.memory_space<vmem>>)
      %mul3A_917 = arith.constant 40 : i32
      %mul3A_918 = arith.muli %scan3A_8, %mul3A_917 : i32
      %add3A_919 = arith.constant 30 : i32
      %add3A_920 = arith.addi %mul3A_918, %add3A_919 : i32
      %dma_wait3A_921 = arith.constant 3750 : i32
      %dma_wait3A_922 = arith.constant 0 : i32
      %dma_wait3A_923 = tpu.memref_slice %arg6[%dma_wait3A_921, %dma_wait3A_922] : memref<5000x8xf32, #tpu.memory_space<vmem>> -> memref<125x8xf32, #tpu.memory_space<vmem>>
      %dma_wait3A_924 = arith.constant 0 : i32
      %dma_wait3A_925 = tpu.memref_slice %arg5[%add3A_920, %dma_wait3A_924] : memref<200x125xi32, #tpu.memory_space<vmem>> -> memref<1x125xi32, #tpu.memory_space<vmem>>
      %dma_wait3A_926 = tpu.memref_squeeze %dma_wait3A_925 : memref<1x125xi32, #tpu.memory_space<vmem>> -> memref<125xi32, #tpu.memory_space<vmem>>
      %dma_wait3A_927 = arith.constant 0 : i32
      %dma_wait3A_928 = arith.constant 0 : i32
      %dma_wait3A_929 = tpu.memref_slice %arg3[%dma_wait3A_927, %dma_wait3A_928] : memref<800000x8xf32, #tpu.memory_space<hbm>> -> memref<800000x8xf32, #tpu.memory_space<hbm>>
      tpu.wait_indirect_dma semaphore(%arg7 : memref<!tpu.dma_semaphore, #tpu.memory_space<semaphore_mem>>) src(%dma_wait3A_929 : memref<800000x8xf32, #tpu.memory_space<hbm>>) dst(%dma_wait3A_923 : memref<125x8xf32, #tpu.memory_space<vmem>>)
      %mul3A_930 = arith.constant 40 : i32
      %mul3A_931 = arith.muli %scan3A_8, %mul3A_930 : i32
      %add3A_932 = arith.constant 31 : i32
      %add3A_933 = arith.addi %mul3A_931, %add3A_932 : i32
      %dma_wait3A_934 = arith.constant 3875 : i32
      %dma_wait3A_935 = arith.constant 0 : i32
      %dma_wait3A_936 = tpu.memref_slice %arg6[%dma_wait3A_934, %dma_wait3A_935] : memref<5000x8xf32, #tpu.memory_space<vmem>> -> memref<125x8xf32, #tpu.memory_space<vmem>>
      %dma_wait3A_937 = arith.constant 0 : i32
      %dma_wait3A_938 = tpu.memref_slice %arg5[%add3A_933, %dma_wait3A_937] : memref<200x125xi32, #tpu.memory_space<vmem>> -> memref<1x125xi32, #tpu.memory_space<vmem>>
      %dma_wait3A_939 = tpu.memref_squeeze %dma_wait3A_938 : memref<1x125xi32, #tpu.memory_space<vmem>> -> memref<125xi32, #tpu.memory_space<vmem>>
      %dma_wait3A_940 = arith.constant 0 : i32
      %dma_wait3A_941 = arith.constant 0 : i32
      %dma_wait3A_942 = tpu.memref_slice %arg3[%dma_wait3A_940, %dma_wait3A_941] : memref<800000x8xf32, #tpu.memory_space<hbm>> -> memref<800000x8xf32, #tpu.memory_space<hbm>>
      tpu.wait_indirect_dma semaphore(%arg7 : memref<!tpu.dma_semaphore, #tpu.memory_space<semaphore_mem>>) src(%dma_wait3A_942 : memref<800000x8xf32, #tpu.memory_space<hbm>>) dst(%dma_wait3A_936 : memref<125x8xf32, #tpu.memory_space<vmem>>)
      %mul3A_943 = arith.constant 40 : i32
      %mul3A_944 = arith.muli %scan3A_8, %mul3A_943 : i32
      %add3A_945 = arith.constant 32 : i32
      %add3A_946 = arith.addi %mul3A_944, %add3A_945 : i32
      %dma_wait3A_947 = arith.constant 4000 : i32
      %dma_wait3A_948 = arith.constant 0 : i32
      %dma_wait3A_949 = tpu.memref_slice %arg6[%dma_wait3A_947, %dma_wait3A_948] : memref<5000x8xf32, #tpu.memory_space<vmem>> -> memref<125x8xf32, #tpu.memory_space<vmem>>
      %dma_wait3A_950 = arith.constant 0 : i32
      %dma_wait3A_951 = tpu.memref_slice %arg5[%add3A_946, %dma_wait3A_950] : memref<200x125xi32, #tpu.memory_space<vmem>> -> memref<1x125xi32, #tpu.memory_space<vmem>>
      %dma_wait3A_952 = tpu.memref_squeeze %dma_wait3A_951 : memref<1x125xi32, #tpu.memory_space<vmem>> -> memref<125xi32, #tpu.memory_space<vmem>>
      %dma_wait3A_953 = arith.constant 0 : i32
      %dma_wait3A_954 = arith.constant 0 : i32
      %dma_wait3A_955 = tpu.memref_slice %arg3[%dma_wait3A_953, %dma_wait3A_954] : memref<800000x8xf32, #tpu.memory_space<hbm>> -> memref<800000x8xf32, #tpu.memory_space<hbm>>
      tpu.wait_indirect_dma semaphore(%arg7 : memref<!tpu.dma_semaphore, #tpu.memory_space<semaphore_mem>>) src(%dma_wait3A_955 : memref<800000x8xf32, #tpu.memory_space<hbm>>) dst(%dma_wait3A_949 : memref<125x8xf32, #tpu.memory_space<vmem>>)
      %mul3A_956 = arith.constant 40 : i32
      %mul3A_957 = arith.muli %scan3A_8, %mul3A_956 : i32
      %add3A_958 = arith.constant 33 : i32
      %add3A_959 = arith.addi %mul3A_957, %add3A_958 : i32
      %dma_wait3A_960 = arith.constant 4125 : i32
      %dma_wait3A_961 = arith.constant 0 : i32
      %dma_wait3A_962 = tpu.memref_slice %arg6[%dma_wait3A_960, %dma_wait3A_961] : memref<5000x8xf32, #tpu.memory_space<vmem>> -> memref<125x8xf32, #tpu.memory_space<vmem>>
      %dma_wait3A_963 = arith.constant 0 : i32
      %dma_wait3A_964 = tpu.memref_slice %arg5[%add3A_959, %dma_wait3A_963] : memref<200x125xi32, #tpu.memory_space<vmem>> -> memref<1x125xi32, #tpu.memory_space<vmem>>
      %dma_wait3A_965 = tpu.memref_squeeze %dma_wait3A_964 : memref<1x125xi32, #tpu.memory_space<vmem>> -> memref<125xi32, #tpu.memory_space<vmem>>
      %dma_wait3A_966 = arith.constant 0 : i32
      %dma_wait3A_967 = arith.constant 0 : i32
      %dma_wait3A_968 = tpu.memref_slice %arg3[%dma_wait3A_966, %dma_wait3A_967] : memref<800000x8xf32, #tpu.memory_space<hbm>> -> memref<800000x8xf32, #tpu.memory_space<hbm>>
      tpu.wait_indirect_dma semaphore(%arg7 : memref<!tpu.dma_semaphore, #tpu.memory_space<semaphore_mem>>) src(%dma_wait3A_968 : memref<800000x8xf32, #tpu.memory_space<hbm>>) dst(%dma_wait3A_962 : memref<125x8xf32, #tpu.memory_space<vmem>>)
      %mul3A_969 = arith.constant 40 : i32
      %mul3A_970 = arith.muli %scan3A_8, %mul3A_969 : i32
      %add3A_971 = arith.constant 34 : i32
      %add3A_972 = arith.addi %mul3A_970, %add3A_971 : i32
      %dma_wait3A_973 = arith.constant 4250 : i32
      %dma_wait3A_974 = arith.constant 0 : i32
      %dma_wait3A_975 = tpu.memref_slice %arg6[%dma_wait3A_973, %dma_wait3A_974] : memref<5000x8xf32, #tpu.memory_space<vmem>> -> memref<125x8xf32, #tpu.memory_space<vmem>>
      %dma_wait3A_976 = arith.constant 0 : i32
      %dma_wait3A_977 = tpu.memref_slice %arg5[%add3A_972, %dma_wait3A_976] : memref<200x125xi32, #tpu.memory_space<vmem>> -> memref<1x125xi32, #tpu.memory_space<vmem>>
      %dma_wait3A_978 = tpu.memref_squeeze %dma_wait3A_977 : memref<1x125xi32, #tpu.memory_space<vmem>> -> memref<125xi32, #tpu.memory_space<vmem>>
      %dma_wait3A_979 = arith.constant 0 : i32
      %dma_wait3A_980 = arith.constant 0 : i32
      %dma_wait3A_981 = tpu.memref_slice %arg3[%dma_wait3A_979, %dma_wait3A_980] : memref<800000x8xf32, #tpu.memory_space<hbm>> -> memref<800000x8xf32, #tpu.memory_space<hbm>>
      tpu.wait_indirect_dma semaphore(%arg7 : memref<!tpu.dma_semaphore, #tpu.memory_space<semaphore_mem>>) src(%dma_wait3A_981 : memref<800000x8xf32, #tpu.memory_space<hbm>>) dst(%dma_wait3A_975 : memref<125x8xf32, #tpu.memory_space<vmem>>)
      %mul3A_982 = arith.constant 40 : i32
      %mul3A_983 = arith.muli %scan3A_8, %mul3A_982 : i32
      %add3A_984 = arith.constant 35 : i32
      %add3A_985 = arith.addi %mul3A_983, %add3A_984 : i32
      %dma_wait3A_986 = arith.constant 4375 : i32
      %dma_wait3A_987 = arith.constant 0 : i32
      %dma_wait3A_988 = tpu.memref_slice %arg6[%dma_wait3A_986, %dma_wait3A_987] : memref<5000x8xf32, #tpu.memory_space<vmem>> -> memref<125x8xf32, #tpu.memory_space<vmem>>
      %dma_wait3A_989 = arith.constant 0 : i32
      %dma_wait3A_990 = tpu.memref_slice %arg5[%add3A_985, %dma_wait3A_989] : memref<200x125xi32, #tpu.memory_space<vmem>> -> memref<1x125xi32, #tpu.memory_space<vmem>>
      %dma_wait3A_991 = tpu.memref_squeeze %dma_wait3A_990 : memref<1x125xi32, #tpu.memory_space<vmem>> -> memref<125xi32, #tpu.memory_space<vmem>>
      %dma_wait3A_992 = arith.constant 0 : i32
      %dma_wait3A_993 = arith.constant 0 : i32
      %dma_wait3A_994 = tpu.memref_slice %arg3[%dma_wait3A_992, %dma_wait3A_993] : memref<800000x8xf32, #tpu.memory_space<hbm>> -> memref<800000x8xf32, #tpu.memory_space<hbm>>
      tpu.wait_indirect_dma semaphore(%arg7 : memref<!tpu.dma_semaphore, #tpu.memory_space<semaphore_mem>>) src(%dma_wait3A_994 : memref<800000x8xf32, #tpu.memory_space<hbm>>) dst(%dma_wait3A_988 : memref<125x8xf32, #tpu.memory_space<vmem>>)
      %mul3A_995 = arith.constant 40 : i32
      %mul3A_996 = arith.muli %scan3A_8, %mul3A_995 : i32
      %add3A_997 = arith.constant 36 : i32
      %add3A_998 = arith.addi %mul3A_996, %add3A_997 : i32
      %dma_wait3A_999 = arith.constant 4500 : i32
      %dma_wait3A_1000 = arith.constant 0 : i32
      %dma_wait3A_1001 = tpu.memref_slice %arg6[%dma_wait3A_999, %dma_wait3A_1000] : memref<5000x8xf32, #tpu.memory_space<vmem>> -> memref<125x8xf32, #tpu.memory_space<vmem>>
      %dma_wait3A_1002 = arith.constant 0 : i32
      %dma_wait3A_1003 = tpu.memref_slice %arg5[%add3A_998, %dma_wait3A_1002] : memref<200x125xi32, #tpu.memory_space<vmem>> -> memref<1x125xi32, #tpu.memory_space<vmem>>
      %dma_wait3A_1004 = tpu.memref_squeeze %dma_wait3A_1003 : memref<1x125xi32, #tpu.memory_space<vmem>> -> memref<125xi32, #tpu.memory_space<vmem>>
      %dma_wait3A_1005 = arith.constant 0 : i32
      %dma_wait3A_1006 = arith.constant 0 : i32
      %dma_wait3A_1007 = tpu.memref_slice %arg3[%dma_wait3A_1005, %dma_wait3A_1006] : memref<800000x8xf32, #tpu.memory_space<hbm>> -> memref<800000x8xf32, #tpu.memory_space<hbm>>
      tpu.wait_indirect_dma semaphore(%arg7 : memref<!tpu.dma_semaphore, #tpu.memory_space<semaphore_mem>>) src(%dma_wait3A_1007 : memref<800000x8xf32, #tpu.memory_space<hbm>>) dst(%dma_wait3A_1001 : memref<125x8xf32, #tpu.memory_space<vmem>>)
      %mul3A_1008 = arith.constant 40 : i32
      %mul3A_1009 = arith.muli %scan3A_8, %mul3A_1008 : i32
      %add3A_1010 = arith.constant 37 : i32
      %add3A_1011 = arith.addi %mul3A_1009, %add3A_1010 : i32
      %dma_wait3A_1012 = arith.constant 4625 : i32
      %dma_wait3A_1013 = arith.constant 0 : i32
      %dma_wait3A_1014 = tpu.memref_slice %arg6[%dma_wait3A_1012, %dma_wait3A_1013] : memref<5000x8xf32, #tpu.memory_space<vmem>> -> memref<125x8xf32, #tpu.memory_space<vmem>>
      %dma_wait3A_1015 = arith.constant 0 : i32
      %dma_wait3A_1016 = tpu.memref_slice %arg5[%add3A_1011, %dma_wait3A_1015] : memref<200x125xi32, #tpu.memory_space<vmem>> -> memref<1x125xi32, #tpu.memory_space<vmem>>
      %dma_wait3A_1017 = tpu.memref_squeeze %dma_wait3A_1016 : memref<1x125xi32, #tpu.memory_space<vmem>> -> memref<125xi32, #tpu.memory_space<vmem>>
      %dma_wait3A_1018 = arith.constant 0 : i32
      %dma_wait3A_1019 = arith.constant 0 : i32
      %dma_wait3A_1020 = tpu.memref_slice %arg3[%dma_wait3A_1018, %dma_wait3A_1019] : memref<800000x8xf32, #tpu.memory_space<hbm>> -> memref<800000x8xf32, #tpu.memory_space<hbm>>
      tpu.wait_indirect_dma semaphore(%arg7 : memref<!tpu.dma_semaphore, #tpu.memory_space<semaphore_mem>>) src(%dma_wait3A_1020 : memref<800000x8xf32, #tpu.memory_space<hbm>>) dst(%dma_wait3A_1014 : memref<125x8xf32, #tpu.memory_space<vmem>>)
      %mul3A_1021 = arith.constant 40 : i32
      %mul3A_1022 = arith.muli %scan3A_8, %mul3A_1021 : i32
      %add3A_1023 = arith.constant 38 : i32
      %add3A_1024 = arith.addi %mul3A_1022, %add3A_1023 : i32
      %dma_wait3A_1025 = arith.constant 4750 : i32
      %dma_wait3A_1026 = arith.constant 0 : i32
      %dma_wait3A_1027 = tpu.memref_slice %arg6[%dma_wait3A_1025, %dma_wait3A_1026] : memref<5000x8xf32, #tpu.memory_space<vmem>> -> memref<125x8xf32, #tpu.memory_space<vmem>>
      %dma_wait3A_1028 = arith.constant 0 : i32
      %dma_wait3A_1029 = tpu.memref_slice %arg5[%add3A_1024, %dma_wait3A_1028] : memref<200x125xi32, #tpu.memory_space<vmem>> -> memref<1x125xi32, #tpu.memory_space<vmem>>
      %dma_wait3A_1030 = tpu.memref_squeeze %dma_wait3A_1029 : memref<1x125xi32, #tpu.memory_space<vmem>> -> memref<125xi32, #tpu.memory_space<vmem>>
      %dma_wait3A_1031 = arith.constant 0 : i32
      %dma_wait3A_1032 = arith.constant 0 : i32
      %dma_wait3A_1033 = tpu.memref_slice %arg3[%dma_wait3A_1031, %dma_wait3A_1032] : memref<800000x8xf32, #tpu.memory_space<hbm>> -> memref<800000x8xf32, #tpu.memory_space<hbm>>
      tpu.wait_indirect_dma semaphore(%arg7 : memref<!tpu.dma_semaphore, #tpu.memory_space<semaphore_mem>>) src(%dma_wait3A_1033 : memref<800000x8xf32, #tpu.memory_space<hbm>>) dst(%dma_wait3A_1027 : memref<125x8xf32, #tpu.memory_space<vmem>>)
      %mul3A_1034 = arith.constant 40 : i32
      %mul3A_1035 = arith.muli %scan3A_8, %mul3A_1034 : i32
      %add3A_1036 = arith.constant 39 : i32
      %add3A_1037 = arith.addi %mul3A_1035, %add3A_1036 : i32
      %dma_wait3A_1038 = arith.constant 4875 : i32
      %dma_wait3A_1039 = arith.constant 0 : i32
      %dma_wait3A_1040 = tpu.memref_slice %arg6[%dma_wait3A_1038, %dma_wait3A_1039] : memref<5000x8xf32, #tpu.memory_space<vmem>> -> memref<125x8xf32, #tpu.memory_space<vmem>>
      %dma_wait3A_1041 = arith.constant 0 : i32
      %dma_wait3A_1042 = tpu.memref_slice %arg5[%add3A_1037, %dma_wait3A_1041] : memref<200x125xi32, #tpu.memory_space<vmem>> -> memref<1x125xi32, #tpu.memory_space<vmem>>
      %dma_wait3A_1043 = tpu.memref_squeeze %dma_wait3A_1042 : memref<1x125xi32, #tpu.memory_space<vmem>> -> memref<125xi32, #tpu.memory_space<vmem>>
      %dma_wait3A_1044 = arith.constant 0 : i32
      %dma_wait3A_1045 = arith.constant 0 : i32
      %dma_wait3A_1046 = tpu.memref_slice %arg3[%dma_wait3A_1044, %dma_wait3A_1045] : memref<800000x8xf32, #tpu.memory_space<hbm>> -> memref<800000x8xf32, #tpu.memory_space<hbm>>
      tpu.wait_indirect_dma semaphore(%arg7 : memref<!tpu.dma_semaphore, #tpu.memory_space<semaphore_mem>>) src(%dma_wait3A_1046 : memref<800000x8xf32, #tpu.memory_space<hbm>>) dst(%dma_wait3A_1040 : memref<125x8xf32, #tpu.memory_space<vmem>>)
      %mul3A_1047 = arith.constant 40 : i32
      %mul3A_1048 = arith.muli %scan3A_8, %mul3A_1047 : i32
      %add3A_1049 = arith.addi %mul3A_2, %mul3A_1048 : i32
      %mul3A_1050 = arith.constant 125 : i32
      %mul3A_1051 = arith.muli %add3A_1049, %mul3A_1050 : i32
      "tpu.region"() ({
        %run_scoped3A = tpu.sem_alloc : memref<!tpu.dma_semaphore, #tpu.memory_space<semaphore_mem>>
        %dma_start3A_1052 = arith.constant 0 : i32
        %dma_start3A_1053 = tpu.memref_slice %arg4[%mul3A_1051, %dma_start3A_1052] : memref<800000x8xf32, #tpu.memory_space<hbm>> -> memref<5000x8xf32, #tpu.memory_space<hbm>>
        %dma_start3A_1054 = arith.constant 0 : i32
        %dma_start3A_1055 = tpu.memref_slice %arg4[%mul3A_1051, %dma_start3A_1054] : memref<800000x8xf32, #tpu.memory_space<hbm>> -> memref<5000x8xf32, #tpu.memory_space<hbm>>
        tpu.enqueue_dma source(%arg6 : memref<5000x8xf32, #tpu.memory_space<vmem>>) target(%dma_start3A_1055 : memref<5000x8xf32, #tpu.memory_space<hbm>>) target_semaphore(%run_scoped3A : memref<!tpu.dma_semaphore, #tpu.memory_space<semaphore_mem>>)
        %dma_wait3A_1056 = arith.constant 0 : i32
        %dma_wait3A_1057 = tpu.memref_slice %arg4[%mul3A_1051, %dma_wait3A_1056] : memref<800000x8xf32, #tpu.memory_space<hbm>> -> memref<5000x8xf32, #tpu.memory_space<hbm>>
        %dma_wait3A_1058 = arith.constant 0 : i32
        %dma_wait3A_1059 = tpu.memref_slice %arg4[%mul3A_1051, %dma_wait3A_1058] : memref<800000x8xf32, #tpu.memory_space<hbm>> -> memref<5000x8xf32, #tpu.memory_space<hbm>>
        tpu.wait_dma2 semaphore(%run_scoped3A : memref<!tpu.dma_semaphore, #tpu.memory_space<semaphore_mem>>) src(%arg6 : memref<5000x8xf32, #tpu.memory_space<vmem>>) dst(%dma_wait3A_1059 : memref<5000x8xf32, #tpu.memory_space<hbm>>)
        tpu.yield
      }) : () -> ()
    }
    %scan3A_7 = arith.constant 5 : i32
    return
  }
}

#map = affine_map<(d0, d1) -> (0, 0)>
#map1 = affine_map<(d0, d1) -> (0, 0, 0)>
module attributes {stable_mosaic.version = 14 : i64} {
  func.func @_scatter(%arg0: i32, %arg1: i32, %arg2: memref<6400x125xi32, #tpu.memory_space<hbm>>, %arg3: memref<800000x16xf32, #tpu.memory_space<hbm>>, %arg4: memref<2x51200x16xf32, #tpu.memory_space<hbm>>, %arg5: memref<200x125xi32, #tpu.memory_space<vmem>>, %arg6: memref<2500x16xf32, #tpu.memory_space<vmem>>, %arg7: memref<128x16xf32, #tpu.memory_space<vmem>>, %arg8: memref<51200x16xf32, #tpu.memory_space<vmem_shared>>, %arg9: memref<!tpu.dma_semaphore, #tpu.memory_space<semaphore_mem>>) attributes {dimension_semantics = [#tpu.dimension_semantics<core_parallel>, #tpu.dimension_semantics<subcore_parallel>], iteration_bounds = array<i64: 2, 16>, scalar_prefetch = 0 : i64, scratch_operands = 5 : i64, tpu.core_type = #tpu.core_type<sc_vector_subcore>, window_params = [{transform_indices = #map}, {transform_indices = #map}, {transform_indices = #map1}]} {
    %mul3A = arith.constant 16 : i32
    %mul3A_0 = arith.muli %arg0, %mul3A : i32
    %add3A = arith.addi %mul3A_0, %arg1 : i32
    %mul3A_1 = arith.constant 200 : i32
    %mul3A_2 = arith.muli %add3A, %mul3A_1 : i32
    "tpu.region"() ({
      %run_scoped3A = tpu.sem_alloc : memref<!tpu.dma_semaphore, #tpu.memory_space<semaphore_mem>>
      %dma_start3A = arith.constant 0 : i32
      %dma_start3A_25 = tpu.memref_slice %arg2[%mul3A_2, %dma_start3A] : memref<6400x125xi32, #tpu.memory_space<hbm>> -> memref<200x125xi32, #tpu.memory_space<hbm>>
      %dma_start3A_26 = arith.constant 0 : i32
      %dma_start3A_27 = tpu.memref_slice %arg2[%mul3A_2, %dma_start3A_26] : memref<6400x125xi32, #tpu.memory_space<hbm>> -> memref<200x125xi32, #tpu.memory_space<hbm>>
      tpu.enqueue_dma source(%dma_start3A_27 : memref<200x125xi32, #tpu.memory_space<hbm>>) target(%arg5 : memref<200x125xi32, #tpu.memory_space<vmem>>) target_semaphore(%run_scoped3A : memref<!tpu.dma_semaphore, #tpu.memory_space<semaphore_mem>>)
      %dma_wait3A = arith.constant 0 : i32
      %dma_wait3A_28 = tpu.memref_slice %arg2[%mul3A_2, %dma_wait3A] : memref<6400x125xi32, #tpu.memory_space<hbm>> -> memref<200x125xi32, #tpu.memory_space<hbm>>
      %dma_wait3A_29 = arith.constant 0 : i32
      %dma_wait3A_30 = tpu.memref_slice %arg2[%mul3A_2, %dma_wait3A_29] : memref<6400x125xi32, #tpu.memory_space<hbm>> -> memref<200x125xi32, #tpu.memory_space<hbm>>
      tpu.wait_dma2 semaphore(%run_scoped3A : memref<!tpu.dma_semaphore, #tpu.memory_space<semaphore_mem>>) src(%dma_wait3A_30 : memref<200x125xi32, #tpu.memory_space<hbm>>) dst(%arg5 : memref<200x125xi32, #tpu.memory_space<vmem>>)
      tpu.yield
    }) : () -> ()
    %scan3A = arith.constant 0 : i32
    %scan3A_3 = arith.constant 0 : i32
    %scan3A_4 = arith.constant 128 : i32
    %scan3A_5 = arith.addi %scan3A_3, %scan3A_4 : i32
    %scan3A_6 = arith.constant 1 : i32
    scf.for %scan3A_25 = %scan3A_3 to %scan3A_5 step %scan3A_6  : i32 {
      %broadcast_in_dim3A = arith.constant 0.000000e+00 : f32
      %broadcast_in_dim3A_26 = vector.broadcast %broadcast_in_dim3A : f32 to vector<16xf32>
      %swap3A = arith.index_cast %scan3A_25 : i32 to index
      %swap3A_27 = arith.constant 0 : index
      %swap3A_28 = tpu.vector_load %arg7[%swap3A, %swap3A_27] {strides = array<i32>} : memref<128x16xf32, #tpu.memory_space<vmem>>, vector<1x16xf32>,
      %swap3A_29 = vector.shape_cast %swap3A_28 : vector<1x16xf32> to vector<16xf32>
      %swap3A_30 = vector.shape_cast %broadcast_in_dim3A_26 : vector<16xf32> to vector<1x16xf32>
      tpu.vector_store %arg7[%swap3A, %swap3A_27], %swap3A_30 {strides = array<i32>} : memref<128x16xf32, #tpu.memory_space<vmem>>, vector<1x16xf32>,
    }
    %scan3A_7 = arith.constant 128 : i32
    %scan3A_8 = arith.constant 0 : i32
    %scan3A_9 = arith.constant 0 : i32
    %scan3A_10 = arith.constant 25 : i32
    %scan3A_11 = arith.addi %scan3A_9, %scan3A_10 : i32
    %scan3A_12 = arith.constant 1 : i32
    scf.for %scan3A_25 = %scan3A_9 to %scan3A_11 step %scan3A_12  : i32 {
      %mul3A_26 = arith.constant 3200 : i32
      %mul3A_27 = arith.muli %arg1, %mul3A_26 : i32
      %mul3A_28 = arith.constant 128 : i32
      %mul3A_29 = arith.muli %scan3A_25, %mul3A_28 : i32
      %add3A_30 = arith.addi %mul3A_27, %mul3A_29 : i32
      "tpu.region"() ({
        %run_scoped3A = tpu.sem_alloc : memref<!tpu.dma_semaphore, #tpu.memory_space<semaphore_mem>>
        %dma_start3A = arith.constant 0 : i32
        %dma_start3A_31 = tpu.memref_slice %arg8[%add3A_30, %dma_start3A] : memref<51200x16xf32, #tpu.memory_space<vmem_shared>> -> memref<128x16xf32, #tpu.memory_space<vmem_shared>>
        %dma_start3A_32 = arith.constant 0 : i32
        %dma_start3A_33 = tpu.memref_slice %arg8[%add3A_30, %dma_start3A_32] : memref<51200x16xf32, #tpu.memory_space<vmem_shared>> -> memref<128x16xf32, #tpu.memory_space<vmem_shared>>
        tpu.enqueue_dma source(%arg7 : memref<128x16xf32, #tpu.memory_space<vmem>>) target(%dma_start3A_33 : memref<128x16xf32, #tpu.memory_space<vmem_shared>>) target_semaphore(%run_scoped3A : memref<!tpu.dma_semaphore, #tpu.memory_space<semaphore_mem>>)
        %dma_wait3A = arith.constant 0 : i32
        %dma_wait3A_34 = tpu.memref_slice %arg8[%add3A_30, %dma_wait3A] : memref<51200x16xf32, #tpu.memory_space<vmem_shared>> -> memref<128x16xf32, #tpu.memory_space<vmem_shared>>
        %dma_wait3A_35 = arith.constant 0 : i32
        %dma_wait3A_36 = tpu.memref_slice %arg8[%add3A_30, %dma_wait3A_35] : memref<51200x16xf32, #tpu.memory_space<vmem_shared>> -> memref<128x16xf32, #tpu.memory_space<vmem_shared>>
        tpu.wait_dma2 semaphore(%run_scoped3A : memref<!tpu.dma_semaphore, #tpu.memory_space<semaphore_mem>>) src(%arg7 : memref<128x16xf32, #tpu.memory_space<vmem>>) dst(%dma_wait3A_36 : memref<128x16xf32, #tpu.memory_space<vmem_shared>>)
        tpu.yield
      }) : () -> ()
    }
    %scan3A_13 = arith.constant 25 : i32
    %barrier3A = arith.constant 0 : index
    tpu.barrier barrier_id(%barrier3A)
    %scan3A_14 = arith.constant 0 : i32
    %scan3A_15 = arith.constant 0 : i32
    %scan3A_16 = arith.constant 10 : i32
    %scan3A_17 = arith.addi %scan3A_15, %scan3A_16 : i32
    %scan3A_18 = arith.constant 1 : i32
    scf.for %scan3A_25 = %scan3A_15 to %scan3A_17 step %scan3A_18  : i32 {
      %mul3A_26 = arith.constant 20 : i32
      %mul3A_27 = arith.muli %scan3A_25, %mul3A_26 : i32
      %add3A_28 = arith.addi %mul3A_2, %mul3A_27 : i32
      %mul3A_29 = arith.constant 125 : i32
      %mul3A_30 = arith.muli %add3A_28, %mul3A_29 : i32
      "tpu.region"() ({
        %run_scoped3A = tpu.sem_alloc : memref<!tpu.dma_semaphore, #tpu.memory_space<semaphore_mem>>
        %dma_start3A_549 = arith.constant 0 : i32
        %dma_start3A_550 = tpu.memref_slice %arg3[%mul3A_30, %dma_start3A_549] : memref<800000x16xf32, #tpu.memory_space<hbm>> -> memref<2500x16xf32, #tpu.memory_space<hbm>>
        %dma_start3A_551 = arith.constant 0 : i32
        %dma_start3A_552 = tpu.memref_slice %arg3[%mul3A_30, %dma_start3A_551] : memref<800000x16xf32, #tpu.memory_space<hbm>> -> memref<2500x16xf32, #tpu.memory_space<hbm>>
        tpu.enqueue_dma source(%dma_start3A_552 : memref<2500x16xf32, #tpu.memory_space<hbm>>) target(%arg6 : memref<2500x16xf32, #tpu.memory_space<vmem>>) target_semaphore(%run_scoped3A : memref<!tpu.dma_semaphore, #tpu.memory_space<semaphore_mem>>)
        %dma_wait3A_553 = arith.constant 0 : i32
        %dma_wait3A_554 = tpu.memref_slice %arg3[%mul3A_30, %dma_wait3A_553] : memref<800000x16xf32, #tpu.memory_space<hbm>> -> memref<2500x16xf32, #tpu.memory_space<hbm>>
        %dma_wait3A_555 = arith.constant 0 : i32
        %dma_wait3A_556 = tpu.memref_slice %arg3[%mul3A_30, %dma_wait3A_555] : memref<800000x16xf32, #tpu.memory_space<hbm>> -> memref<2500x16xf32, #tpu.memory_space<hbm>>
        tpu.wait_dma2 semaphore(%run_scoped3A : memref<!tpu.dma_semaphore, #tpu.memory_space<semaphore_mem>>) src(%dma_wait3A_556 : memref<2500x16xf32, #tpu.memory_space<hbm>>) dst(%arg6 : memref<2500x16xf32, #tpu.memory_space<vmem>>)
        tpu.yield
      }) : () -> ()
      %mul3A_31 = arith.constant 20 : i32
      %mul3A_32 = arith.muli %scan3A_25, %mul3A_31 : i32
      %add3A_33 = arith.constant 0 : i32
      %add3A_34 = arith.addi %mul3A_32, %add3A_33 : i32
      %dma_start3A = arith.constant 0 : i32
      %dma_start3A_35 = arith.constant 0 : i32
      %dma_start3A_36 = tpu.memref_slice %arg6[%dma_start3A, %dma_start3A_35] : memref<2500x16xf32, #tpu.memory_space<vmem>> -> memref<125x16xf32, #tpu.memory_space<vmem>>
      %dma_start3A_37 = arith.constant 0 : i32
      %dma_start3A_38 = tpu.memref_slice %arg5[%add3A_34, %dma_start3A_37] : memref<200x125xi32, #tpu.memory_space<vmem>> -> memref<1x125xi32, #tpu.memory_space<vmem>>
      %dma_start3A_39 = tpu.memref_squeeze %dma_start3A_38 : memref<1x125xi32, #tpu.memory_space<vmem>> -> memref<125xi32, #tpu.memory_space<vmem>>
      %dma_start3A_40 = arith.constant 0 : i32
      %dma_start3A_41 = arith.constant 0 : i32
      %dma_start3A_42 = tpu.memref_slice %arg8[%dma_start3A_40, %dma_start3A_41] : memref<51200x16xf32, #tpu.memory_space<vmem_shared>> -> memref<51200x16xf32, #tpu.memory_space<vmem_shared>>
      tpu.enqueue_indirect_dma source(%dma_start3A_36 : memref<125x16xf32, #tpu.memory_space<vmem>>) target(%dma_start3A_42 : memref<51200x16xf32, #tpu.memory_space<vmem_shared>>) offsets(%dma_start3A_39 : memref<125xi32, #tpu.memory_space<vmem>>) semaphore(%arg9 : memref<!tpu.dma_semaphore, #tpu.memory_space<semaphore_mem>>) {add = true}
      %mul3A_43 = arith.constant 20 : i32
      %mul3A_44 = arith.muli %scan3A_25, %mul3A_43 : i32
      %add3A_45 = arith.constant 1 : i32
      %add3A_46 = arith.addi %mul3A_44, %add3A_45 : i32
      %dma_start3A_47 = arith.constant 125 : i32
      %dma_start3A_48 = arith.constant 0 : i32
      %dma_start3A_49 = tpu.memref_slice %arg6[%dma_start3A_47, %dma_start3A_48] : memref<2500x16xf32, #tpu.memory_space<vmem>> -> memref<125x16xf32, #tpu.memory_space<vmem>>
      %dma_start3A_50 = arith.constant 0 : i32
      %dma_start3A_51 = tpu.memref_slice %arg5[%add3A_46, %dma_start3A_50] : memref<200x125xi32, #tpu.memory_space<vmem>> -> memref<1x125xi32, #tpu.memory_space<vmem>>
      %dma_start3A_52 = tpu.memref_squeeze %dma_start3A_51 : memref<1x125xi32, #tpu.memory_space<vmem>> -> memref<125xi32, #tpu.memory_space<vmem>>
      %dma_start3A_53 = arith.constant 0 : i32
      %dma_start3A_54 = arith.constant 0 : i32
      %dma_start3A_55 = tpu.memref_slice %arg8[%dma_start3A_53, %dma_start3A_54] : memref<51200x16xf32, #tpu.memory_space<vmem_shared>> -> memref<51200x16xf32, #tpu.memory_space<vmem_shared>>
      tpu.enqueue_indirect_dma source(%dma_start3A_49 : memref<125x16xf32, #tpu.memory_space<vmem>>) target(%dma_start3A_55 : memref<51200x16xf32, #tpu.memory_space<vmem_shared>>) offsets(%dma_start3A_52 : memref<125xi32, #tpu.memory_space<vmem>>) semaphore(%arg9 : memref<!tpu.dma_semaphore, #tpu.memory_space<semaphore_mem>>) {add = true}
      %mul3A_56 = arith.constant 20 : i32
      %mul3A_57 = arith.muli %scan3A_25, %mul3A_56 : i32
      %add3A_58 = arith.constant 2 : i32
      %add3A_59 = arith.addi %mul3A_57, %add3A_58 : i32
      %dma_start3A_60 = arith.constant 250 : i32
      %dma_start3A_61 = arith.constant 0 : i32
      %dma_start3A_62 = tpu.memref_slice %arg6[%dma_start3A_60, %dma_start3A_61] : memref<2500x16xf32, #tpu.memory_space<vmem>> -> memref<125x16xf32, #tpu.memory_space<vmem>>
      %dma_start3A_63 = arith.constant 0 : i32
      %dma_start3A_64 = tpu.memref_slice %arg5[%add3A_59, %dma_start3A_63] : memref<200x125xi32, #tpu.memory_space<vmem>> -> memref<1x125xi32, #tpu.memory_space<vmem>>
      %dma_start3A_65 = tpu.memref_squeeze %dma_start3A_64 : memref<1x125xi32, #tpu.memory_space<vmem>> -> memref<125xi32, #tpu.memory_space<vmem>>
      %dma_start3A_66 = arith.constant 0 : i32
      %dma_start3A_67 = arith.constant 0 : i32
      %dma_start3A_68 = tpu.memref_slice %arg8[%dma_start3A_66, %dma_start3A_67] : memref<51200x16xf32, #tpu.memory_space<vmem_shared>> -> memref<51200x16xf32, #tpu.memory_space<vmem_shared>>
      tpu.enqueue_indirect_dma source(%dma_start3A_62 : memref<125x16xf32, #tpu.memory_space<vmem>>) target(%dma_start3A_68 : memref<51200x16xf32, #tpu.memory_space<vmem_shared>>) offsets(%dma_start3A_65 : memref<125xi32, #tpu.memory_space<vmem>>) semaphore(%arg9 : memref<!tpu.dma_semaphore, #tpu.memory_space<semaphore_mem>>) {add = true}
      %mul3A_69 = arith.constant 20 : i32
      %mul3A_70 = arith.muli %scan3A_25, %mul3A_69 : i32
      %add3A_71 = arith.constant 3 : i32
      %add3A_72 = arith.addi %mul3A_70, %add3A_71 : i32
      %dma_start3A_73 = arith.constant 375 : i32
      %dma_start3A_74 = arith.constant 0 : i32
      %dma_start3A_75 = tpu.memref_slice %arg6[%dma_start3A_73, %dma_start3A_74] : memref<2500x16xf32, #tpu.memory_space<vmem>> -> memref<125x16xf32, #tpu.memory_space<vmem>>
      %dma_start3A_76 = arith.constant 0 : i32
      %dma_start3A_77 = tpu.memref_slice %arg5[%add3A_72, %dma_start3A_76] : memref<200x125xi32, #tpu.memory_space<vmem>> -> memref<1x125xi32, #tpu.memory_space<vmem>>
      %dma_start3A_78 = tpu.memref_squeeze %dma_start3A_77 : memref<1x125xi32, #tpu.memory_space<vmem>> -> memref<125xi32, #tpu.memory_space<vmem>>
      %dma_start3A_79 = arith.constant 0 : i32
      %dma_start3A_80 = arith.constant 0 : i32
      %dma_start3A_81 = tpu.memref_slice %arg8[%dma_start3A_79, %dma_start3A_80] : memref<51200x16xf32, #tpu.memory_space<vmem_shared>> -> memref<51200x16xf32, #tpu.memory_space<vmem_shared>>
      tpu.enqueue_indirect_dma source(%dma_start3A_75 : memref<125x16xf32, #tpu.memory_space<vmem>>) target(%dma_start3A_81 : memref<51200x16xf32, #tpu.memory_space<vmem_shared>>) offsets(%dma_start3A_78 : memref<125xi32, #tpu.memory_space<vmem>>) semaphore(%arg9 : memref<!tpu.dma_semaphore, #tpu.memory_space<semaphore_mem>>) {add = true}
      %mul3A_82 = arith.constant 20 : i32
      %mul3A_83 = arith.muli %scan3A_25, %mul3A_82 : i32
      %add3A_84 = arith.constant 4 : i32
      %add3A_85 = arith.addi %mul3A_83, %add3A_84 : i32
      %dma_start3A_86 = arith.constant 500 : i32
      %dma_start3A_87 = arith.constant 0 : i32
      %dma_start3A_88 = tpu.memref_slice %arg6[%dma_start3A_86, %dma_start3A_87] : memref<2500x16xf32, #tpu.memory_space<vmem>> -> memref<125x16xf32, #tpu.memory_space<vmem>>
      %dma_start3A_89 = arith.constant 0 : i32
      %dma_start3A_90 = tpu.memref_slice %arg5[%add3A_85, %dma_start3A_89] : memref<200x125xi32, #tpu.memory_space<vmem>> -> memref<1x125xi32, #tpu.memory_space<vmem>>
      %dma_start3A_91 = tpu.memref_squeeze %dma_start3A_90 : memref<1x125xi32, #tpu.memory_space<vmem>> -> memref<125xi32, #tpu.memory_space<vmem>>
      %dma_start3A_92 = arith.constant 0 : i32
      %dma_start3A_93 = arith.constant 0 : i32
      %dma_start3A_94 = tpu.memref_slice %arg8[%dma_start3A_92, %dma_start3A_93] : memref<51200x16xf32, #tpu.memory_space<vmem_shared>> -> memref<51200x16xf32, #tpu.memory_space<vmem_shared>>
      tpu.enqueue_indirect_dma source(%dma_start3A_88 : memref<125x16xf32, #tpu.memory_space<vmem>>) target(%dma_start3A_94 : memref<51200x16xf32, #tpu.memory_space<vmem_shared>>) offsets(%dma_start3A_91 : memref<125xi32, #tpu.memory_space<vmem>>) semaphore(%arg9 : memref<!tpu.dma_semaphore, #tpu.memory_space<semaphore_mem>>) {add = true}
      %mul3A_95 = arith.constant 20 : i32
      %mul3A_96 = arith.muli %scan3A_25, %mul3A_95 : i32
      %add3A_97 = arith.constant 5 : i32
      %add3A_98 = arith.addi %mul3A_96, %add3A_97 : i32
      %dma_start3A_99 = arith.constant 625 : i32
      %dma_start3A_100 = arith.constant 0 : i32
      %dma_start3A_101 = tpu.memref_slice %arg6[%dma_start3A_99, %dma_start3A_100] : memref<2500x16xf32, #tpu.memory_space<vmem>> -> memref<125x16xf32, #tpu.memory_space<vmem>>
      %dma_start3A_102 = arith.constant 0 : i32
      %dma_start3A_103 = tpu.memref_slice %arg5[%add3A_98, %dma_start3A_102] : memref<200x125xi32, #tpu.memory_space<vmem>> -> memref<1x125xi32, #tpu.memory_space<vmem>>
      %dma_start3A_104 = tpu.memref_squeeze %dma_start3A_103 : memref<1x125xi32, #tpu.memory_space<vmem>> -> memref<125xi32, #tpu.memory_space<vmem>>
      %dma_start3A_105 = arith.constant 0 : i32
      %dma_start3A_106 = arith.constant 0 : i32
      %dma_start3A_107 = tpu.memref_slice %arg8[%dma_start3A_105, %dma_start3A_106] : memref<51200x16xf32, #tpu.memory_space<vmem_shared>> -> memref<51200x16xf32, #tpu.memory_space<vmem_shared>>
      tpu.enqueue_indirect_dma source(%dma_start3A_101 : memref<125x16xf32, #tpu.memory_space<vmem>>) target(%dma_start3A_107 : memref<51200x16xf32, #tpu.memory_space<vmem_shared>>) offsets(%dma_start3A_104 : memref<125xi32, #tpu.memory_space<vmem>>) semaphore(%arg9 : memref<!tpu.dma_semaphore, #tpu.memory_space<semaphore_mem>>) {add = true}
      %mul3A_108 = arith.constant 20 : i32
      %mul3A_109 = arith.muli %scan3A_25, %mul3A_108 : i32
      %add3A_110 = arith.constant 6 : i32
      %add3A_111 = arith.addi %mul3A_109, %add3A_110 : i32
      %dma_start3A_112 = arith.constant 750 : i32
      %dma_start3A_113 = arith.constant 0 : i32
      %dma_start3A_114 = tpu.memref_slice %arg6[%dma_start3A_112, %dma_start3A_113] : memref<2500x16xf32, #tpu.memory_space<vmem>> -> memref<125x16xf32, #tpu.memory_space<vmem>>
      %dma_start3A_115 = arith.constant 0 : i32
      %dma_start3A_116 = tpu.memref_slice %arg5[%add3A_111, %dma_start3A_115] : memref<200x125xi32, #tpu.memory_space<vmem>> -> memref<1x125xi32, #tpu.memory_space<vmem>>
      %dma_start3A_117 = tpu.memref_squeeze %dma_start3A_116 : memref<1x125xi32, #tpu.memory_space<vmem>> -> memref<125xi32, #tpu.memory_space<vmem>>
      %dma_start3A_118 = arith.constant 0 : i32
      %dma_start3A_119 = arith.constant 0 : i32
      %dma_start3A_120 = tpu.memref_slice %arg8[%dma_start3A_118, %dma_start3A_119] : memref<51200x16xf32, #tpu.memory_space<vmem_shared>> -> memref<51200x16xf32, #tpu.memory_space<vmem_shared>>
      tpu.enqueue_indirect_dma source(%dma_start3A_114 : memref<125x16xf32, #tpu.memory_space<vmem>>) target(%dma_start3A_120 : memref<51200x16xf32, #tpu.memory_space<vmem_shared>>) offsets(%dma_start3A_117 : memref<125xi32, #tpu.memory_space<vmem>>) semaphore(%arg9 : memref<!tpu.dma_semaphore, #tpu.memory_space<semaphore_mem>>) {add = true}
      %mul3A_121 = arith.constant 20 : i32
      %mul3A_122 = arith.muli %scan3A_25, %mul3A_121 : i32
      %add3A_123 = arith.constant 7 : i32
      %add3A_124 = arith.addi %mul3A_122, %add3A_123 : i32
      %dma_start3A_125 = arith.constant 875 : i32
      %dma_start3A_126 = arith.constant 0 : i32
      %dma_start3A_127 = tpu.memref_slice %arg6[%dma_start3A_125, %dma_start3A_126] : memref<2500x16xf32, #tpu.memory_space<vmem>> -> memref<125x16xf32, #tpu.memory_space<vmem>>
      %dma_start3A_128 = arith.constant 0 : i32
      %dma_start3A_129 = tpu.memref_slice %arg5[%add3A_124, %dma_start3A_128] : memref<200x125xi32, #tpu.memory_space<vmem>> -> memref<1x125xi32, #tpu.memory_space<vmem>>
      %dma_start3A_130 = tpu.memref_squeeze %dma_start3A_129 : memref<1x125xi32, #tpu.memory_space<vmem>> -> memref<125xi32, #tpu.memory_space<vmem>>
      %dma_start3A_131 = arith.constant 0 : i32
      %dma_start3A_132 = arith.constant 0 : i32
      %dma_start3A_133 = tpu.memref_slice %arg8[%dma_start3A_131, %dma_start3A_132] : memref<51200x16xf32, #tpu.memory_space<vmem_shared>> -> memref<51200x16xf32, #tpu.memory_space<vmem_shared>>
      tpu.enqueue_indirect_dma source(%dma_start3A_127 : memref<125x16xf32, #tpu.memory_space<vmem>>) target(%dma_start3A_133 : memref<51200x16xf32, #tpu.memory_space<vmem_shared>>) offsets(%dma_start3A_130 : memref<125xi32, #tpu.memory_space<vmem>>) semaphore(%arg9 : memref<!tpu.dma_semaphore, #tpu.memory_space<semaphore_mem>>) {add = true}
      %mul3A_134 = arith.constant 20 : i32
      %mul3A_135 = arith.muli %scan3A_25, %mul3A_134 : i32
      %add3A_136 = arith.constant 8 : i32
      %add3A_137 = arith.addi %mul3A_135, %add3A_136 : i32
      %dma_start3A_138 = arith.constant 1000 : i32
      %dma_start3A_139 = arith.constant 0 : i32
      %dma_start3A_140 = tpu.memref_slice %arg6[%dma_start3A_138, %dma_start3A_139] : memref<2500x16xf32, #tpu.memory_space<vmem>> -> memref<125x16xf32, #tpu.memory_space<vmem>>
      %dma_start3A_141 = arith.constant 0 : i32
      %dma_start3A_142 = tpu.memref_slice %arg5[%add3A_137, %dma_start3A_141] : memref<200x125xi32, #tpu.memory_space<vmem>> -> memref<1x125xi32, #tpu.memory_space<vmem>>
      %dma_start3A_143 = tpu.memref_squeeze %dma_start3A_142 : memref<1x125xi32, #tpu.memory_space<vmem>> -> memref<125xi32, #tpu.memory_space<vmem>>
      %dma_start3A_144 = arith.constant 0 : i32
      %dma_start3A_145 = arith.constant 0 : i32
      %dma_start3A_146 = tpu.memref_slice %arg8[%dma_start3A_144, %dma_start3A_145] : memref<51200x16xf32, #tpu.memory_space<vmem_shared>> -> memref<51200x16xf32, #tpu.memory_space<vmem_shared>>
      tpu.enqueue_indirect_dma source(%dma_start3A_140 : memref<125x16xf32, #tpu.memory_space<vmem>>) target(%dma_start3A_146 : memref<51200x16xf32, #tpu.memory_space<vmem_shared>>) offsets(%dma_start3A_143 : memref<125xi32, #tpu.memory_space<vmem>>) semaphore(%arg9 : memref<!tpu.dma_semaphore, #tpu.memory_space<semaphore_mem>>) {add = true}
      %mul3A_147 = arith.constant 20 : i32
      %mul3A_148 = arith.muli %scan3A_25, %mul3A_147 : i32
      %add3A_149 = arith.constant 9 : i32
      %add3A_150 = arith.addi %mul3A_148, %add3A_149 : i32
      %dma_start3A_151 = arith.constant 1125 : i32
      %dma_start3A_152 = arith.constant 0 : i32
      %dma_start3A_153 = tpu.memref_slice %arg6[%dma_start3A_151, %dma_start3A_152] : memref<2500x16xf32, #tpu.memory_space<vmem>> -> memref<125x16xf32, #tpu.memory_space<vmem>>
      %dma_start3A_154 = arith.constant 0 : i32
      %dma_start3A_155 = tpu.memref_slice %arg5[%add3A_150, %dma_start3A_154] : memref<200x125xi32, #tpu.memory_space<vmem>> -> memref<1x125xi32, #tpu.memory_space<vmem>>
      %dma_start3A_156 = tpu.memref_squeeze %dma_start3A_155 : memref<1x125xi32, #tpu.memory_space<vmem>> -> memref<125xi32, #tpu.memory_space<vmem>>
      %dma_start3A_157 = arith.constant 0 : i32
      %dma_start3A_158 = arith.constant 0 : i32
      %dma_start3A_159 = tpu.memref_slice %arg8[%dma_start3A_157, %dma_start3A_158] : memref<51200x16xf32, #tpu.memory_space<vmem_shared>> -> memref<51200x16xf32, #tpu.memory_space<vmem_shared>>
      tpu.enqueue_indirect_dma source(%dma_start3A_153 : memref<125x16xf32, #tpu.memory_space<vmem>>) target(%dma_start3A_159 : memref<51200x16xf32, #tpu.memory_space<vmem_shared>>) offsets(%dma_start3A_156 : memref<125xi32, #tpu.memory_space<vmem>>) semaphore(%arg9 : memref<!tpu.dma_semaphore, #tpu.memory_space<semaphore_mem>>) {add = true}
      %mul3A_160 = arith.constant 20 : i32
      %mul3A_161 = arith.muli %scan3A_25, %mul3A_160 : i32
      %add3A_162 = arith.constant 10 : i32
      %add3A_163 = arith.addi %mul3A_161, %add3A_162 : i32
      %dma_start3A_164 = arith.constant 1250 : i32
      %dma_start3A_165 = arith.constant 0 : i32
      %dma_start3A_166 = tpu.memref_slice %arg6[%dma_start3A_164, %dma_start3A_165] : memref<2500x16xf32, #tpu.memory_space<vmem>> -> memref<125x16xf32, #tpu.memory_space<vmem>>
      %dma_start3A_167 = arith.constant 0 : i32
      %dma_start3A_168 = tpu.memref_slice %arg5[%add3A_163, %dma_start3A_167] : memref<200x125xi32, #tpu.memory_space<vmem>> -> memref<1x125xi32, #tpu.memory_space<vmem>>
      %dma_start3A_169 = tpu.memref_squeeze %dma_start3A_168 : memref<1x125xi32, #tpu.memory_space<vmem>> -> memref<125xi32, #tpu.memory_space<vmem>>
      %dma_start3A_170 = arith.constant 0 : i32
      %dma_start3A_171 = arith.constant 0 : i32
      %dma_start3A_172 = tpu.memref_slice %arg8[%dma_start3A_170, %dma_start3A_171] : memref<51200x16xf32, #tpu.memory_space<vmem_shared>> -> memref<51200x16xf32, #tpu.memory_space<vmem_shared>>
      tpu.enqueue_indirect_dma source(%dma_start3A_166 : memref<125x16xf32, #tpu.memory_space<vmem>>) target(%dma_start3A_172 : memref<51200x16xf32, #tpu.memory_space<vmem_shared>>) offsets(%dma_start3A_169 : memref<125xi32, #tpu.memory_space<vmem>>) semaphore(%arg9 : memref<!tpu.dma_semaphore, #tpu.memory_space<semaphore_mem>>) {add = true}
      %mul3A_173 = arith.constant 20 : i32
      %mul3A_174 = arith.muli %scan3A_25, %mul3A_173 : i32
      %add3A_175 = arith.constant 11 : i32
      %add3A_176 = arith.addi %mul3A_174, %add3A_175 : i32
      %dma_start3A_177 = arith.constant 1375 : i32
      %dma_start3A_178 = arith.constant 0 : i32
      %dma_start3A_179 = tpu.memref_slice %arg6[%dma_start3A_177, %dma_start3A_178] : memref<2500x16xf32, #tpu.memory_space<vmem>> -> memref<125x16xf32, #tpu.memory_space<vmem>>
      %dma_start3A_180 = arith.constant 0 : i32
      %dma_start3A_181 = tpu.memref_slice %arg5[%add3A_176, %dma_start3A_180] : memref<200x125xi32, #tpu.memory_space<vmem>> -> memref<1x125xi32, #tpu.memory_space<vmem>>
      %dma_start3A_182 = tpu.memref_squeeze %dma_start3A_181 : memref<1x125xi32, #tpu.memory_space<vmem>> -> memref<125xi32, #tpu.memory_space<vmem>>
      %dma_start3A_183 = arith.constant 0 : i32
      %dma_start3A_184 = arith.constant 0 : i32
      %dma_start3A_185 = tpu.memref_slice %arg8[%dma_start3A_183, %dma_start3A_184] : memref<51200x16xf32, #tpu.memory_space<vmem_shared>> -> memref<51200x16xf32, #tpu.memory_space<vmem_shared>>
      tpu.enqueue_indirect_dma source(%dma_start3A_179 : memref<125x16xf32, #tpu.memory_space<vmem>>) target(%dma_start3A_185 : memref<51200x16xf32, #tpu.memory_space<vmem_shared>>) offsets(%dma_start3A_182 : memref<125xi32, #tpu.memory_space<vmem>>) semaphore(%arg9 : memref<!tpu.dma_semaphore, #tpu.memory_space<semaphore_mem>>) {add = true}
      %mul3A_186 = arith.constant 20 : i32
      %mul3A_187 = arith.muli %scan3A_25, %mul3A_186 : i32
      %add3A_188 = arith.constant 12 : i32
      %add3A_189 = arith.addi %mul3A_187, %add3A_188 : i32
      %dma_start3A_190 = arith.constant 1500 : i32
      %dma_start3A_191 = arith.constant 0 : i32
      %dma_start3A_192 = tpu.memref_slice %arg6[%dma_start3A_190, %dma_start3A_191] : memref<2500x16xf32, #tpu.memory_space<vmem>> -> memref<125x16xf32, #tpu.memory_space<vmem>>
      %dma_start3A_193 = arith.constant 0 : i32
      %dma_start3A_194 = tpu.memref_slice %arg5[%add3A_189, %dma_start3A_193] : memref<200x125xi32, #tpu.memory_space<vmem>> -> memref<1x125xi32, #tpu.memory_space<vmem>>
      %dma_start3A_195 = tpu.memref_squeeze %dma_start3A_194 : memref<1x125xi32, #tpu.memory_space<vmem>> -> memref<125xi32, #tpu.memory_space<vmem>>
      %dma_start3A_196 = arith.constant 0 : i32
      %dma_start3A_197 = arith.constant 0 : i32
      %dma_start3A_198 = tpu.memref_slice %arg8[%dma_start3A_196, %dma_start3A_197] : memref<51200x16xf32, #tpu.memory_space<vmem_shared>> -> memref<51200x16xf32, #tpu.memory_space<vmem_shared>>
      tpu.enqueue_indirect_dma source(%dma_start3A_192 : memref<125x16xf32, #tpu.memory_space<vmem>>) target(%dma_start3A_198 : memref<51200x16xf32, #tpu.memory_space<vmem_shared>>) offsets(%dma_start3A_195 : memref<125xi32, #tpu.memory_space<vmem>>) semaphore(%arg9 : memref<!tpu.dma_semaphore, #tpu.memory_space<semaphore_mem>>) {add = true}
      %mul3A_199 = arith.constant 20 : i32
      %mul3A_200 = arith.muli %scan3A_25, %mul3A_199 : i32
      %add3A_201 = arith.constant 13 : i32
      %add3A_202 = arith.addi %mul3A_200, %add3A_201 : i32
      %dma_start3A_203 = arith.constant 1625 : i32
      %dma_start3A_204 = arith.constant 0 : i32
      %dma_start3A_205 = tpu.memref_slice %arg6[%dma_start3A_203, %dma_start3A_204] : memref<2500x16xf32, #tpu.memory_space<vmem>> -> memref<125x16xf32, #tpu.memory_space<vmem>>
      %dma_start3A_206 = arith.constant 0 : i32
      %dma_start3A_207 = tpu.memref_slice %arg5[%add3A_202, %dma_start3A_206] : memref<200x125xi32, #tpu.memory_space<vmem>> -> memref<1x125xi32, #tpu.memory_space<vmem>>
      %dma_start3A_208 = tpu.memref_squeeze %dma_start3A_207 : memref<1x125xi32, #tpu.memory_space<vmem>> -> memref<125xi32, #tpu.memory_space<vmem>>
      %dma_start3A_209 = arith.constant 0 : i32
      %dma_start3A_210 = arith.constant 0 : i32
      %dma_start3A_211 = tpu.memref_slice %arg8[%dma_start3A_209, %dma_start3A_210] : memref<51200x16xf32, #tpu.memory_space<vmem_shared>> -> memref<51200x16xf32, #tpu.memory_space<vmem_shared>>
      tpu.enqueue_indirect_dma source(%dma_start3A_205 : memref<125x16xf32, #tpu.memory_space<vmem>>) target(%dma_start3A_211 : memref<51200x16xf32, #tpu.memory_space<vmem_shared>>) offsets(%dma_start3A_208 : memref<125xi32, #tpu.memory_space<vmem>>) semaphore(%arg9 : memref<!tpu.dma_semaphore, #tpu.memory_space<semaphore_mem>>) {add = true}
      %mul3A_212 = arith.constant 20 : i32
      %mul3A_213 = arith.muli %scan3A_25, %mul3A_212 : i32
      %add3A_214 = arith.constant 14 : i32
      %add3A_215 = arith.addi %mul3A_213, %add3A_214 : i32
      %dma_start3A_216 = arith.constant 1750 : i32
      %dma_start3A_217 = arith.constant 0 : i32
      %dma_start3A_218 = tpu.memref_slice %arg6[%dma_start3A_216, %dma_start3A_217] : memref<2500x16xf32, #tpu.memory_space<vmem>> -> memref<125x16xf32, #tpu.memory_space<vmem>>
      %dma_start3A_219 = arith.constant 0 : i32
      %dma_start3A_220 = tpu.memref_slice %arg5[%add3A_215, %dma_start3A_219] : memref<200x125xi32, #tpu.memory_space<vmem>> -> memref<1x125xi32, #tpu.memory_space<vmem>>
      %dma_start3A_221 = tpu.memref_squeeze %dma_start3A_220 : memref<1x125xi32, #tpu.memory_space<vmem>> -> memref<125xi32, #tpu.memory_space<vmem>>
      %dma_start3A_222 = arith.constant 0 : i32
      %dma_start3A_223 = arith.constant 0 : i32
      %dma_start3A_224 = tpu.memref_slice %arg8[%dma_start3A_222, %dma_start3A_223] : memref<51200x16xf32, #tpu.memory_space<vmem_shared>> -> memref<51200x16xf32, #tpu.memory_space<vmem_shared>>
      tpu.enqueue_indirect_dma source(%dma_start3A_218 : memref<125x16xf32, #tpu.memory_space<vmem>>) target(%dma_start3A_224 : memref<51200x16xf32, #tpu.memory_space<vmem_shared>>) offsets(%dma_start3A_221 : memref<125xi32, #tpu.memory_space<vmem>>) semaphore(%arg9 : memref<!tpu.dma_semaphore, #tpu.memory_space<semaphore_mem>>) {add = true}
      %mul3A_225 = arith.constant 20 : i32
      %mul3A_226 = arith.muli %scan3A_25, %mul3A_225 : i32
      %add3A_227 = arith.constant 15 : i32
      %add3A_228 = arith.addi %mul3A_226, %add3A_227 : i32
      %dma_start3A_229 = arith.constant 1875 : i32
      %dma_start3A_230 = arith.constant 0 : i32
      %dma_start3A_231 = tpu.memref_slice %arg6[%dma_start3A_229, %dma_start3A_230] : memref<2500x16xf32, #tpu.memory_space<vmem>> -> memref<125x16xf32, #tpu.memory_space<vmem>>
      %dma_start3A_232 = arith.constant 0 : i32
      %dma_start3A_233 = tpu.memref_slice %arg5[%add3A_228, %dma_start3A_232] : memref<200x125xi32, #tpu.memory_space<vmem>> -> memref<1x125xi32, #tpu.memory_space<vmem>>
      %dma_start3A_234 = tpu.memref_squeeze %dma_start3A_233 : memref<1x125xi32, #tpu.memory_space<vmem>> -> memref<125xi32, #tpu.memory_space<vmem>>
      %dma_start3A_235 = arith.constant 0 : i32
      %dma_start3A_236 = arith.constant 0 : i32
      %dma_start3A_237 = tpu.memref_slice %arg8[%dma_start3A_235, %dma_start3A_236] : memref<51200x16xf32, #tpu.memory_space<vmem_shared>> -> memref<51200x16xf32, #tpu.memory_space<vmem_shared>>
      tpu.enqueue_indirect_dma source(%dma_start3A_231 : memref<125x16xf32, #tpu.memory_space<vmem>>) target(%dma_start3A_237 : memref<51200x16xf32, #tpu.memory_space<vmem_shared>>) offsets(%dma_start3A_234 : memref<125xi32, #tpu.memory_space<vmem>>) semaphore(%arg9 : memref<!tpu.dma_semaphore, #tpu.memory_space<semaphore_mem>>) {add = true}
      %mul3A_238 = arith.constant 20 : i32
      %mul3A_239 = arith.muli %scan3A_25, %mul3A_238 : i32
      %add3A_240 = arith.constant 16 : i32
      %add3A_241 = arith.addi %mul3A_239, %add3A_240 : i32
      %dma_start3A_242 = arith.constant 2000 : i32
      %dma_start3A_243 = arith.constant 0 : i32
      %dma_start3A_244 = tpu.memref_slice %arg6[%dma_start3A_242, %dma_start3A_243] : memref<2500x16xf32, #tpu.memory_space<vmem>> -> memref<125x16xf32, #tpu.memory_space<vmem>>
      %dma_start3A_245 = arith.constant 0 : i32
      %dma_start3A_246 = tpu.memref_slice %arg5[%add3A_241, %dma_start3A_245] : memref<200x125xi32, #tpu.memory_space<vmem>> -> memref<1x125xi32, #tpu.memory_space<vmem>>
      %dma_start3A_247 = tpu.memref_squeeze %dma_start3A_246 : memref<1x125xi32, #tpu.memory_space<vmem>> -> memref<125xi32, #tpu.memory_space<vmem>>
      %dma_start3A_248 = arith.constant 0 : i32
      %dma_start3A_249 = arith.constant 0 : i32
      %dma_start3A_250 = tpu.memref_slice %arg8[%dma_start3A_248, %dma_start3A_249] : memref<51200x16xf32, #tpu.memory_space<vmem_shared>> -> memref<51200x16xf32, #tpu.memory_space<vmem_shared>>
      tpu.enqueue_indirect_dma source(%dma_start3A_244 : memref<125x16xf32, #tpu.memory_space<vmem>>) target(%dma_start3A_250 : memref<51200x16xf32, #tpu.memory_space<vmem_shared>>) offsets(%dma_start3A_247 : memref<125xi32, #tpu.memory_space<vmem>>) semaphore(%arg9 : memref<!tpu.dma_semaphore, #tpu.memory_space<semaphore_mem>>) {add = true}
      %mul3A_251 = arith.constant 20 : i32
      %mul3A_252 = arith.muli %scan3A_25, %mul3A_251 : i32
      %add3A_253 = arith.constant 17 : i32
      %add3A_254 = arith.addi %mul3A_252, %add3A_253 : i32
      %dma_start3A_255 = arith.constant 2125 : i32
      %dma_start3A_256 = arith.constant 0 : i32
      %dma_start3A_257 = tpu.memref_slice %arg6[%dma_start3A_255, %dma_start3A_256] : memref<2500x16xf32, #tpu.memory_space<vmem>> -> memref<125x16xf32, #tpu.memory_space<vmem>>
      %dma_start3A_258 = arith.constant 0 : i32
      %dma_start3A_259 = tpu.memref_slice %arg5[%add3A_254, %dma_start3A_258] : memref<200x125xi32, #tpu.memory_space<vmem>> -> memref<1x125xi32, #tpu.memory_space<vmem>>
      %dma_start3A_260 = tpu.memref_squeeze %dma_start3A_259 : memref<1x125xi32, #tpu.memory_space<vmem>> -> memref<125xi32, #tpu.memory_space<vmem>>
      %dma_start3A_261 = arith.constant 0 : i32
      %dma_start3A_262 = arith.constant 0 : i32
      %dma_start3A_263 = tpu.memref_slice %arg8[%dma_start3A_261, %dma_start3A_262] : memref<51200x16xf32, #tpu.memory_space<vmem_shared>> -> memref<51200x16xf32, #tpu.memory_space<vmem_shared>>
      tpu.enqueue_indirect_dma source(%dma_start3A_257 : memref<125x16xf32, #tpu.memory_space<vmem>>) target(%dma_start3A_263 : memref<51200x16xf32, #tpu.memory_space<vmem_shared>>) offsets(%dma_start3A_260 : memref<125xi32, #tpu.memory_space<vmem>>) semaphore(%arg9 : memref<!tpu.dma_semaphore, #tpu.memory_space<semaphore_mem>>) {add = true}
      %mul3A_264 = arith.constant 20 : i32
      %mul3A_265 = arith.muli %scan3A_25, %mul3A_264 : i32
      %add3A_266 = arith.constant 18 : i32
      %add3A_267 = arith.addi %mul3A_265, %add3A_266 : i32
      %dma_start3A_268 = arith.constant 2250 : i32
      %dma_start3A_269 = arith.constant 0 : i32
      %dma_start3A_270 = tpu.memref_slice %arg6[%dma_start3A_268, %dma_start3A_269] : memref<2500x16xf32, #tpu.memory_space<vmem>> -> memref<125x16xf32, #tpu.memory_space<vmem>>
      %dma_start3A_271 = arith.constant 0 : i32
      %dma_start3A_272 = tpu.memref_slice %arg5[%add3A_267, %dma_start3A_271] : memref<200x125xi32, #tpu.memory_space<vmem>> -> memref<1x125xi32, #tpu.memory_space<vmem>>
      %dma_start3A_273 = tpu.memref_squeeze %dma_start3A_272 : memref<1x125xi32, #tpu.memory_space<vmem>> -> memref<125xi32, #tpu.memory_space<vmem>>
      %dma_start3A_274 = arith.constant 0 : i32
      %dma_start3A_275 = arith.constant 0 : i32
      %dma_start3A_276 = tpu.memref_slice %arg8[%dma_start3A_274, %dma_start3A_275] : memref<51200x16xf32, #tpu.memory_space<vmem_shared>> -> memref<51200x16xf32, #tpu.memory_space<vmem_shared>>
      tpu.enqueue_indirect_dma source(%dma_start3A_270 : memref<125x16xf32, #tpu.memory_space<vmem>>) target(%dma_start3A_276 : memref<51200x16xf32, #tpu.memory_space<vmem_shared>>) offsets(%dma_start3A_273 : memref<125xi32, #tpu.memory_space<vmem>>) semaphore(%arg9 : memref<!tpu.dma_semaphore, #tpu.memory_space<semaphore_mem>>) {add = true}
      %mul3A_277 = arith.constant 20 : i32
      %mul3A_278 = arith.muli %scan3A_25, %mul3A_277 : i32
      %add3A_279 = arith.constant 19 : i32
      %add3A_280 = arith.addi %mul3A_278, %add3A_279 : i32
      %dma_start3A_281 = arith.constant 2375 : i32
      %dma_start3A_282 = arith.constant 0 : i32
      %dma_start3A_283 = tpu.memref_slice %arg6[%dma_start3A_281, %dma_start3A_282] : memref<2500x16xf32, #tpu.memory_space<vmem>> -> memref<125x16xf32, #tpu.memory_space<vmem>>
      %dma_start3A_284 = arith.constant 0 : i32
      %dma_start3A_285 = tpu.memref_slice %arg5[%add3A_280, %dma_start3A_284] : memref<200x125xi32, #tpu.memory_space<vmem>> -> memref<1x125xi32, #tpu.memory_space<vmem>>
      %dma_start3A_286 = tpu.memref_squeeze %dma_start3A_285 : memref<1x125xi32, #tpu.memory_space<vmem>> -> memref<125xi32, #tpu.memory_space<vmem>>
      %dma_start3A_287 = arith.constant 0 : i32
      %dma_start3A_288 = arith.constant 0 : i32
      %dma_start3A_289 = tpu.memref_slice %arg8[%dma_start3A_287, %dma_start3A_288] : memref<51200x16xf32, #tpu.memory_space<vmem_shared>> -> memref<51200x16xf32, #tpu.memory_space<vmem_shared>>
      tpu.enqueue_indirect_dma source(%dma_start3A_283 : memref<125x16xf32, #tpu.memory_space<vmem>>) target(%dma_start3A_289 : memref<51200x16xf32, #tpu.memory_space<vmem_shared>>) offsets(%dma_start3A_286 : memref<125xi32, #tpu.memory_space<vmem>>) semaphore(%arg9 : memref<!tpu.dma_semaphore, #tpu.memory_space<semaphore_mem>>) {add = true}
      %mul3A_290 = arith.constant 20 : i32
      %mul3A_291 = arith.muli %scan3A_25, %mul3A_290 : i32
      %add3A_292 = arith.constant 0 : i32
      %add3A_293 = arith.addi %mul3A_291, %add3A_292 : i32
      %dma_wait3A = arith.constant 0 : i32
      %dma_wait3A_294 = arith.constant 0 : i32
      %dma_wait3A_295 = tpu.memref_slice %arg6[%dma_wait3A, %dma_wait3A_294] : memref<2500x16xf32, #tpu.memory_space<vmem>> -> memref<125x16xf32, #tpu.memory_space<vmem>>
      %dma_wait3A_296 = arith.constant 0 : i32
      %dma_wait3A_297 = tpu.memref_slice %arg5[%add3A_293, %dma_wait3A_296] : memref<200x125xi32, #tpu.memory_space<vmem>> -> memref<1x125xi32, #tpu.memory_space<vmem>>
      %dma_wait3A_298 = tpu.memref_squeeze %dma_wait3A_297 : memref<1x125xi32, #tpu.memory_space<vmem>> -> memref<125xi32, #tpu.memory_space<vmem>>
      %dma_wait3A_299 = arith.constant 0 : i32
      %dma_wait3A_300 = arith.constant 0 : i32
      %dma_wait3A_301 = tpu.memref_slice %arg8[%dma_wait3A_299, %dma_wait3A_300] : memref<51200x16xf32, #tpu.memory_space<vmem_shared>> -> memref<51200x16xf32, #tpu.memory_space<vmem_shared>>
      tpu.wait_indirect_dma semaphore(%arg9 : memref<!tpu.dma_semaphore, #tpu.memory_space<semaphore_mem>>) src(%dma_wait3A_295 : memref<125x16xf32, #tpu.memory_space<vmem>>) dst(%dma_wait3A_301 : memref<51200x16xf32, #tpu.memory_space<vmem_shared>>)
      %mul3A_302 = arith.constant 20 : i32
      %mul3A_303 = arith.muli %scan3A_25, %mul3A_302 : i32
      %add3A_304 = arith.constant 1 : i32
      %add3A_305 = arith.addi %mul3A_303, %add3A_304 : i32
      %dma_wait3A_306 = arith.constant 125 : i32
      %dma_wait3A_307 = arith.constant 0 : i32
      %dma_wait3A_308 = tpu.memref_slice %arg6[%dma_wait3A_306, %dma_wait3A_307] : memref<2500x16xf32, #tpu.memory_space<vmem>> -> memref<125x16xf32, #tpu.memory_space<vmem>>
      %dma_wait3A_309 = arith.constant 0 : i32
      %dma_wait3A_310 = tpu.memref_slice %arg5[%add3A_305, %dma_wait3A_309] : memref<200x125xi32, #tpu.memory_space<vmem>> -> memref<1x125xi32, #tpu.memory_space<vmem>>
      %dma_wait3A_311 = tpu.memref_squeeze %dma_wait3A_310 : memref<1x125xi32, #tpu.memory_space<vmem>> -> memref<125xi32, #tpu.memory_space<vmem>>
      %dma_wait3A_312 = arith.constant 0 : i32
      %dma_wait3A_313 = arith.constant 0 : i32
      %dma_wait3A_314 = tpu.memref_slice %arg8[%dma_wait3A_312, %dma_wait3A_313] : memref<51200x16xf32, #tpu.memory_space<vmem_shared>> -> memref<51200x16xf32, #tpu.memory_space<vmem_shared>>
      tpu.wait_indirect_dma semaphore(%arg9 : memref<!tpu.dma_semaphore, #tpu.memory_space<semaphore_mem>>) src(%dma_wait3A_308 : memref<125x16xf32, #tpu.memory_space<vmem>>) dst(%dma_wait3A_314 : memref<51200x16xf32, #tpu.memory_space<vmem_shared>>)
      %mul3A_315 = arith.constant 20 : i32
      %mul3A_316 = arith.muli %scan3A_25, %mul3A_315 : i32
      %add3A_317 = arith.constant 2 : i32
      %add3A_318 = arith.addi %mul3A_316, %add3A_317 : i32
      %dma_wait3A_319 = arith.constant 250 : i32
      %dma_wait3A_320 = arith.constant 0 : i32
      %dma_wait3A_321 = tpu.memref_slice %arg6[%dma_wait3A_319, %dma_wait3A_320] : memref<2500x16xf32, #tpu.memory_space<vmem>> -> memref<125x16xf32, #tpu.memory_space<vmem>>
      %dma_wait3A_322 = arith.constant 0 : i32
      %dma_wait3A_323 = tpu.memref_slice %arg5[%add3A_318, %dma_wait3A_322] : memref<200x125xi32, #tpu.memory_space<vmem>> -> memref<1x125xi32, #tpu.memory_space<vmem>>
      %dma_wait3A_324 = tpu.memref_squeeze %dma_wait3A_323 : memref<1x125xi32, #tpu.memory_space<vmem>> -> memref<125xi32, #tpu.memory_space<vmem>>
      %dma_wait3A_325 = arith.constant 0 : i32
      %dma_wait3A_326 = arith.constant 0 : i32
      %dma_wait3A_327 = tpu.memref_slice %arg8[%dma_wait3A_325, %dma_wait3A_326] : memref<51200x16xf32, #tpu.memory_space<vmem_shared>> -> memref<51200x16xf32, #tpu.memory_space<vmem_shared>>
      tpu.wait_indirect_dma semaphore(%arg9 : memref<!tpu.dma_semaphore, #tpu.memory_space<semaphore_mem>>) src(%dma_wait3A_321 : memref<125x16xf32, #tpu.memory_space<vmem>>) dst(%dma_wait3A_327 : memref<51200x16xf32, #tpu.memory_space<vmem_shared>>)
      %mul3A_328 = arith.constant 20 : i32
      %mul3A_329 = arith.muli %scan3A_25, %mul3A_328 : i32
      %add3A_330 = arith.constant 3 : i32
      %add3A_331 = arith.addi %mul3A_329, %add3A_330 : i32
      %dma_wait3A_332 = arith.constant 375 : i32
      %dma_wait3A_333 = arith.constant 0 : i32
      %dma_wait3A_334 = tpu.memref_slice %arg6[%dma_wait3A_332, %dma_wait3A_333] : memref<2500x16xf32, #tpu.memory_space<vmem>> -> memref<125x16xf32, #tpu.memory_space<vmem>>
      %dma_wait3A_335 = arith.constant 0 : i32
      %dma_wait3A_336 = tpu.memref_slice %arg5[%add3A_331, %dma_wait3A_335] : memref<200x125xi32, #tpu.memory_space<vmem>> -> memref<1x125xi32, #tpu.memory_space<vmem>>
      %dma_wait3A_337 = tpu.memref_squeeze %dma_wait3A_336 : memref<1x125xi32, #tpu.memory_space<vmem>> -> memref<125xi32, #tpu.memory_space<vmem>>
      %dma_wait3A_338 = arith.constant 0 : i32
      %dma_wait3A_339 = arith.constant 0 : i32
      %dma_wait3A_340 = tpu.memref_slice %arg8[%dma_wait3A_338, %dma_wait3A_339] : memref<51200x16xf32, #tpu.memory_space<vmem_shared>> -> memref<51200x16xf32, #tpu.memory_space<vmem_shared>>
      tpu.wait_indirect_dma semaphore(%arg9 : memref<!tpu.dma_semaphore, #tpu.memory_space<semaphore_mem>>) src(%dma_wait3A_334 : memref<125x16xf32, #tpu.memory_space<vmem>>) dst(%dma_wait3A_340 : memref<51200x16xf32, #tpu.memory_space<vmem_shared>>)
      %mul3A_341 = arith.constant 20 : i32
      %mul3A_342 = arith.muli %scan3A_25, %mul3A_341 : i32
      %add3A_343 = arith.constant 4 : i32
      %add3A_344 = arith.addi %mul3A_342, %add3A_343 : i32
      %dma_wait3A_345 = arith.constant 500 : i32
      %dma_wait3A_346 = arith.constant 0 : i32
      %dma_wait3A_347 = tpu.memref_slice %arg6[%dma_wait3A_345, %dma_wait3A_346] : memref<2500x16xf32, #tpu.memory_space<vmem>> -> memref<125x16xf32, #tpu.memory_space<vmem>>
      %dma_wait3A_348 = arith.constant 0 : i32
      %dma_wait3A_349 = tpu.memref_slice %arg5[%add3A_344, %dma_wait3A_348] : memref<200x125xi32, #tpu.memory_space<vmem>> -> memref<1x125xi32, #tpu.memory_space<vmem>>
      %dma_wait3A_350 = tpu.memref_squeeze %dma_wait3A_349 : memref<1x125xi32, #tpu.memory_space<vmem>> -> memref<125xi32, #tpu.memory_space<vmem>>
      %dma_wait3A_351 = arith.constant 0 : i32
      %dma_wait3A_352 = arith.constant 0 : i32
      %dma_wait3A_353 = tpu.memref_slice %arg8[%dma_wait3A_351, %dma_wait3A_352] : memref<51200x16xf32, #tpu.memory_space<vmem_shared>> -> memref<51200x16xf32, #tpu.memory_space<vmem_shared>>
      tpu.wait_indirect_dma semaphore(%arg9 : memref<!tpu.dma_semaphore, #tpu.memory_space<semaphore_mem>>) src(%dma_wait3A_347 : memref<125x16xf32, #tpu.memory_space<vmem>>) dst(%dma_wait3A_353 : memref<51200x16xf32, #tpu.memory_space<vmem_shared>>)
      %mul3A_354 = arith.constant 20 : i32
      %mul3A_355 = arith.muli %scan3A_25, %mul3A_354 : i32
      %add3A_356 = arith.constant 5 : i32
      %add3A_357 = arith.addi %mul3A_355, %add3A_356 : i32
      %dma_wait3A_358 = arith.constant 625 : i32
      %dma_wait3A_359 = arith.constant 0 : i32
      %dma_wait3A_360 = tpu.memref_slice %arg6[%dma_wait3A_358, %dma_wait3A_359] : memref<2500x16xf32, #tpu.memory_space<vmem>> -> memref<125x16xf32, #tpu.memory_space<vmem>>
      %dma_wait3A_361 = arith.constant 0 : i32
      %dma_wait3A_362 = tpu.memref_slice %arg5[%add3A_357, %dma_wait3A_361] : memref<200x125xi32, #tpu.memory_space<vmem>> -> memref<1x125xi32, #tpu.memory_space<vmem>>
      %dma_wait3A_363 = tpu.memref_squeeze %dma_wait3A_362 : memref<1x125xi32, #tpu.memory_space<vmem>> -> memref<125xi32, #tpu.memory_space<vmem>>
      %dma_wait3A_364 = arith.constant 0 : i32
      %dma_wait3A_365 = arith.constant 0 : i32
      %dma_wait3A_366 = tpu.memref_slice %arg8[%dma_wait3A_364, %dma_wait3A_365] : memref<51200x16xf32, #tpu.memory_space<vmem_shared>> -> memref<51200x16xf32, #tpu.memory_space<vmem_shared>>
      tpu.wait_indirect_dma semaphore(%arg9 : memref<!tpu.dma_semaphore, #tpu.memory_space<semaphore_mem>>) src(%dma_wait3A_360 : memref<125x16xf32, #tpu.memory_space<vmem>>) dst(%dma_wait3A_366 : memref<51200x16xf32, #tpu.memory_space<vmem_shared>>)
      %mul3A_367 = arith.constant 20 : i32
      %mul3A_368 = arith.muli %scan3A_25, %mul3A_367 : i32
      %add3A_369 = arith.constant 6 : i32
      %add3A_370 = arith.addi %mul3A_368, %add3A_369 : i32
      %dma_wait3A_371 = arith.constant 750 : i32
      %dma_wait3A_372 = arith.constant 0 : i32
      %dma_wait3A_373 = tpu.memref_slice %arg6[%dma_wait3A_371, %dma_wait3A_372] : memref<2500x16xf32, #tpu.memory_space<vmem>> -> memref<125x16xf32, #tpu.memory_space<vmem>>
      %dma_wait3A_374 = arith.constant 0 : i32
      %dma_wait3A_375 = tpu.memref_slice %arg5[%add3A_370, %dma_wait3A_374] : memref<200x125xi32, #tpu.memory_space<vmem>> -> memref<1x125xi32, #tpu.memory_space<vmem>>
      %dma_wait3A_376 = tpu.memref_squeeze %dma_wait3A_375 : memref<1x125xi32, #tpu.memory_space<vmem>> -> memref<125xi32, #tpu.memory_space<vmem>>
      %dma_wait3A_377 = arith.constant 0 : i32
      %dma_wait3A_378 = arith.constant 0 : i32
      %dma_wait3A_379 = tpu.memref_slice %arg8[%dma_wait3A_377, %dma_wait3A_378] : memref<51200x16xf32, #tpu.memory_space<vmem_shared>> -> memref<51200x16xf32, #tpu.memory_space<vmem_shared>>
      tpu.wait_indirect_dma semaphore(%arg9 : memref<!tpu.dma_semaphore, #tpu.memory_space<semaphore_mem>>) src(%dma_wait3A_373 : memref<125x16xf32, #tpu.memory_space<vmem>>) dst(%dma_wait3A_379 : memref<51200x16xf32, #tpu.memory_space<vmem_shared>>)
      %mul3A_380 = arith.constant 20 : i32
      %mul3A_381 = arith.muli %scan3A_25, %mul3A_380 : i32
      %add3A_382 = arith.constant 7 : i32
      %add3A_383 = arith.addi %mul3A_381, %add3A_382 : i32
      %dma_wait3A_384 = arith.constant 875 : i32
      %dma_wait3A_385 = arith.constant 0 : i32
      %dma_wait3A_386 = tpu.memref_slice %arg6[%dma_wait3A_384, %dma_wait3A_385] : memref<2500x16xf32, #tpu.memory_space<vmem>> -> memref<125x16xf32, #tpu.memory_space<vmem>>
      %dma_wait3A_387 = arith.constant 0 : i32
      %dma_wait3A_388 = tpu.memref_slice %arg5[%add3A_383, %dma_wait3A_387] : memref<200x125xi32, #tpu.memory_space<vmem>> -> memref<1x125xi32, #tpu.memory_space<vmem>>
      %dma_wait3A_389 = tpu.memref_squeeze %dma_wait3A_388 : memref<1x125xi32, #tpu.memory_space<vmem>> -> memref<125xi32, #tpu.memory_space<vmem>>
      %dma_wait3A_390 = arith.constant 0 : i32
      %dma_wait3A_391 = arith.constant 0 : i32
      %dma_wait3A_392 = tpu.memref_slice %arg8[%dma_wait3A_390, %dma_wait3A_391] : memref<51200x16xf32, #tpu.memory_space<vmem_shared>> -> memref<51200x16xf32, #tpu.memory_space<vmem_shared>>
      tpu.wait_indirect_dma semaphore(%arg9 : memref<!tpu.dma_semaphore, #tpu.memory_space<semaphore_mem>>) src(%dma_wait3A_386 : memref<125x16xf32, #tpu.memory_space<vmem>>) dst(%dma_wait3A_392 : memref<51200x16xf32, #tpu.memory_space<vmem_shared>>)
      %mul3A_393 = arith.constant 20 : i32
      %mul3A_394 = arith.muli %scan3A_25, %mul3A_393 : i32
      %add3A_395 = arith.constant 8 : i32
      %add3A_396 = arith.addi %mul3A_394, %add3A_395 : i32
      %dma_wait3A_397 = arith.constant 1000 : i32
      %dma_wait3A_398 = arith.constant 0 : i32
      %dma_wait3A_399 = tpu.memref_slice %arg6[%dma_wait3A_397, %dma_wait3A_398] : memref<2500x16xf32, #tpu.memory_space<vmem>> -> memref<125x16xf32, #tpu.memory_space<vmem>>
      %dma_wait3A_400 = arith.constant 0 : i32
      %dma_wait3A_401 = tpu.memref_slice %arg5[%add3A_396, %dma_wait3A_400] : memref<200x125xi32, #tpu.memory_space<vmem>> -> memref<1x125xi32, #tpu.memory_space<vmem>>
      %dma_wait3A_402 = tpu.memref_squeeze %dma_wait3A_401 : memref<1x125xi32, #tpu.memory_space<vmem>> -> memref<125xi32, #tpu.memory_space<vmem>>
      %dma_wait3A_403 = arith.constant 0 : i32
      %dma_wait3A_404 = arith.constant 0 : i32
      %dma_wait3A_405 = tpu.memref_slice %arg8[%dma_wait3A_403, %dma_wait3A_404] : memref<51200x16xf32, #tpu.memory_space<vmem_shared>> -> memref<51200x16xf32, #tpu.memory_space<vmem_shared>>
      tpu.wait_indirect_dma semaphore(%arg9 : memref<!tpu.dma_semaphore, #tpu.memory_space<semaphore_mem>>) src(%dma_wait3A_399 : memref<125x16xf32, #tpu.memory_space<vmem>>) dst(%dma_wait3A_405 : memref<51200x16xf32, #tpu.memory_space<vmem_shared>>)
      %mul3A_406 = arith.constant 20 : i32
      %mul3A_407 = arith.muli %scan3A_25, %mul3A_406 : i32
      %add3A_408 = arith.constant 9 : i32
      %add3A_409 = arith.addi %mul3A_407, %add3A_408 : i32
      %dma_wait3A_410 = arith.constant 1125 : i32
      %dma_wait3A_411 = arith.constant 0 : i32
      %dma_wait3A_412 = tpu.memref_slice %arg6[%dma_wait3A_410, %dma_wait3A_411] : memref<2500x16xf32, #tpu.memory_space<vmem>> -> memref<125x16xf32, #tpu.memory_space<vmem>>
      %dma_wait3A_413 = arith.constant 0 : i32
      %dma_wait3A_414 = tpu.memref_slice %arg5[%add3A_409, %dma_wait3A_413] : memref<200x125xi32, #tpu.memory_space<vmem>> -> memref<1x125xi32, #tpu.memory_space<vmem>>
      %dma_wait3A_415 = tpu.memref_squeeze %dma_wait3A_414 : memref<1x125xi32, #tpu.memory_space<vmem>> -> memref<125xi32, #tpu.memory_space<vmem>>
      %dma_wait3A_416 = arith.constant 0 : i32
      %dma_wait3A_417 = arith.constant 0 : i32
      %dma_wait3A_418 = tpu.memref_slice %arg8[%dma_wait3A_416, %dma_wait3A_417] : memref<51200x16xf32, #tpu.memory_space<vmem_shared>> -> memref<51200x16xf32, #tpu.memory_space<vmem_shared>>
      tpu.wait_indirect_dma semaphore(%arg9 : memref<!tpu.dma_semaphore, #tpu.memory_space<semaphore_mem>>) src(%dma_wait3A_412 : memref<125x16xf32, #tpu.memory_space<vmem>>) dst(%dma_wait3A_418 : memref<51200x16xf32, #tpu.memory_space<vmem_shared>>)
      %mul3A_419 = arith.constant 20 : i32
      %mul3A_420 = arith.muli %scan3A_25, %mul3A_419 : i32
      %add3A_421 = arith.constant 10 : i32
      %add3A_422 = arith.addi %mul3A_420, %add3A_421 : i32
      %dma_wait3A_423 = arith.constant 1250 : i32
      %dma_wait3A_424 = arith.constant 0 : i32
      %dma_wait3A_425 = tpu.memref_slice %arg6[%dma_wait3A_423, %dma_wait3A_424] : memref<2500x16xf32, #tpu.memory_space<vmem>> -> memref<125x16xf32, #tpu.memory_space<vmem>>
      %dma_wait3A_426 = arith.constant 0 : i32
      %dma_wait3A_427 = tpu.memref_slice %arg5[%add3A_422, %dma_wait3A_426] : memref<200x125xi32, #tpu.memory_space<vmem>> -> memref<1x125xi32, #tpu.memory_space<vmem>>
      %dma_wait3A_428 = tpu.memref_squeeze %dma_wait3A_427 : memref<1x125xi32, #tpu.memory_space<vmem>> -> memref<125xi32, #tpu.memory_space<vmem>>
      %dma_wait3A_429 = arith.constant 0 : i32
      %dma_wait3A_430 = arith.constant 0 : i32
      %dma_wait3A_431 = tpu.memref_slice %arg8[%dma_wait3A_429, %dma_wait3A_430] : memref<51200x16xf32, #tpu.memory_space<vmem_shared>> -> memref<51200x16xf32, #tpu.memory_space<vmem_shared>>
      tpu.wait_indirect_dma semaphore(%arg9 : memref<!tpu.dma_semaphore, #tpu.memory_space<semaphore_mem>>) src(%dma_wait3A_425 : memref<125x16xf32, #tpu.memory_space<vmem>>) dst(%dma_wait3A_431 : memref<51200x16xf32, #tpu.memory_space<vmem_shared>>)
      %mul3A_432 = arith.constant 20 : i32
      %mul3A_433 = arith.muli %scan3A_25, %mul3A_432 : i32
      %add3A_434 = arith.constant 11 : i32
      %add3A_435 = arith.addi %mul3A_433, %add3A_434 : i32
      %dma_wait3A_436 = arith.constant 1375 : i32
      %dma_wait3A_437 = arith.constant 0 : i32
      %dma_wait3A_438 = tpu.memref_slice %arg6[%dma_wait3A_436, %dma_wait3A_437] : memref<2500x16xf32, #tpu.memory_space<vmem>> -> memref<125x16xf32, #tpu.memory_space<vmem>>
      %dma_wait3A_439 = arith.constant 0 : i32
      %dma_wait3A_440 = tpu.memref_slice %arg5[%add3A_435, %dma_wait3A_439] : memref<200x125xi32, #tpu.memory_space<vmem>> -> memref<1x125xi32, #tpu.memory_space<vmem>>
      %dma_wait3A_441 = tpu.memref_squeeze %dma_wait3A_440 : memref<1x125xi32, #tpu.memory_space<vmem>> -> memref<125xi32, #tpu.memory_space<vmem>>
      %dma_wait3A_442 = arith.constant 0 : i32
      %dma_wait3A_443 = arith.constant 0 : i32
      %dma_wait3A_444 = tpu.memref_slice %arg8[%dma_wait3A_442, %dma_wait3A_443] : memref<51200x16xf32, #tpu.memory_space<vmem_shared>> -> memref<51200x16xf32, #tpu.memory_space<vmem_shared>>
      tpu.wait_indirect_dma semaphore(%arg9 : memref<!tpu.dma_semaphore, #tpu.memory_space<semaphore_mem>>) src(%dma_wait3A_438 : memref<125x16xf32, #tpu.memory_space<vmem>>) dst(%dma_wait3A_444 : memref<51200x16xf32, #tpu.memory_space<vmem_shared>>)
      %mul3A_445 = arith.constant 20 : i32
      %mul3A_446 = arith.muli %scan3A_25, %mul3A_445 : i32
      %add3A_447 = arith.constant 12 : i32
      %add3A_448 = arith.addi %mul3A_446, %add3A_447 : i32
      %dma_wait3A_449 = arith.constant 1500 : i32
      %dma_wait3A_450 = arith.constant 0 : i32
      %dma_wait3A_451 = tpu.memref_slice %arg6[%dma_wait3A_449, %dma_wait3A_450] : memref<2500x16xf32, #tpu.memory_space<vmem>> -> memref<125x16xf32, #tpu.memory_space<vmem>>
      %dma_wait3A_452 = arith.constant 0 : i32
      %dma_wait3A_453 = tpu.memref_slice %arg5[%add3A_448, %dma_wait3A_452] : memref<200x125xi32, #tpu.memory_space<vmem>> -> memref<1x125xi32, #tpu.memory_space<vmem>>
      %dma_wait3A_454 = tpu.memref_squeeze %dma_wait3A_453 : memref<1x125xi32, #tpu.memory_space<vmem>> -> memref<125xi32, #tpu.memory_space<vmem>>
      %dma_wait3A_455 = arith.constant 0 : i32
      %dma_wait3A_456 = arith.constant 0 : i32
      %dma_wait3A_457 = tpu.memref_slice %arg8[%dma_wait3A_455, %dma_wait3A_456] : memref<51200x16xf32, #tpu.memory_space<vmem_shared>> -> memref<51200x16xf32, #tpu.memory_space<vmem_shared>>
      tpu.wait_indirect_dma semaphore(%arg9 : memref<!tpu.dma_semaphore, #tpu.memory_space<semaphore_mem>>) src(%dma_wait3A_451 : memref<125x16xf32, #tpu.memory_space<vmem>>) dst(%dma_wait3A_457 : memref<51200x16xf32, #tpu.memory_space<vmem_shared>>)
      %mul3A_458 = arith.constant 20 : i32
      %mul3A_459 = arith.muli %scan3A_25, %mul3A_458 : i32
      %add3A_460 = arith.constant 13 : i32
      %add3A_461 = arith.addi %mul3A_459, %add3A_460 : i32
      %dma_wait3A_462 = arith.constant 1625 : i32
      %dma_wait3A_463 = arith.constant 0 : i32
      %dma_wait3A_464 = tpu.memref_slice %arg6[%dma_wait3A_462, %dma_wait3A_463] : memref<2500x16xf32, #tpu.memory_space<vmem>> -> memref<125x16xf32, #tpu.memory_space<vmem>>
      %dma_wait3A_465 = arith.constant 0 : i32
      %dma_wait3A_466 = tpu.memref_slice %arg5[%add3A_461, %dma_wait3A_465] : memref<200x125xi32, #tpu.memory_space<vmem>> -> memref<1x125xi32, #tpu.memory_space<vmem>>
      %dma_wait3A_467 = tpu.memref_squeeze %dma_wait3A_466 : memref<1x125xi32, #tpu.memory_space<vmem>> -> memref<125xi32, #tpu.memory_space<vmem>>
      %dma_wait3A_468 = arith.constant 0 : i32
      %dma_wait3A_469 = arith.constant 0 : i32
      %dma_wait3A_470 = tpu.memref_slice %arg8[%dma_wait3A_468, %dma_wait3A_469] : memref<51200x16xf32, #tpu.memory_space<vmem_shared>> -> memref<51200x16xf32, #tpu.memory_space<vmem_shared>>
      tpu.wait_indirect_dma semaphore(%arg9 : memref<!tpu.dma_semaphore, #tpu.memory_space<semaphore_mem>>) src(%dma_wait3A_464 : memref<125x16xf32, #tpu.memory_space<vmem>>) dst(%dma_wait3A_470 : memref<51200x16xf32, #tpu.memory_space<vmem_shared>>)
      %mul3A_471 = arith.constant 20 : i32
      %mul3A_472 = arith.muli %scan3A_25, %mul3A_471 : i32
      %add3A_473 = arith.constant 14 : i32
      %add3A_474 = arith.addi %mul3A_472, %add3A_473 : i32
      %dma_wait3A_475 = arith.constant 1750 : i32
      %dma_wait3A_476 = arith.constant 0 : i32
      %dma_wait3A_477 = tpu.memref_slice %arg6[%dma_wait3A_475, %dma_wait3A_476] : memref<2500x16xf32, #tpu.memory_space<vmem>> -> memref<125x16xf32, #tpu.memory_space<vmem>>
      %dma_wait3A_478 = arith.constant 0 : i32
      %dma_wait3A_479 = tpu.memref_slice %arg5[%add3A_474, %dma_wait3A_478] : memref<200x125xi32, #tpu.memory_space<vmem>> -> memref<1x125xi32, #tpu.memory_space<vmem>>
      %dma_wait3A_480 = tpu.memref_squeeze %dma_wait3A_479 : memref<1x125xi32, #tpu.memory_space<vmem>> -> memref<125xi32, #tpu.memory_space<vmem>>
      %dma_wait3A_481 = arith.constant 0 : i32
      %dma_wait3A_482 = arith.constant 0 : i32
      %dma_wait3A_483 = tpu.memref_slice %arg8[%dma_wait3A_481, %dma_wait3A_482] : memref<51200x16xf32, #tpu.memory_space<vmem_shared>> -> memref<51200x16xf32, #tpu.memory_space<vmem_shared>>
      tpu.wait_indirect_dma semaphore(%arg9 : memref<!tpu.dma_semaphore, #tpu.memory_space<semaphore_mem>>) src(%dma_wait3A_477 : memref<125x16xf32, #tpu.memory_space<vmem>>) dst(%dma_wait3A_483 : memref<51200x16xf32, #tpu.memory_space<vmem_shared>>)
      %mul3A_484 = arith.constant 20 : i32
      %mul3A_485 = arith.muli %scan3A_25, %mul3A_484 : i32
      %add3A_486 = arith.constant 15 : i32
      %add3A_487 = arith.addi %mul3A_485, %add3A_486 : i32
      %dma_wait3A_488 = arith.constant 1875 : i32
      %dma_wait3A_489 = arith.constant 0 : i32
      %dma_wait3A_490 = tpu.memref_slice %arg6[%dma_wait3A_488, %dma_wait3A_489] : memref<2500x16xf32, #tpu.memory_space<vmem>> -> memref<125x16xf32, #tpu.memory_space<vmem>>
      %dma_wait3A_491 = arith.constant 0 : i32
      %dma_wait3A_492 = tpu.memref_slice %arg5[%add3A_487, %dma_wait3A_491] : memref<200x125xi32, #tpu.memory_space<vmem>> -> memref<1x125xi32, #tpu.memory_space<vmem>>
      %dma_wait3A_493 = tpu.memref_squeeze %dma_wait3A_492 : memref<1x125xi32, #tpu.memory_space<vmem>> -> memref<125xi32, #tpu.memory_space<vmem>>
      %dma_wait3A_494 = arith.constant 0 : i32
      %dma_wait3A_495 = arith.constant 0 : i32
      %dma_wait3A_496 = tpu.memref_slice %arg8[%dma_wait3A_494, %dma_wait3A_495] : memref<51200x16xf32, #tpu.memory_space<vmem_shared>> -> memref<51200x16xf32, #tpu.memory_space<vmem_shared>>
      tpu.wait_indirect_dma semaphore(%arg9 : memref<!tpu.dma_semaphore, #tpu.memory_space<semaphore_mem>>) src(%dma_wait3A_490 : memref<125x16xf32, #tpu.memory_space<vmem>>) dst(%dma_wait3A_496 : memref<51200x16xf32, #tpu.memory_space<vmem_shared>>)
      %mul3A_497 = arith.constant 20 : i32
      %mul3A_498 = arith.muli %scan3A_25, %mul3A_497 : i32
      %add3A_499 = arith.constant 16 : i32
      %add3A_500 = arith.addi %mul3A_498, %add3A_499 : i32
      %dma_wait3A_501 = arith.constant 2000 : i32
      %dma_wait3A_502 = arith.constant 0 : i32
      %dma_wait3A_503 = tpu.memref_slice %arg6[%dma_wait3A_501, %dma_wait3A_502] : memref<2500x16xf32, #tpu.memory_space<vmem>> -> memref<125x16xf32, #tpu.memory_space<vmem>>
      %dma_wait3A_504 = arith.constant 0 : i32
      %dma_wait3A_505 = tpu.memref_slice %arg5[%add3A_500, %dma_wait3A_504] : memref<200x125xi32, #tpu.memory_space<vmem>> -> memref<1x125xi32, #tpu.memory_space<vmem>>
      %dma_wait3A_506 = tpu.memref_squeeze %dma_wait3A_505 : memref<1x125xi32, #tpu.memory_space<vmem>> -> memref<125xi32, #tpu.memory_space<vmem>>
      %dma_wait3A_507 = arith.constant 0 : i32
      %dma_wait3A_508 = arith.constant 0 : i32
      %dma_wait3A_509 = tpu.memref_slice %arg8[%dma_wait3A_507, %dma_wait3A_508] : memref<51200x16xf32, #tpu.memory_space<vmem_shared>> -> memref<51200x16xf32, #tpu.memory_space<vmem_shared>>
      tpu.wait_indirect_dma semaphore(%arg9 : memref<!tpu.dma_semaphore, #tpu.memory_space<semaphore_mem>>) src(%dma_wait3A_503 : memref<125x16xf32, #tpu.memory_space<vmem>>) dst(%dma_wait3A_509 : memref<51200x16xf32, #tpu.memory_space<vmem_shared>>)
      %mul3A_510 = arith.constant 20 : i32
      %mul3A_511 = arith.muli %scan3A_25, %mul3A_510 : i32
      %add3A_512 = arith.constant 17 : i32
      %add3A_513 = arith.addi %mul3A_511, %add3A_512 : i32
      %dma_wait3A_514 = arith.constant 2125 : i32
      %dma_wait3A_515 = arith.constant 0 : i32
      %dma_wait3A_516 = tpu.memref_slice %arg6[%dma_wait3A_514, %dma_wait3A_515] : memref<2500x16xf32, #tpu.memory_space<vmem>> -> memref<125x16xf32, #tpu.memory_space<vmem>>
      %dma_wait3A_517 = arith.constant 0 : i32
      %dma_wait3A_518 = tpu.memref_slice %arg5[%add3A_513, %dma_wait3A_517] : memref<200x125xi32, #tpu.memory_space<vmem>> -> memref<1x125xi32, #tpu.memory_space<vmem>>
      %dma_wait3A_519 = tpu.memref_squeeze %dma_wait3A_518 : memref<1x125xi32, #tpu.memory_space<vmem>> -> memref<125xi32, #tpu.memory_space<vmem>>
      %dma_wait3A_520 = arith.constant 0 : i32
      %dma_wait3A_521 = arith.constant 0 : i32
      %dma_wait3A_522 = tpu.memref_slice %arg8[%dma_wait3A_520, %dma_wait3A_521] : memref<51200x16xf32, #tpu.memory_space<vmem_shared>> -> memref<51200x16xf32, #tpu.memory_space<vmem_shared>>
      tpu.wait_indirect_dma semaphore(%arg9 : memref<!tpu.dma_semaphore, #tpu.memory_space<semaphore_mem>>) src(%dma_wait3A_516 : memref<125x16xf32, #tpu.memory_space<vmem>>) dst(%dma_wait3A_522 : memref<51200x16xf32, #tpu.memory_space<vmem_shared>>)
      %mul3A_523 = arith.constant 20 : i32
      %mul3A_524 = arith.muli %scan3A_25, %mul3A_523 : i32
      %add3A_525 = arith.constant 18 : i32
      %add3A_526 = arith.addi %mul3A_524, %add3A_525 : i32
      %dma_wait3A_527 = arith.constant 2250 : i32
      %dma_wait3A_528 = arith.constant 0 : i32
      %dma_wait3A_529 = tpu.memref_slice %arg6[%dma_wait3A_527, %dma_wait3A_528] : memref<2500x16xf32, #tpu.memory_space<vmem>> -> memref<125x16xf32, #tpu.memory_space<vmem>>
      %dma_wait3A_530 = arith.constant 0 : i32
      %dma_wait3A_531 = tpu.memref_slice %arg5[%add3A_526, %dma_wait3A_530] : memref<200x125xi32, #tpu.memory_space<vmem>> -> memref<1x125xi32, #tpu.memory_space<vmem>>
      %dma_wait3A_532 = tpu.memref_squeeze %dma_wait3A_531 : memref<1x125xi32, #tpu.memory_space<vmem>> -> memref<125xi32, #tpu.memory_space<vmem>>
      %dma_wait3A_533 = arith.constant 0 : i32
      %dma_wait3A_534 = arith.constant 0 : i32
      %dma_wait3A_535 = tpu.memref_slice %arg8[%dma_wait3A_533, %dma_wait3A_534] : memref<51200x16xf32, #tpu.memory_space<vmem_shared>> -> memref<51200x16xf32, #tpu.memory_space<vmem_shared>>
      tpu.wait_indirect_dma semaphore(%arg9 : memref<!tpu.dma_semaphore, #tpu.memory_space<semaphore_mem>>) src(%dma_wait3A_529 : memref<125x16xf32, #tpu.memory_space<vmem>>) dst(%dma_wait3A_535 : memref<51200x16xf32, #tpu.memory_space<vmem_shared>>)
      %mul3A_536 = arith.constant 20 : i32
      %mul3A_537 = arith.muli %scan3A_25, %mul3A_536 : i32
      %add3A_538 = arith.constant 19 : i32
      %add3A_539 = arith.addi %mul3A_537, %add3A_538 : i32
      %dma_wait3A_540 = arith.constant 2375 : i32
      %dma_wait3A_541 = arith.constant 0 : i32
      %dma_wait3A_542 = tpu.memref_slice %arg6[%dma_wait3A_540, %dma_wait3A_541] : memref<2500x16xf32, #tpu.memory_space<vmem>> -> memref<125x16xf32, #tpu.memory_space<vmem>>
      %dma_wait3A_543 = arith.constant 0 : i32
      %dma_wait3A_544 = tpu.memref_slice %arg5[%add3A_539, %dma_wait3A_543] : memref<200x125xi32, #tpu.memory_space<vmem>> -> memref<1x125xi32, #tpu.memory_space<vmem>>
      %dma_wait3A_545 = tpu.memref_squeeze %dma_wait3A_544 : memref<1x125xi32, #tpu.memory_space<vmem>> -> memref<125xi32, #tpu.memory_space<vmem>>
      %dma_wait3A_546 = arith.constant 0 : i32
      %dma_wait3A_547 = arith.constant 0 : i32
      %dma_wait3A_548 = tpu.memref_slice %arg8[%dma_wait3A_546, %dma_wait3A_547] : memref<51200x16xf32, #tpu.memory_space<vmem_shared>> -> memref<51200x16xf32, #tpu.memory_space<vmem_shared>>
      tpu.wait_indirect_dma semaphore(%arg9 : memref<!tpu.dma_semaphore, #tpu.memory_space<semaphore_mem>>) src(%dma_wait3A_542 : memref<125x16xf32, #tpu.memory_space<vmem>>) dst(%dma_wait3A_548 : memref<51200x16xf32, #tpu.memory_space<vmem_shared>>)
    }
    %scan3A_19 = arith.constant 10 : i32
    %barrier3A_20 = arith.constant 0 : index
    tpu.barrier barrier_id(%barrier3A_20)
    %mul3A_21 = arith.constant 3200 : i32
    %mul3A_22 = arith.muli %arg1, %mul3A_21 : i32
    %mul3A_23 = arith.constant 3200 : i32
    %mul3A_24 = arith.muli %arg1, %mul3A_23 : i32
    "tpu.region"() ({
      %run_scoped3A = tpu.sem_alloc : memref<!tpu.dma_semaphore, #tpu.memory_space<semaphore_mem>>
      %dma_start3A = arith.constant 0 : i32
      %dma_start3A_25 = tpu.memref_slice %arg4[%arg0, %mul3A_24, %dma_start3A] : memref<2x51200x16xf32, #tpu.memory_space<hbm>> -> memref<1x3200x16xf32, #tpu.memory_space<hbm>>
      %dma_start3A_26 = tpu.memref_squeeze %dma_start3A_25 : memref<1x3200x16xf32, #tpu.memory_space<hbm>> -> memref<3200x16xf32, #tpu.memory_space<hbm>>
      %dma_start3A_27 = arith.constant 0 : i32
      %dma_start3A_28 = tpu.memref_slice %arg8[%mul3A_22, %dma_start3A_27] : memref<51200x16xf32, #tpu.memory_space<vmem_shared>> -> memref<3200x16xf32, #tpu.memory_space<vmem_shared>>
      tpu.enqueue_dma source(%dma_start3A_28 : memref<3200x16xf32, #tpu.memory_space<vmem_shared>>) target(%dma_start3A_26 : memref<3200x16xf32, #tpu.memory_space<hbm>>) target_semaphore(%run_scoped3A : memref<!tpu.dma_semaphore, #tpu.memory_space<semaphore_mem>>)
      %dma_wait3A = arith.constant 0 : i32
      %dma_wait3A_29 = tpu.memref_slice %arg4[%arg0, %mul3A_24, %dma_wait3A] : memref<2x51200x16xf32, #tpu.memory_space<hbm>> -> memref<1x3200x16xf32, #tpu.memory_space<hbm>>
      %dma_wait3A_30 = tpu.memref_squeeze %dma_wait3A_29 : memref<1x3200x16xf32, #tpu.memory_space<hbm>> -> memref<3200x16xf32, #tpu.memory_space<hbm>>
      %dma_wait3A_31 = arith.constant 0 : i32
      %dma_wait3A_32 = tpu.memref_slice %arg8[%mul3A_22, %dma_wait3A_31] : memref<51200x16xf32, #tpu.memory_space<vmem_shared>> -> memref<3200x16xf32, #tpu.memory_space<vmem_shared>>
      tpu.wait_dma2 semaphore(%run_scoped3A : memref<!tpu.dma_semaphore, #tpu.memory_space<semaphore_mem>>) src(%dma_wait3A_32 : memref<3200x16xf32, #tpu.memory_space<vmem_shared>>) dst(%dma_wait3A_30 : memref<3200x16xf32, #tpu.memory_space<hbm>>)
      tpu.yield
    }) : () -> ()
    return
  }
}

module attributes {stable_mosaic.version = 14 : i64} {
  func.func @_edgek_body(%arg0: i32, %arg1: memref<2000x256xf32, #tpu.memory_space<vmem>>, %arg2: memref<256x128xf32, #tpu.memory_space<vmem>>, %arg3: memref<1x128xf32, #tpu.memory_space<vmem>>, %arg4: memref<2000x128xf32, #tpu.memory_space<vmem>>) attributes {dimension_semantics = [#tpu.dimension_semantics<arbitrary>], iteration_bounds = array<i64: 25>, scalar_prefetch = 0 : i64, scratch_operands = 0 : i64, tpu.core_type = #tpu.core_type<tc>, window_params = [{transform_indices = @transform_0, window_bounds = array<i64: 2000, 256>}, {pipeline_mode = #tpu.pipeline_mode<synchronous>, transform_indices = @transform_1, window_bounds = array<i64: 256, 128>}, {pipeline_mode = #tpu.pipeline_mode<synchronous>, transform_indices = @transform_2, window_bounds = array<i64: 1, 128>}, {transform_indices = @transform_3, window_bounds = array<i64: 2000, 128>}]} {
    %get3A = arith.constant 0 : index
    %get3A_0 = arith.constant 0 : index
    %get3A_1 = vector.load %arg1[%get3A, %get3A_0] : memref<2000x256xf32, #tpu.memory_space<vmem>>, vector<2000x256xf32>
    %get3A_2 = arith.constant 0 : index
    %get3A_3 = arith.constant 0 : index
    %get3A_4 = vector.load %arg2[%get3A_2, %get3A_3] : memref<256x128xf32, #tpu.memory_space<vmem>>, vector<256x128xf32>
    %dot_general3A = arith.constant dense<0.000000e+00> : vector<2000x128xf32>
    %dot_general3A_5 = tpu.matmul %get3A_1, %get3A_4, %dot_general3A {dimension_numbers = #tpu.dot_dimension_numbers<[1], [0], [0], [1], [0, 0, 1, 1], [], []>, transpose_lhs_hint = false} : vector<2000x256xf32>, vector<256x128xf32>, vector<2000x128xf32> -> vector<2000x128xf32>
    %get3A_6 = arith.constant 0 : index
    %get3A_7 = arith.constant 0 : index
    %get3A_8 = vector.load %arg3[%get3A_6, %get3A_7] : memref<1x128xf32, #tpu.memory_space<vmem>>, vector<1x128xf32>
    %add3A = vector.broadcast %get3A_8 : vector<1x128xf32> to vector<2000x128xf32>
    %add3A_9 = arith.addf %dot_general3A_5, %add3A : vector<2000x128xf32>
    %swap3A = arith.constant 0 : index
    %swap3A_10 = arith.constant 0 : index
    %swap3A_11 = vector.load %arg4[%swap3A, %swap3A_10] : memref<2000x128xf32, #tpu.memory_space<vmem>>, vector<2000x128xf32>
    tpu.vector_store %arg4[%swap3A, %swap3A_10], %add3A_9 {strides = array<i32>} : memref<2000x128xf32, #tpu.memory_space<vmem>>, vector<2000x128xf32>,
    return
  }
  func.func @transform_0(%arg0: i32) -> (i32, i32) {
    %c0_i32 = arith.constant 0 : i32
    %c0_i32_0 = arith.constant 0 : i32
    return %arg0, %c0_i32 : i32, i32
  }
  func.func @transform_1(%arg0: i32) -> (i32, i32) {
    %c0_i32 = arith.constant 0 : i32
    %c0_i32_0 = arith.constant 0 : i32
    %c0_i32_1 = arith.constant 0 : i32
    return %c0_i32, %c0_i32_0 : i32, i32
  }
  func.func @transform_2(%arg0: i32) -> (i32, i32) {
    %c0_i32 = arith.constant 0 : i32
    %c0_i32_0 = arith.constant 0 : i32
    %c0_i32_1 = arith.constant 0 : i32
    return %c0_i32, %c0_i32_0 : i32, i32
  }
  func.func @transform_3(%arg0: i32) -> (i32, i32) {
    %c0_i32 = arith.constant 0 : i32
    %c0_i32_0 = arith.constant 0 : i32
    return %arg0, %c0_i32 : i32, i32
  }
}

module attributes {stable_mosaic.version = 14 : i64} {
  func.func @_fused_body(%arg0: i32, %arg1: memref<1000x128xf32, #tpu.memory_space<vmem>>, %arg2: memref<1000x128xf32, #tpu.memory_space<vmem>>, %arg3: memref<1x1000x16xf32, #tpu.memory_space<vmem>>, %arg4: memref<1x1000x16xf32, #tpu.memory_space<vmem>>, %arg5: memref<128x128xf32, #tpu.memory_space<vmem>>, %arg6: memref<1x128xf32, #tpu.memory_space<vmem>>, %arg7: memref<128x8xf32, #tpu.memory_space<vmem>>, %arg8: memref<128x256xf32, #tpu.memory_space<vmem>>, %arg9: memref<8x256xf32, #tpu.memory_space<vmem>>, %arg10: memref<16x256xf32, #tpu.memory_space<vmem>>, %arg11: memref<1x256xf32, #tpu.memory_space<vmem>>, %arg12: memref<256x128xf32, #tpu.memory_space<vmem>>, %arg13: memref<1x128xf32, #tpu.memory_space<vmem>>, %arg14: memref<1x128xf32, #tpu.memory_space<vmem>>, %arg15: memref<1x128xf32, #tpu.memory_space<vmem>>, %arg16: memref<1000x128xf32, #tpu.memory_space<vmem>>) attributes {dimension_semantics = [#tpu.dimension_semantics<arbitrary>], iteration_bounds = array<i64: 50>, scalar_prefetch = 0 : i64, scratch_operands = 0 : i64, tpu.core_type = #tpu.core_type<tc>, window_params = [{transform_indices = @transform_0, window_bounds = array<i64: 1000, 128>}, {transform_indices = @transform_1, window_bounds = array<i64: 1000, 128>}, {transform_indices = @transform_2, window_bounds = array<i64: 1, 1000, 16>}, {transform_indices = @transform_3, window_bounds = array<i64: 1, 1000, 16>}, {pipeline_mode = #tpu.pipeline_mode<synchronous>, transform_indices = @transform_4, window_bounds = array<i64: 128, 128>}, {pipeline_mode = #tpu.pipeline_mode<synchronous>, transform_indices = @transform_5, window_bounds = array<i64: 1, 128>}, {pipeline_mode = #tpu.pipeline_mode<synchronous>, transform_indices = @transform_6, window_bounds = array<i64: 128, 8>}, {pipeline_mode = #tpu.pipeline_mode<synchronous>, transform_indices = @transform_7, window_bounds = array<i64: 128, 256>}, {pipeline_mode = #tpu.pipeline_mode<synchronous>, transform_indices = @transform_8, window_bounds = array<i64: 8, 256>}, {pipeline_mode = #tpu.pipeline_mode<synchronous>, transform_indices = @transform_9, window_bounds = array<i64: 16, 256>}, {pipeline_mode = #tpu.pipeline_mode<synchronous>, transform_indices = @transform_10, window_bounds = array<i64: 1, 256>}, {pipeline_mode = #tpu.pipeline_mode<synchronous>, transform_indices = @transform_11, window_bounds = array<i64: 256, 128>}, {pipeline_mode = #tpu.pipeline_mode<synchronous>, transform_indices = @transform_12, window_bounds = array<i64: 1, 128>}, {pipeline_mode = #tpu.pipeline_mode<synchronous>, transform_indices = @transform_13, window_bounds = array<i64: 1, 128>}, {pipeline_mode = #tpu.pipeline_mode<synchronous>, transform_indices = @transform_14, window_bounds = array<i64: 1, 128>}, {transform_indices = @transform_15, window_bounds = array<i64: 1000, 128>}]} {
    %get3A = arith.constant 0 : index
    %get3A_0 = arith.constant 0 : index
    %get3A_1 = vector.load %arg1[%get3A, %get3A_0] : memref<1000x128xf32, #tpu.memory_space<vmem>>, vector<1000x128xf32>
    %get3A_2 = arith.constant 0 : index
    %get3A_3 = arith.constant 0 : index
    %get3A_4 = vector.load %arg2[%get3A_2, %get3A_3] : memref<1000x128xf32, #tpu.memory_space<vmem>>, vector<1000x128xf32>
    %get3A_5 = arith.constant 0 : index
    %get3A_6 = arith.constant 0 : index
    %get3A_7 = vector.load %arg5[%get3A_5, %get3A_6] : memref<128x128xf32, #tpu.memory_space<vmem>>, vector<128x128xf32>
    %dot_general3A = arith.constant dense<0.000000e+00> : vector<1000x128xf32>
    %dot_general3A_8 = tpu.matmul %get3A_1, %get3A_7, %dot_general3A {dimension_numbers = #tpu.dot_dimension_numbers<[1], [0], [0], [1], [0, 0, 1, 1], [], []>, transpose_lhs_hint = false} : vector<1000x128xf32>, vector<128x128xf32>, vector<1000x128xf32> -> vector<1000x128xf32>
    %get3A_9 = arith.constant 0 : index
    %get3A_10 = arith.constant 0 : index
    %get3A_11 = vector.load %arg6[%get3A_9, %get3A_10] : memref<1x128xf32, #tpu.memory_space<vmem>>, vector<1x128xf32>
    %add3A = vector.broadcast %get3A_11 : vector<1x128xf32> to vector<1000x128xf32>
    %add3A_12 = arith.addf %dot_general3A_8, %add3A : vector<1000x128xf32>
    %mul3A = arith.mulf %get3A_4, %add3A_12 : vector<1000x128xf32>
    %reduce_max3A = arith.constant dense<0xFF800000> : vector<1000xf32>
    %reduce_max3A_13 = vector.multi_reduction <maximumf>, %mul3A, %reduce_max3A [1] : vector<1000x128xf32> to vector<1000xf32>
    %broadcast_in_dim3A = vector.shape_cast %reduce_max3A_13 : vector<1000xf32> to vector<1000x1xf32>
    %sub3A = vector.broadcast %broadcast_in_dim3A : vector<1000x1xf32> to vector<1000x128xf32>
    %sub3A_14 = arith.subf %mul3A, %sub3A : vector<1000x128xf32>
    %exp3A = math.exp %sub3A_14 : vector<1000x128xf32>
    %get3A_15 = arith.constant 0 : index
    %get3A_16 = arith.constant 0 : index
    %get3A_17 = vector.load %arg7[%get3A_15, %get3A_16] : memref<128x8xf32, #tpu.memory_space<vmem>>, vector<128x8xf32>
    %dot_general3A_18 = arith.constant dense<0.000000e+00> : vector<1000x8xf32>
    %dot_general3A_19 = tpu.matmul %exp3A, %get3A_17, %dot_general3A_18 {dimension_numbers = #tpu.dot_dimension_numbers<[1], [0], [0], [1], [0, 0, 1, 1], [], []>, transpose_lhs_hint = false} : vector<1000x128xf32>, vector<128x8xf32>, vector<1000x8xf32> -> vector<1000x8xf32>
    %mul3A_20 = arith.mulf %exp3A, %get3A_4 : vector<1000x128xf32>
    %get3A_21 = arith.constant 0 : index
    %get3A_22 = arith.constant 0 : index
    %get3A_23 = vector.load %arg7[%get3A_21, %get3A_22] : memref<128x8xf32, #tpu.memory_space<vmem>>, vector<128x8xf32>
    %dot_general3A_24 = arith.constant dense<0.000000e+00> : vector<1000x8xf32>
    %dot_general3A_25 = tpu.matmul %mul3A_20, %get3A_23, %dot_general3A_24 {dimension_numbers = #tpu.dot_dimension_numbers<[1], [0], [0], [1], [0, 0, 1, 1], [], []>, transpose_lhs_hint = false} : vector<1000x128xf32>, vector<128x8xf32>, vector<1000x8xf32> -> vector<1000x8xf32>
    %div3A = arith.divf %dot_general3A_25, %dot_general3A_19 : vector<1000x8xf32>
    %get3A_26 = arith.constant 0 : index
    %get3A_27 = arith.constant 0 : index
    %get3A_28 = arith.constant 0 : index
    %get3A_29 = vector.load %arg3[%get3A_26, %get3A_27, %get3A_28] : memref<1x1000x16xf32, #tpu.memory_space<vmem>>, vector<1x1000x16xf32>
    %get3A_30 = vector.shape_cast %get3A_29 : vector<1x1000x16xf32> to vector<1000x16xf32>
    %get3A_31 = arith.constant 0 : index
    %get3A_32 = arith.constant 0 : index
    %get3A_33 = arith.constant 0 : index
    %get3A_34 = vector.load %arg4[%get3A_31, %get3A_32, %get3A_33] : memref<1x1000x16xf32, #tpu.memory_space<vmem>>, vector<1x1000x16xf32>
    %get3A_35 = vector.shape_cast %get3A_34 : vector<1x1000x16xf32> to vector<1000x16xf32>
    %add3A_36 = arith.addf %get3A_30, %get3A_35 : vector<1000x16xf32>
    %get3A_37 = arith.constant 0 : index
    %get3A_38 = arith.constant 0 : index
    %get3A_39 = vector.load %arg8[%get3A_37, %get3A_38] : memref<128x256xf32, #tpu.memory_space<vmem>>, vector<128x256xf32>
    %dot_general3A_40 = arith.constant dense<0.000000e+00> : vector<1000x256xf32>
    %dot_general3A_41 = tpu.matmul %get3A_1, %get3A_39, %dot_general3A_40 {dimension_numbers = #tpu.dot_dimension_numbers<[1], [0], [0], [1], [0, 0, 1, 1], [], []>, transpose_lhs_hint = false} : vector<1000x128xf32>, vector<128x256xf32>, vector<1000x256xf32> -> vector<1000x256xf32>
    %get3A_42 = arith.constant 0 : index
    %get3A_43 = arith.constant 0 : index
    %get3A_44 = vector.load %arg9[%get3A_42, %get3A_43] : memref<8x256xf32, #tpu.memory_space<vmem>>, vector<8x256xf32>
    %dot_general3A_45 = arith.constant dense<0.000000e+00> : vector<1000x256xf32>
    %dot_general3A_46 = tpu.matmul %div3A, %get3A_44, %dot_general3A_45 {dimension_numbers = #tpu.dot_dimension_numbers<[1], [0], [0], [1], [0, 0, 1, 1], [], []>, transpose_lhs_hint = false} : vector<1000x8xf32>, vector<8x256xf32>, vector<1000x256xf32> -> vector<1000x256xf32>
    %add3A_47 = arith.addf %dot_general3A_41, %dot_general3A_46 : vector<1000x256xf32>
    %get3A_48 = arith.constant 0 : index
    %get3A_49 = arith.constant 0 : index
    %get3A_50 = vector.load %arg10[%get3A_48, %get3A_49] : memref<16x256xf32, #tpu.memory_space<vmem>>, vector<16x256xf32>
    %dot_general3A_51 = arith.constant dense<0.000000e+00> : vector<1000x256xf32>
    %dot_general3A_52 = tpu.matmul %add3A_36, %get3A_50, %dot_general3A_51 {dimension_numbers = #tpu.dot_dimension_numbers<[1], [0], [0], [1], [0, 0, 1, 1], [], []>, transpose_lhs_hint = false} : vector<1000x16xf32>, vector<16x256xf32>, vector<1000x256xf32> -> vector<1000x256xf32>
    %add3A_53 = arith.addf %add3A_47, %dot_general3A_52 : vector<1000x256xf32>
    %get3A_54 = arith.constant 0 : index
    %get3A_55 = arith.constant 0 : index
    %get3A_56 = vector.load %arg11[%get3A_54, %get3A_55] : memref<1x256xf32, #tpu.memory_space<vmem>>, vector<1x256xf32>
    %add3A_57 = vector.broadcast %get3A_56 : vector<1x256xf32> to vector<1000x256xf32>
    %add3A_58 = arith.addf %add3A_53, %add3A_57 : vector<1000x256xf32>
    %max3A = arith.constant 0.000000e+00 : f32
    %max3A_59 = vector.broadcast %max3A : f32 to vector<1000x256xf32>
    %max3A_60 = arith.maximumf %add3A_58, %max3A_59 : vector<1000x256xf32>
    %get3A_61 = arith.constant 0 : index
    %get3A_62 = arith.constant 0 : index
    %get3A_63 = vector.load %arg12[%get3A_61, %get3A_62] : memref<256x128xf32, #tpu.memory_space<vmem>>, vector<256x128xf32>
    %dot_general3A_64 = arith.constant dense<0.000000e+00> : vector<1000x128xf32>
    %dot_general3A_65 = tpu.matmul %max3A_60, %get3A_63, %dot_general3A_64 {dimension_numbers = #tpu.dot_dimension_numbers<[1], [0], [0], [1], [0, 0, 1, 1], [], []>, transpose_lhs_hint = false} : vector<1000x256xf32>, vector<256x128xf32>, vector<1000x128xf32> -> vector<1000x128xf32>
    %get3A_66 = arith.constant 0 : index
    %get3A_67 = arith.constant 0 : index
    %get3A_68 = vector.load %arg13[%get3A_66, %get3A_67] : memref<1x128xf32, #tpu.memory_space<vmem>>, vector<1x128xf32>
    %add3A_69 = vector.broadcast %get3A_68 : vector<1x128xf32> to vector<1000x128xf32>
    %add3A_70 = arith.addf %dot_general3A_65, %add3A_69 : vector<1000x128xf32>
    %logistic3A = arith.negf %add3A_70 : vector<1000x128xf32>
    %logistic3A_71 = math.exp %logistic3A : vector<1000x128xf32>
    %logistic3A_72 = arith.constant 1.000000e+00 : f32
    %logistic3A_73 = vector.broadcast %logistic3A_72 : f32 to vector<1000x128xf32>
    %logistic3A_74 = arith.addf %logistic3A_73, %logistic3A_71 : vector<1000x128xf32>
    %logistic3A_75 = arith.divf %logistic3A_73, %logistic3A_74 : vector<1000x128xf32>
    %reduce_sum3A = arith.constant dense<0.000000e+00> : vector<1000xf32>
    %reduce_sum3A_76 = vector.multi_reduction <add>, %logistic3A_75, %reduce_sum3A [1] : vector<1000x128xf32> to vector<1000xf32>
    %broadcast_in_dim3A_77 = vector.shape_cast %reduce_sum3A_76 : vector<1000xf32> to vector<1000x1xf32>
    %div3A_78 = arith.constant 1.280000e+02 : f32
    %div3A_79 = vector.broadcast %div3A_78 : f32 to vector<1000x1xf32>
    %div3A_80 = arith.divf %broadcast_in_dim3A_77, %div3A_79 : vector<1000x1xf32>
    %sub3A_81 = vector.broadcast %div3A_80 : vector<1000x1xf32> to vector<1000x128xf32>
    %sub3A_82 = arith.subf %logistic3A_75, %sub3A_81 : vector<1000x128xf32>
    %mul3A_83 = arith.mulf %sub3A_82, %sub3A_82 : vector<1000x128xf32>
    %reduce_sum3A_84 = arith.constant dense<0.000000e+00> : vector<1000xf32>
    %reduce_sum3A_85 = vector.multi_reduction <add>, %mul3A_83, %reduce_sum3A_84 [1] : vector<1000x128xf32> to vector<1000xf32>
    %broadcast_in_dim3A_86 = vector.shape_cast %reduce_sum3A_85 : vector<1000xf32> to vector<1000x1xf32>
    %div3A_87 = arith.constant 1.280000e+02 : f32
    %div3A_88 = vector.broadcast %div3A_87 : f32 to vector<1000x1xf32>
    %div3A_89 = arith.divf %broadcast_in_dim3A_86, %div3A_88 : vector<1000x1xf32>
    %add3A_90 = arith.constant 1.000000e-03 : f32
    %add3A_91 = vector.broadcast %add3A_90 : f32 to vector<1000x1xf32>
    %add3A_92 = arith.addf %div3A_89, %add3A_91 : vector<1000x1xf32>
    %sqrt3A = math.sqrt %add3A_92 : vector<1000x1xf32>
    %div3A_93 = vector.broadcast %sqrt3A : vector<1000x1xf32> to vector<1000x128xf32>
    %div3A_94 = arith.divf %sub3A_82, %div3A_93 : vector<1000x128xf32>
    %get3A_95 = arith.constant 0 : index
    %get3A_96 = arith.constant 0 : index
    %get3A_97 = vector.load %arg14[%get3A_95, %get3A_96] : memref<1x128xf32, #tpu.memory_space<vmem>>, vector<1x128xf32>
    %mul3A_98 = vector.broadcast %get3A_97 : vector<1x128xf32> to vector<1000x128xf32>
    %mul3A_99 = arith.mulf %div3A_94, %mul3A_98 : vector<1000x128xf32>
    %get3A_100 = arith.constant 0 : index
    %get3A_101 = arith.constant 0 : index
    %get3A_102 = vector.load %arg15[%get3A_100, %get3A_101] : memref<1x128xf32, #tpu.memory_space<vmem>>, vector<1x128xf32>
    %add3A_103 = vector.broadcast %get3A_102 : vector<1x128xf32> to vector<1000x128xf32>
    %add3A_104 = arith.addf %mul3A_99, %add3A_103 : vector<1000x128xf32>
    %swap3A = arith.constant 0 : index
    %swap3A_105 = arith.constant 0 : index
    %swap3A_106 = vector.load %arg16[%swap3A, %swap3A_105] : memref<1000x128xf32, #tpu.memory_space<vmem>>, vector<1000x128xf32>
    tpu.vector_store %arg16[%swap3A, %swap3A_105], %add3A_104 {strides = array<i32>} : memref<1000x128xf32, #tpu.memory_space<vmem>>, vector<1000x128xf32>,
    return
  }
  func.func @transform_0(%arg0: i32) -> (i32, i32) {
    %c0_i32 = arith.constant 0 : i32
    %c0_i32_0 = arith.constant 0 : i32
    return %arg0, %c0_i32 : i32, i32
  }
  func.func @transform_1(%arg0: i32) -> (i32, i32) {
    %c0_i32 = arith.constant 0 : i32
    %c0_i32_0 = arith.constant 0 : i32
    return %arg0, %c0_i32 : i32, i32
  }
  func.func @transform_2(%arg0: i32) -> (i32, i32, i32) {
    %c0_i32 = arith.constant 0 : i32
    %c0_i32_0 = arith.constant 0 : i32
    %c0_i32_1 = arith.constant 0 : i32
    return %c0_i32, %arg0, %c0_i32_0 : i32, i32, i32
  }
  func.func @transform_3(%arg0: i32) -> (i32, i32, i32) {
    %c1_i32 = arith.constant 1 : i32
    %c0_i32 = arith.constant 0 : i32
    %c0_i32_0 = arith.constant 0 : i32
    return %c1_i32, %arg0, %c0_i32 : i32, i32, i32
  }
  func.func @transform_4(%arg0: i32) -> (i32, i32) {
    %c0_i32 = arith.constant 0 : i32
    %c0_i32_0 = arith.constant 0 : i32
    %c0_i32_1 = arith.constant 0 : i32
    return %c0_i32, %c0_i32_0 : i32, i32
  }
  func.func @transform_5(%arg0: i32) -> (i32, i32) {
    %c0_i32 = arith.constant 0 : i32
    %c0_i32_0 = arith.constant 0 : i32
    %c0_i32_1 = arith.constant 0 : i32
    return %c0_i32, %c0_i32_0 : i32, i32
  }
  func.func @transform_6(%arg0: i32) -> (i32, i32) {
    %c0_i32 = arith.constant 0 : i32
    %c0_i32_0 = arith.constant 0 : i32
    %c0_i32_1 = arith.constant 0 : i32
    return %c0_i32, %c0_i32_0 : i32, i32
  }
  func.func @transform_7(%arg0: i32) -> (i32, i32) {
    %c0_i32 = arith.constant 0 : i32
    %c0_i32_0 = arith.constant 0 : i32
    %c0_i32_1 = arith.constant 0 : i32
    return %c0_i32, %c0_i32_0 : i32, i32
  }
  func.func @transform_8(%arg0: i32) -> (i32, i32) {
    %c0_i32 = arith.constant 0 : i32
    %c0_i32_0 = arith.constant 0 : i32
    %c0_i32_1 = arith.constant 0 : i32
    return %c0_i32, %c0_i32_0 : i32, i32
  }
  func.func @transform_9(%arg0: i32) -> (i32, i32) {
    %c0_i32 = arith.constant 0 : i32
    %c0_i32_0 = arith.constant 0 : i32
    %c0_i32_1 = arith.constant 0 : i32
    return %c0_i32, %c0_i32_0 : i32, i32
  }
  func.func @transform_10(%arg0: i32) -> (i32, i32) {
    %c0_i32 = arith.constant 0 : i32
    %c0_i32_0 = arith.constant 0 : i32
    %c0_i32_1 = arith.constant 0 : i32
    return %c0_i32, %c0_i32_0 : i32, i32
  }
  func.func @transform_11(%arg0: i32) -> (i32, i32) {
    %c0_i32 = arith.constant 0 : i32
    %c0_i32_0 = arith.constant 0 : i32
    %c0_i32_1 = arith.constant 0 : i32
    return %c0_i32, %c0_i32_0 : i32, i32
  }
  func.func @transform_12(%arg0: i32) -> (i32, i32) {
    %c0_i32 = arith.constant 0 : i32
    %c0_i32_0 = arith.constant 0 : i32
    %c0_i32_1 = arith.constant 0 : i32
    return %c0_i32, %c0_i32_0 : i32, i32
  }
  func.func @transform_13(%arg0: i32) -> (i32, i32) {
    %c0_i32 = arith.constant 0 : i32
    %c0_i32_0 = arith.constant 0 : i32
    %c0_i32_1 = arith.constant 0 : i32
    return %c0_i32, %c0_i32_0 : i32, i32
  }
  func.func @transform_14(%arg0: i32) -> (i32, i32) {
    %c0_i32 = arith.constant 0 : i32
    %c0_i32_0 = arith.constant 0 : i32
    %c0_i32_1 = arith.constant 0 : i32
    return %c0_i32, %c0_i32_0 : i32, i32
  }
  func.func @transform_15(%arg0: i32) -> (i32, i32) {
    %c0_i32 = arith.constant 0 : i32
    %c0_i32_0 = arith.constant 0 : i32
    return %arg0, %c0_i32 : i32, i32
  }
}

</mosaic_0001>

<sc_bundles>
// kernel: kernel.6.cloned.1.call-start
scs
__scs_entry_jumppad:
0x0: {  	(pc) =	sbr.rel $0x88, $3  }
0x1: {  	(tag) =	ssettag $0x0;
	lr =	simm.s32 $0x1  }
0x2: {  	[smem:$0x3F8F] =	sst lr;
	_ =	strace $0xD0000000  }
0x3: {  	_ = 	snop  }
0x4: {  	_ = 	snop  }
0x5: {  	_ = 	snop  }
0x6: {  	_ = 	snop  }
0x7: {  	_ = 	snop  }
__scs_overlays_trampoline_lowered:
0x8: {  	[smem:$0x3F9E] =	sst s0  }
0x9: {  	[smem:$0x3F9F] =	sst s1  }
0xa: {  	[smem:$0x3FA0] =	sst s2  }
0xb: {  	[smem:$0x3FA1] =	sst s3  }
0xc: {  	[smem:$0x3FA2] =	sst s4  }
0xd: {  	[smem:$0x3FA3] =	sst s5  }
0xe: {  	[smem:$0x3FA4] =	sst s6  }
0xf: {  	[smem:$0x3FA5] =	sst s7  }
0x10: {  	[smem:$0x3FA6] =	sst s8  }
0x11: {  	[smem:$0x3FA7] =	sst s9;
	s0 =	simm.s32 @!p0 $0x0  }
0x12: {  	s1 =	sld [smem:$0x3F8D];
	s0 =	simm.s32 @p0 $0x1  }
0x13: {  	[smem:$0x3FA8] =	sst s0;
	s0 =	simm.s32 @!p1 $0x0  }
0x14: {  	s2 =	sld [smem:$0x3F8C];
	s0 =	simm.s32 @p1 $0x1  }
0x15: {  	[smem:$0x3FA9] =	sst s0;
	s0 =	simm.s32 @!p2 $0x0  }
0x16: {  	s3 =	sld [smem:$0x3FDB];
	s0 =	simm.s32 @p2 $0x1  }
0x17: {  	s4 =	simm.s32 $0x1BF5;
	[smem:$0x3FAB] =	sst s0  }
0x18: {  	s0 =	sld [smem:$0x3F8E];
	_ =	swait.ge [sflag:s4], $0x0  }
0x19: {  	s7 =	sld [smem:$0x3F8F]  }
0x1a: {  	s8 =	sadd.s32 $0xFFFFE003, lr  }
0x1b: {  	s9 =	sadd.s32 $0xFFFFFEF7, lr;
	s5 =	simm.s32 $0xFFFFFFFF;
	p2 =	slt.u32 s8, $0xFFFFF086  }
0x1c: {  	p1 =	slt.u32 s9, $0xF7A;
	s5 =	simm.s32 @!p2 $0x0  }
0x1d: {  	s5 =	simm.s32 @p1 $0x1;
	p0 =	seq.s32 s7, s2  }
0x1e: {  	s7 =	smul.u32 @!p0 $0xF7A, s2;
	p2 =	seq.s32 @!p0 s5, $0x0  }
0x1f: {  	s9 =	smul.u32 $0xF7A, s1;
	s8 =	simm.s32 @!p0 $0x1BF5;
	p2 =	por !p2, p0  }
0x20: {  	[sflag:s8] =	ssyncset.s32 @!p0 $0xFFFFF086;
	s6 =	sadd.s32 @!p0 s3, s7;
	s7 =	simm.s32 @!p0 $0x108  }
0x21: {  	s3 =	sadd.s32 s3, s9;
	s6 =	sadd.s32 @!p0 $0x88, s6;
	s7 =	simm.s32 @p2 $0x1082  }
0x22: {  	[simem:s7], [sflag:s8] =	dma.local @!p0 [hbm:s6], $0xF7A  }
0x23: {  	s9 =	sor.u32 $0xD0000000, s2;
	s6 =	simm.s32 $0x108;
	_ =	swait.ge @!p0 [sflag:s8], $0x0  }
0x24: {  	s3 =	sadd.s32 $0x88, s3;
	s6 =	simm.s32 @!p1 $0x1082;
	[sflag:s4] =	ssyncset.s32 $0xFFFFF086  }
0x25: {  	[simem:s6], [sflag:s4] =	dma.local [hbm:s3], $0xF7A  }
0x26: {  	[smem:$0x3F8F] =	sst s1;
	(tag) =	ssettag s2;
	_ =	strace s9  }
0x27: {  	s1 =	sld [smem:$0x3F9F]  }
0x28: {  	s2 =	sld [smem:$0x3FA0]  }
0x29: {  	s4 =	sld [smem:$0x3FA2]  }
0x2a: {  	p0 =	seq.s32 s5, $0x0;
	s5 =	sld [smem:$0x3FA3]  }
0x2b: {  	s6 =	sld [smem:$0x3FA4]  }
0x2c: {  	s7 =	sld [smem:$0x3FA5]  }
0x2d: {  	s3 =	simm.s32 $0x108;
	s8 =	sld [smem:$0x3FA6]  }
0x2e: {  	s3 =	simm.s32 @!p0 $0x1082;
	s9 =	sld [smem:$0x3FA7]  }
0x2f: {  	lr =	sadd.s32 s0, s3;
	s0 =	sld [smem:$0x3F9E]  }
0x30: {  	s3 =	sld [smem:$0x3FA1]  }
0x31: {  	[smem:$0x3FAA] =	sst s10  }
0x32: {  	s10 =	sld [smem:$0x3FA8];
	_ =	sdelay $0x3  }
0x33: {  	p0 =	seq.s32 s10, $0x1;
	s10 =	sld [smem:$0x3FAA];
	_ =	sdelay $0x3  }
0x34: {  	[smem:$0x3FAA] =	sst s10  }
0x35: {  	s10 =	sld [smem:$0x3FA9];
	_ =	sdelay $0x3  }
0x36: {  	p1 =	seq.s32 s10, $0x1;
	s10 =	sld [smem:$0x3FAA];
	_ =	sdelay $0x3  }
0x37: {  	[smem:$0x3FAA] =	sst s10  }
0x38: {  	s10 =	sld [smem:$0x3FAB]  }
0x39: {  	_ = 	snop;
	(pc) =	sbr.ind lr, $3  }
0x3a: {  	_ = 	snop  }
0x3b: {  	_ = 	snop  }
0x3c: {  	p2 =	seq.s32 s10, $0x1;
	s10 =	sld [smem:$0x3FAA]  }
0x3d: {  	_ =	shalt  }
0x3e: {  	_ =	shalt  }
0x3f: {  	_ =	shalt  }
0x40: {  	_ =	shalt  }
0x41: {  	_ =	shalt  }
0x42: {  	_ =	shalt  }
0x43: {  	_ =	shalt  }
0x44: {  	_ =	shalt  }
0x45: {  	_ =	shalt  }
0x46: {  	_ =	shalt  }
0x47: {  	_ =	shalt  }
0x48: {  	_ =	shalt  }
0x49: {  	_ =	shalt  }
0x4a: {  	_ =	shalt  }
0x4b: {  	_ =	shalt  }
0x4c: {  	_ =	shalt  }
0x4d: {  	_ =	shalt  }
0x4e: {  	_ =	shalt  }
0x4f: {  	_ =	shalt  }
0x50: {  	_ =	shalt  }
0x51: {  	_ =	shalt  }
0x52: {  	_ =	shalt  }
0x53: {  	_ =	shalt  }
0x54: {  	_ =	shalt  }
0x55: {  	_ =	shalt  }
0x56: {  	_ =	shalt  }
0x57: {  	_ =	shalt  }
0x58: {  	_ =	shalt  }
0x59: {  	_ =	shalt  }
0x5a: {  	_ =	shalt  }
0x5b: {  	_ =	shalt  }
0x5c: {  	_ =	shalt  }
0x5d: {  	_ =	shalt  }
0x5e: {  	_ =	shalt  }
0x5f: {  	_ =	shalt  }
0x60: {  	_ =	shalt  }
0x61: {  	_ =	shalt  }
0x62: {  	_ =	shalt  }
0x63: {  	_ =	shalt  }
0x64: {  	_ =	shalt  }
0x65: {  	_ =	shalt  }
0x66: {  	_ =	shalt  }
0x67: {  	_ =	shalt  }
0x68: {  	_ =	shalt  }
0x69: {  	_ =	shalt  }
0x6a: {  	_ =	shalt  }
0x6b: {  	_ =	shalt  }
0x6c: {  	_ =	shalt  }
0x6d: {  	_ =	shalt  }
0x6e: {  	_ =	shalt  }
0x6f: {  	_ =	shalt  }
0x70: {  	_ =	shalt  }
0x71: {  	_ =	shalt  }
0x72: {  	_ =	shalt  }
0x73: {  	_ =	shalt  }
0x74: {  	_ =	shalt  }
0x75: {  	_ =	shalt  }
0x76: {  	_ =	shalt  }
0x77: {  	_ =	shalt  }
0x78: {  	_ =	shalt  }
0x79: {  	_ =	shalt  }
0x7a: {  	_ =	shalt  }
0x7b: {  	_ =	shalt  }
0x7c: {  	_ =	shalt  }
0x7d: {  	_ =	shalt  }
0x7e: {  	_ =	shalt  }
0x7f: {  	_ =	shalt  }
0x80: {  	_ =	shalt  }
0x81: {  	_ =	shalt  }
0x82: {  	_ =	shalt  }
0x83: {  	_ =	shalt  }
0x84: {  	_ =	shalt  }
0x85: {  	_ =	shalt  }
0x86: {  	_ =	shalt  }
0x87: {  	_ =	shalt  }
.Lfunc_end0:
.L_simem_size_0:
called_computation_lowered:
.L_overlay_start_0:
0x88: {  	s2 =	sld [smem:$0x3FD9]  }
0x89: {  	s3 =	sld [smem:$0x3FFE];
	_ =	sdelay $0x1  }
0x8a: {  	s1 =	srdreg.scid  }
0x8b: {  	s0 =	sand.u32 $0x1, s1  }
0x8c: {  	s17 =	sshll.u32 s0, $0xA;
	s2 =	sadd.s32 s3, s2  }
0x8d: {  	s2 =	sadd.s32 s2, s17  }
0x8e: {  	[smem:$0x3FB6] =	sst s2  }
0x8f: {  	_ = 	snop  }
0x90: {  	s18 =	sld [smem:$0x3FD0];
	(tm) =	ssettm $0x1  }
0x91: {  	s19 =	sld [smem:$0x3FFB];
	_ =	sdelay $0x3  }
0x92: {  	_ =	strace s19  }
0x93: {  	s2 =	sld [smem:$0x3FFC];
	_ =	sdelay $0x3  }
0x94: {  	_ =	strace s2  }
0x95: {  	s2 =	sld [smem:$0x3FFD];
	_ =	sdelay $0x3  }
0x96: {  	_ =	strace s2  }
0x97: {  	_ =	strace $0x8FFFFFFF  }
0x98: {  	s20 =	sld [smem:$0x3FDB];
	_ =	sdelay $0x1  }
0x99: {  	s4 =	simm.s32 $_scs_section_size  }
0x9a: {  	s5 =	simm.s32 $_size__tile_overlayer_lowered;
	s6 =	simm.s32 $_tile_overlayer_lowered  }
0x9b: {  	s7 =	simm.s32 $0x1BFF;
	s21 =	sshll.u32 s6, $0x1;
	s4 =	sadd.s32 s4, s20  }
0x9c: {  	s22 =	simm.s32 $0x0;
	s5 =	sshll.u32 s5, $0x1;
	s6 =	sadd.s32 s21, s4  }
0x9d: {  	[timem:s22], [sflag:s7] =	dma.local [hbm:s6], s5  }
0x9e: {  	_ =	swait.ge [sflag:s7], s5  }
0x9f: {  	s5 =	ssub.s32 $0x0, s5;
	[sflag:s7] =	ssyncset.done $0x0  }
0xa0: {  	[sflag:s7] =	ssyncadd.s32 s5;
	_ =	sdelay $0x1  }
0xa1: {  	s23 =	simm.s32 $0x1B8B  }
0xa2: {  	_ =	swait.ge [sflag:s23], $0x1  }
0xa3: {  	[sflag:s23] =	ssyncset.done $0x0  }
0xa4: {  	[sflag:s23] =	ssyncadd.s32 $0xFFFFFFFF  }
0xa5: {  	s5 =	sld [smem:$0x0]  }
0xa6: {  	s6 =	sand.u32 $0xFFFFFFFE, s1  }
0xa7: {  	p0 =	sne.s32 s1, s6  }
0xa8: {  	s6 =	sshll.u32 @p0 s6, $0xE  }
0xa9: {  	s6 =	sadd.s32 @p0 $0x11B8D, s6;
	s7 =	sshll.u32 @p0 s5, $0x11  }
0xaa: {  	s6 =	sor.u32 @p0 s7, s6  }
0xab: {  	[sflag:s6] =	ssyncadd.remote.s32 @p0 $0x1;
	_ =	sdelay $0x1  }
0xac: {  	s6 =	simm.s32 @p0 $0x1B8D  }
0xad: {  	_ =	swait.eq @p0 [sflag:s6], $0x1  }
0xae: {  	[sflag:s6] =	ssyncadd.s32 @p0 $0xFFFFFFFF  }
0xaf: {  	s7 =	sshll.u32 @!p0 s1, $0xE  }
0xb0: {  	s7 =	sor.u32 @!p0 $0x4000, s7;
	s6 =	simm.s32 @!p0 $0x1B8D  }
0xb1: {  	s5 =	sshll.u32 @!p0 s5, $0x11;
	s7 =	sadd.s32 @!p0 $0x11B8D, s7;
	_ =	swait.eq @!p0 [sflag:s6], $0x1  }
0xb2: {  	s5 =	sor.u32 @!p0 s5, s7;
	[sflag:s6] =	ssyncadd.s32 @!p0 $0xFFFFFFFF  }
0xb3: {  	s25 =	simm.s32 $0x1B8E;
	s24 =	sld [smem:$0x3FFE];
	[sflag:s5] =	ssyncadd.remote.s32 @!p0 $0x1  }
0xb4: {  	s26 =	simm.s32 $execute0_lowered;
	[smem:$0x3FD2] =	sst s25  }
0xb5: {  	s6 =	sshll.u32 s26, $0x1;
	_ =	strace $0x80000049;
	[dreg:$0x1] =	wrdreg $0xFFFFFFFF  }
0xb6: {  	s28 =	simm.s32 $_size_execute0_lowered;
	s4 =	sadd.s32 s4, s6;
	[dreg:$0x0] =	wrdreg $0x0  }
0xb7: {  	s6 =	sshll.u32 s28, $0x1;
	[dreg:$0x2] =	wrdreg s4  }
0xb8: {  	[dreg:$0x3] =	wrdreg s6  }
0xb9: {  	[dreg:$0x4] =	wrdreg $0xC0  }
0xba: {  	_ =	task [dreg:s22], $0x5FFFF  }
0xbb: {  	[dreg:$0x1] =	wrdreg $0xFFFFFFFF  }
0xbc: {  	[dreg:$0x0] =	wrdreg $0x60  }
0xbd: {  	[dreg:$0x2] =	wrdreg s24  }
0xbe: {  	[dreg:$0x3] =	wrdreg s18  }
0xbf: {  	[dreg:$0x4] =	wrdreg $0x9  }
0xc0: {  	_ =	task.clear_ibuf [dreg:s22], $0x5FFFF;
	_ =	strace $0x90000049  }
0xc1: {  	s29 =	simm.s32 $0x9;
	_ =	strace $0x8000004B  }
0xc2: {  	_ =	swait.ge [sflag:s29], $0x1  }
0xc3: {  	[sflag:s29] =	ssyncadd.s32 $0xFFFFFFFF  }
0xc4: {  	_ =	strace $0x9000004B  }
0xc5: {  	_ =	sfence  }
0xc6: {  	s30 =	sld [smem:$0x0];
	_ =	sdelay $0x2  }
0xc7: {  	s31 =	sshll.u32 s1, $0xD;
	s1 =	sshrl.u32 s1, $0x2  }
0xc8: {  	s4 =	sand.u32 $0x4000, s31;
	s1 =	sadd.s32 s1, s30  }
0xc9: {  	s0 =	sor.u32 s4, s0;
	s1 =	sshll.u32 s1, $0x11  }
0xca: {  	s0 =	sor.u32 s1, s0  }
0xcb: {  	s0 =	sadd.s32 $0x8F2B, s0  }
0xcc: {  	[sflag:s0] =	ssyncadd.remote.s32 $0x1  }
0xcd: {  	_ =	sfence.sel $0xFFFF  }
0xce: {  	[dreg:$0x0] =	wrdreg $0xFFFFFFFF;
	(pc) =	sbr.abs _section_cstart, $3  }
0xcf: {  	[dreg:$0x1] =	wrdreg $0xFFFFFFFF  }
0xd0: {  	_ =	task.clear_ibuf [dreg:s22], $0x2FFFF;
	_ =	strace $0x9FFFFFFF  }
0xd1: {  	(tm) =	ssettm $0x7FFFFFFF  }
tec
execute0_lowered:
.L_overlay_start_1:
0x0: {  	(tag) =	ssettag $0x1  }
0x1: {  	s4 =	rddreg [dreg:$0x0]  }
0x2: {  	s1 =	rddreg [dreg:$0x1]  }
0x3: {  	s0 =	rddreg [dreg:$0x2];
	s2 =	simm.s32 $0x0  }
0x4: {  	s3 =	simm.s32 $0x67E8;
	[smem:$0x7FF] =	sst s2  }
0x5: {  	s18 =	simm.s32 $0x6BD0;
	_ =	strace $0x8000004A;
	[dreg:$0x3] =	wrdreg s3  }
0x6: {  	s19 =	simm.s32 $0x6FB8;
	[dreg:$0x4] =	wrdreg s18  }
0x7: {  	s20 =	simm.s32 $0x73A0;
	[dreg:$0x5] =	wrdreg s19  }
0x8: {  	s21 =	simm.s32 $0x7788;
	[dreg:$0x6] =	wrdreg s20  }
0x9: {  	s22 =	simm.s32 $0x7B70;
	[dreg:$0x7] =	wrdreg s21  }
0xa: {  	s23 =	simm.s32 $0x7F58;
	[dreg:$0x8] =	wrdreg s22  }
0xb: {  	s24 =	simm.s32 $0x8340;
	[dreg:$0x9] =	wrdreg s23  }
0xc: {  	s25 =	simm.s32 $0x8728;
	[dreg:$0xa] =	wrdreg s24  }
0xd: {  	s26 =	simm.s32 $0x8B10;
	[dreg:$0xb] =	wrdreg s25  }
0xe: {  	s28 =	simm.s32 $0x8EF8;
	[dreg:$0xc] =	wrdreg s26  }
0xf: {  	s29 =	simm.s32 $0x92E0;
	[dreg:$0xd] =	wrdreg s28  }
0x10: {  	s30 =	simm.s32 $0x96C8;
	[dreg:$0xe] =	wrdreg s29  }
0x11: {  	s31 =	simm.s32 $0x9AB0;
	[dreg:$0xf] =	wrdreg s30  }
0x12: {  	s5 =	simm.s32 $0x9E98;
	[dreg:$0x10] =	wrdreg s31  }
0x13: {  	s6 =	simm.s32 $0xA280;
	[dreg:$0x11] =	wrdreg s5  }
0x14: {  	s7 =	simm.s32 $0xA668;
	[dreg:$0x12] =	wrdreg s6  }
0x15: {  	s8 =	simm.s32 $0xAA50;
	[dreg:$0x13] =	wrdreg s7  }
0x16: {  	s9 =	simm.s32 $0xAE38;
	[dreg:$0x14] =	wrdreg s8  }
0x17: {  	s10 =	simm.s32 $0xB608;
	[dreg:$0x15] =	wrdreg s9  }
0x18: {  	s11 =	simm.s32 $0xB9F0;
	[dreg:$0x17] =	wrdreg s10  }
0x19: {  	s12 =	simm.s32 $0xBDD8;
	[dreg:$0x18] =	wrdreg s11  }
0x1a: {  	s13 =	simm.s32 $0xC1C0;
	[dreg:$0x19] =	wrdreg s12  }
0x1b: {  	s14 =	simm.s32 $0xC5A8;
	[dreg:$0x1a] =	wrdreg s13  }
0x1c: {  	s15 =	simm.s32 $0xC990;
	[dreg:$0x1b] =	wrdreg s14  }
0x1d: {  	s16 =	simm.s32 $0xCD78;
	[dreg:$0x1c] =	wrdreg s15  }
0x1e: {  	s17 =	simm.s32 $0xD160;
	[dreg:$0x1d] =	wrdreg s16  }
0x1f: {  	s6 =	simm.s32 $0xB220;
	[dreg:$0x1e] =	wrdreg s17  }
0x20: {  	s19 =	simm.s32 $0xD548;
	[dreg:$0x16] =	wrdreg s6  }
0x21: {  	s20 =	simm.s32 $0xD930;
	[dreg:$0x1f] =	wrdreg s19  }
0x22: {  	s21 =	simm.s32 $0xDD18;
	[smem:$0x7F4] =	sst s20  }
0x23: {  	s22 =	simm.s32 $0xE100;
	[smem:$0x7F5] =	sst s21  }
0x24: {  	s24 =	simm.s32 $0xE4E8;
	[smem:$0x7F6] =	sst s22  }
0x25: {  	s25 =	simm.s32 $0xE8D0;
	[smem:$0x7F7] =	sst s24  }
0x26: {  	s5 =	srdreg.scid;
	s28 =	simm.s32 $0xECB8;
	[smem:$0x7F8] =	sst s25  }
0x27: {  	s3 =	stileid.u32;
	s29 =	simm.s32 $0xF0A0;
	[smem:$0x7F9] =	sst s28  }
0x28: {  	s30 =	simm.s32 $0xF488;
	s10 =	simm.s32 $0xF870;
	[smem:$0x7FA] =	sst s29  }
0x29: {  	s31 =	simm.s32 $0xFC58;
	s11 =	simm.s32 $0x0;
	[smem:$0x7FB] =	sst s30  }
0x2a: {  	s5 =	sand.u32 $0x1, s5;
	s7 =	sshll.u32 s3, $0x1;
	[smem:$0x7FC] =	sst s10  }
0x2b: {  	s8 =	smul.u32 $0xC350, s3;
	[smem:$0x7FD] =	sst s31;
	s10 =	simm.s32 $0x1  }
0x2c: {  	s7 =	sor.u32 s5, s7;
	s18 =	ssub.s32 $0x2, s5;
	s23 =	smul.u32 $0x61A8, s5  }
0x2d: {  	s7 =	smul.u32 $0xC80, s7;
	s8 =	sadd.s32 s8, s4;
	s9 =	sshrl.u32 s18, $0x1  }
0x2e: {  	s6 =	ssub.s32 s18, s9;
	s26 =	sadd.s32 s23, s8;
	s8 =	simm.s32 $0x7D  }
0x2f: {  	s9 =	simm.s32 $0x6400;
	s7 =	sadd.s32 s7, s4;
	s5 =	smax.u32 s6, $0x1  }
0x30: {  	s6 =	sadd.s32 $0x4D600, s26;
	s4 =	sadd.s32 $0x1D4000, s7;
	s7 =	simm.s32 $0x2  }
.LBB2_1:
0x31: {  	[tilespmem:s2], [sflag:$0x2] =	stream.linear.gather [hbm4b:s4+s2], $0x6400, $0x38;
	[tilespmem:$0x10040] =	vst v63  }
0x32: {  	_ =	swait.ge [sflag:s7], $0x6400  }
0x33: {  	[sflag:s7] =	ssyncset.done $0x0  }
0x34: {  	s12 =	simm.s32 $0x0;
	s13 =	rddreg [dreg:$0x3];
	[sflag:s7] =	ssyncadd.s32 $0xFFFF9C00  }
0x35: {  	[tilespmem:s9], [sflag:$0x1] =	stream.indirect.gather [hbm4b:s1+s8], $0x8, s12, s8, $0xb8;
	[tilespmem:$0x10040] =	vst v63  }
0x36: {  	s20 =	simm.s32 $0x80;
	s14 =	rddreg [dreg:$0x4]  }
0x37: {  	[tilespmem:s13], [sflag:$0x1] =	stream.indirect.gather [hbm4b:s1+s8], $0x8, s20, s8, $0xb8;
	[tilespmem:$0x10040] =	vst v63  }
0x38: {  	s21 =	simm.s32 $0x100;
	s22 =	rddreg [dreg:$0x5]  }
0x39: {  	[tilespmem:s14], [sflag:$0x1] =	stream.indirect.gather [hbm4b:s1+s8], $0x8, s21, s8, $0xb8;
	[tilespmem:$0x10040] =	vst v63  }
0x3a: {  	s23 =	simm.s32 $0x180;
	s24 =	rddreg [dreg:$0x6]  }
0x3b: {  	[tilespmem:s22], [sflag:$0x1] =	stream.indirect.gather [hbm4b:s1+s8], $0x8, s23, s8, $0xb8;
	[tilespmem:$0x10040] =	vst v63  }
0x3c: {  	s25 =	simm.s32 $0x200;
	s26 =	rddreg [dreg:$0x7]  }
0x3d: {  	[tilespmem:s24], [sflag:$0x1] =	stream.indirect.gather [hbm4b:s1+s8], $0x8, s25, s8, $0xb8;
	[tilespmem:$0x10040] =	vst v63  }
0x3e: {  	s28 =	simm.s32 $0x280;
	s29 =	rddreg [dreg:$0x8]  }
0x3f: {  	[tilespmem:s26], [sflag:$0x1] =	stream.indirect.gather [hbm4b:s1+s8], $0x8, s28, s8, $0xb8;
	[tilespmem:$0x10040] =	vst v63  }
0x40: {  	s30 =	simm.s32 $0x300;
	s31 =	rddreg [dreg:$0x9]  }
0x41: {  	[tilespmem:s29], [sflag:$0x1] =	stream.indirect.gather [hbm4b:s1+s8], $0x8, s30, s8, $0xb8;
	[tilespmem:$0x10040] =	vst v63  }
0x42: {  	s15 =	simm.s32 $0x380;
	s16 =	rddreg [dreg:$0xa]  }
0x43: {  	[tilespmem:s31], [sflag:$0x1] =	stream.indirect.gather [hbm4b:s1+s8], $0x8, s15, s8, $0xb8;
	[tilespmem:$0x10040] =	vst v63  }
0x44: {  	s17 =	simm.s32 $0x400;
	s18 =	rddreg [dreg:$0xb]  }
0x45: {  	[tilespmem:s16], [sflag:$0x1] =	stream.indirect.gather [hbm4b:s1+s8], $0x8, s17, s8, $0xb8;
	[tilespmem:$0x10040] =	vst v63  }
0x46: {  	s19 =	simm.s32 $0x480;
	s20 =	rddreg [dreg:$0xc]  }
0x47: {  	[tilespmem:s18], [sflag:$0x1] =	stream.indirect.gather [hbm4b:s1+s8], $0x8, s19, s8, $0xb8;
	[tilespmem:$0x10040] =	vst v63  }
0x48: {  	s21 =	simm.s32 $0x500;
	s22 =	rddreg [dreg:$0xd]  }
0x49: {  	[tilespmem:s20], [sflag:$0x1] =	stream.indirect.gather [hbm4b:s1+s8], $0x8, s21, s8, $0xb8;
	[tilespmem:$0x10040] =	vst v63  }
0x4a: {  	s23 =	simm.s32 $0x580;
	s24 =	rddreg [dreg:$0xe]  }
0x4b: {  	[tilespmem:s22], [sflag:$0x1] =	stream.indirect.gather [hbm4b:s1+s8], $0x8, s23, s8, $0xb8;
	[tilespmem:$0x10040] =	vst v63  }
0x4c: {  	s25 =	simm.s32 $0x600;
	s26 =	rddreg [dreg:$0xf]  }
0x4d: {  	[tilespmem:s24], [sflag:$0x1] =	stream.indirect.gather [hbm4b:s1+s8], $0x8, s25, s8, $0xb8;
	[tilespmem:$0x10040] =	vst v63  }
0x4e: {  	s28 =	simm.s32 $0x680;
	s29 =	rddreg [dreg:$0x10]  }
0x4f: {  	[tilespmem:s26], [sflag:$0x1] =	stream.indirect.gather [hbm4b:s1+s8], $0x8, s28, s8, $0xb8;
	[tilespmem:$0x10040] =	vst v63  }
0x50: {  	s30 =	simm.s32 $0x700;
	s31 =	rddreg [dreg:$0x11]  }
0x51: {  	[tilespmem:s29], [sflag:$0x1] =	stream.indirect.gather [hbm4b:s1+s8], $0x8, s30, s8, $0xb8;
	[tilespmem:$0x10040] =	vst v63  }
0x52: {  	s15 =	simm.s32 $0x780;
	s16 =	rddreg [dreg:$0x12]  }
0x53: {  	[tilespmem:s31], [sflag:$0x1] =	stream.indirect.gather [hbm4b:s1+s8], $0x8, s15, s8, $0xb8;
	[tilespmem:$0x10040] =	vst v63  }
0x54: {  	s17 =	simm.s32 $0x800;
	s18 =	rddreg [dreg:$0x13]  }
0x55: {  	[tilespmem:s16], [sflag:$0x1] =	stream.indirect.gather [hbm4b:s1+s8], $0x8, s17, s8, $0xb8;
	[tilespmem:$0x10040] =	vst v63  }
0x56: {  	s19 =	simm.s32 $0x880;
	s20 =	rddreg [dreg:$0x14]  }
0x57: {  	[tilespmem:s18], [sflag:$0x1] =	stream.indirect.gather [hbm4b:s1+s8], $0x8, s19, s8, $0xb8;
	[tilespmem:$0x10040] =	vst v63  }
0x58: {  	s21 =	simm.s32 $0x900;
	s22 =	rddreg [dreg:$0x15]  }
0x59: {  	[tilespmem:s20], [sflag:$0x1] =	stream.indirect.gather [hbm4b:s1+s8], $0x8, s21, s8, $0xb8;
	[tilespmem:$0x10040] =	vst v63  }
0x5a: {  	s23 =	simm.s32 $0x980;
	s24 =	rddreg [dreg:$0x16]  }
0x5b: {  	[tilespmem:s22], [sflag:$0x1] =	stream.indirect.gather [hbm4b:s1+s8], $0x8, s23, s8, $0xb8;
	[tilespmem:$0x10040] =	vst v63  }
0x5c: {  	s25 =	simm.s32 $0xA00;
	s26 =	rddreg [dreg:$0x17]  }
0x5d: {  	[tilespmem:s24], [sflag:$0x1] =	stream.indirect.gather [hbm4b:s1+s8], $0x8, s25, s8, $0xb8;
	[tilespmem:$0x10040] =	vst v63  }
0x5e: {  	s28 =	simm.s32 $0xA80;
	s29 =	rddreg [dreg:$0x18]  }
0x5f: {  	[tilespmem:s26], [sflag:$0x1] =	stream.indirect.gather [hbm4b:s1+s8], $0x8, s28, s8, $0xb8;
	[tilespmem:$0x10040] =	vst v63  }
0x60: {  	s30 =	simm.s32 $0xB00;
	s31 =	rddreg [dreg:$0x19]  }
0x61: {  	[tilespmem:s29], [sflag:$0x1] =	stream.indirect.gather [hbm4b:s1+s8], $0x8, s30, s8, $0xb8;
	[tilespmem:$0x10040] =	vst v63  }
0x62: {  	s15 =	simm.s32 $0xB80;
	s16 =	rddreg [dreg:$0x1a]  }
0x63: {  	[tilespmem:s31], [sflag:$0x1] =	stream.indirect.gather [hbm4b:s1+s8], $0x8, s15, s8, $0xb8;
	[tilespmem:$0x10040] =	vst v63  }
0x64: {  	s17 =	simm.s32 $0xC00;
	s18 =	rddreg [dreg:$0x1b]  }
0x65: {  	[tilespmem:s16], [sflag:$0x1] =	stream.indirect.gather [hbm4b:s1+s8], $0x8, s17, s8, $0xb8;
	[tilespmem:$0x10040] =	vst v63  }
0x66: {  	s19 =	simm.s32 $0xC80;
	s20 =	rddreg [dreg:$0x1c]  }
0x67: {  	[tilespmem:s18], [sflag:$0x1] =	stream.indirect.gather [hbm4b:s1+s8], $0x8, s19, s8, $0xb8;
	[tilespmem:$0x10040] =	vst v63  }
0x68: {  	s21 =	simm.s32 $0xD00;
	s22 =	rddreg [dreg:$0x1d]  }
0x69: {  	[tilespmem:s20], [sflag:$0x1] =	stream.indirect.gather [hbm4b:s1+s8], $0x8, s21, s8, $0xb8;
	[tilespmem:$0x10040] =	vst v63  }
0x6a: {  	s23 =	simm.s32 $0xD80;
	s24 =	rddreg [dreg:$0x1e]  }
0x6b: {  	[tilespmem:s22], [sflag:$0x1] =	stream.indirect.gather [hbm4b:s1+s8], $0x8, s23, s8, $0xb8;
	[tilespmem:$0x10040] =	vst v63  }
0x6c: {  	s25 =	simm.s32 $0xE00;
	s26 =	rddreg [dreg:$0x1f]  }
0x6d: {  	[tilespmem:s24], [sflag:$0x1] =	stream.indirect.gather [hbm4b:s1+s8], $0x8, s25, s8, $0xb8;
	[tilespmem:$0x10040] =	vst v63  }
0x6e: {  	s28 =	simm.s32 $0xE80;
	s29 =	sld [smem:$0x7F4]  }
0x6f: {  	[tilespmem:s26], [sflag:$0x1] =	stream.indirect.gather [hbm4b:s1+s8], $0x8, s28, s8, $0xb8;
	[tilespmem:$0x10040] =	vst v63  }
0x70: {  	s30 =	simm.s32 $0xF00;
	s31 =	sld [smem:$0x7F5]  }
0x71: {  	[tilespmem:s29], [sflag:$0x1] =	stream.indirect.gather [hbm4b:s1+s8], $0x8, s30, s8, $0xb8;
	[tilespmem:$0x10040] =	vst v63  }
0x72: {  	s14 =	simm.s32 $0xF80;
	s15 =	sld [smem:$0x7F6]  }
0x73: {  	[tilespmem:s31], [sflag:$0x1] =	stream.indirect.gather [hbm4b:s1+s8], $0x8, s14, s8, $0xb8;
	[tilespmem:$0x10040] =	vst v63  }
0x74: {  	s16 =	simm.s32 $0x1000;
	s17 =	sld [smem:$0x7F7]  }
0x75: {  	[tilespmem:s15], [sflag:$0x1] =	stream.indirect.gather [hbm4b:s1+s8], $0x8, s16, s8, $0xb8;
	[tilespmem:$0x10040] =	vst v63  }
0x76: {  	s18 =	simm.s32 $0x1080;
	s19 =	sld [smem:$0x7F8]  }
0x77: {  	[tilespmem:s17], [sflag:$0x1] =	stream.indirect.gather [hbm4b:s1+s8], $0x8, s18, s8, $0xb8;
	[tilespmem:$0x10040] =	vst v63  }
0x78: {  	s20 =	simm.s32 $0x1100;
	s21 =	sld [smem:$0x7F9]  }
0x79: {  	[tilespmem:s19], [sflag:$0x1] =	stream.indirect.gather [hbm4b:s1+s8], $0x8, s20, s8, $0xb8;
	[tilespmem:$0x10040] =	vst v63  }
0x7a: {  	s22 =	simm.s32 $0x1180;
	s23 =	sld [smem:$0x7FA]  }
0x7b: {  	[tilespmem:s21], [sflag:$0x1] =	stream.indirect.gather [hbm4b:s1+s8], $0x8, s22, s8, $0xb8;
	[tilespmem:$0x10040] =	vst v63  }
0x7c: {  	s24 =	simm.s32 $0x1200;
	s25 =	sld [smem:$0x7FB]  }
0x7d: {  	[tilespmem:s23], [sflag:$0x1] =	stream.indirect.gather [hbm4b:s1+s8], $0x8, s24, s8, $0xb8;
	[tilespmem:$0x10040] =	vst v63  }
0x7e: {  	s26 =	simm.s32 $0x1280;
	s28 =	sld [smem:$0x7FC]  }
0x7f: {  	[tilespmem:s25], [sflag:$0x1] =	stream.indirect.gather [hbm4b:s1+s8], $0x8, s26, s8, $0xb8;
	[tilespmem:$0x10040] =	vst v63  }
0x80: {  	s29 =	simm.s32 $0x1300;
	s30 =	sld [smem:$0x7FD]  }
0x81: {  	[tilespmem:s28], [sflag:$0x1] =	stream.indirect.gather [hbm4b:s1+s8], $0x8, s29, s8, $0xb8;
	[tilespmem:$0x10040] =	vst v63  }
0x82: {  	s31 =	simm.s32 $0x1380  }
0x83: {  	[tilespmem:s30], [sflag:$0x1] =	stream.indirect.gather [hbm4b:s1+s8], $0x8, s31, s8, $0xb8;
	[tilespmem:$0x10040] =	vst v63  }
0x84: {  	_ =	swait.ge [sflag:s10], $0x3E8  }
0x85: {  	[sflag:s10] =	ssyncset.done $0x0  }
0x86: {  	[sflag:s10] =	ssyncadd.s32 $0xFFFFFC18  }
0x87: {  	_ =	swait.ge [sflag:s10], $0x3E8  }
0x88: {  	[sflag:s10] =	ssyncset.done $0x0  }
0x89: {  	[sflag:s10] =	ssyncadd.s32 $0xFFFFFC18  }
0x8a: {  	_ =	swait.ge [sflag:s10], $0x3E8  }
0x8b: {  	[sflag:s10] =	ssyncset.done $0x0  }
0x8c: {  	[sflag:s10] =	ssyncadd.s32 $0xFFFFFC18  }
0x8d: {  	_ =	swait.ge [sflag:s10], $0x3E8  }
0x8e: {  	[sflag:s10] =	ssyncset.done $0x0  }
0x8f: {  	[sflag:s10] =	ssyncadd.s32 $0xFFFFFC18  }
0x90: {  	_ =	swait.ge [sflag:s10], $0x3E8  }
0x91: {  	[sflag:s10] =	ssyncset.done $0x0  }
0x92: {  	[sflag:s10] =	ssyncadd.s32 $0xFFFFFC18  }
0x93: {  	_ =	swait.ge [sflag:s10], $0x3E8  }
0x94: {  	[sflag:s10] =	ssyncset.done $0x0  }
0x95: {  	[sflag:s10] =	ssyncadd.s32 $0xFFFFFC18  }
0x96: {  	_ =	swait.ge [sflag:s10], $0x3E8  }
0x97: {  	[sflag:s10] =	ssyncset.done $0x0  }
0x98: {  	[sflag:s10] =	ssyncadd.s32 $0xFFFFFC18  }
0x99: {  	_ =	swait.ge [sflag:s10], $0x3E8  }
0x9a: {  	[sflag:s10] =	ssyncset.done $0x0  }
0x9b: {  	[sflag:s10] =	ssyncadd.s32 $0xFFFFFC18  }
0x9c: {  	_ =	swait.ge [sflag:s10], $0x3E8  }
0x9d: {  	[sflag:s10] =	ssyncset.done $0x0  }
0x9e: {  	[sflag:s10] =	ssyncadd.s32 $0xFFFFFC18  }
0x9f: {  	_ =	swait.ge [sflag:s10], $0x3E8  }
0xa0: {  	[sflag:s10] =	ssyncset.done $0x0  }
0xa1: {  	[sflag:s10] =	ssyncadd.s32 $0xFFFFFC18  }
0xa2: {  	_ =	swait.ge [sflag:s10], $0x3E8  }
0xa3: {  	[sflag:s10] =	ssyncset.done $0x0  }
0xa4: {  	[sflag:s10] =	ssyncadd.s32 $0xFFFFFC18  }
0xa5: {  	_ =	swait.ge [sflag:s10], $0x3E8  }
0xa6: {  	[sflag:s10] =	ssyncset.done $0x0  }
0xa7: {  	[sflag:s10] =	ssyncadd.s32 $0xFFFFFC18  }
0xa8: {  	_ =	swait.ge [sflag:s10], $0x3E8  }
0xa9: {  	[sflag:s10] =	ssyncset.done $0x0  }
0xaa: {  	[sflag:s10] =	ssyncadd.s32 $0xFFFFFC18  }
0xab: {  	_ =	swait.ge [sflag:s10], $0x3E8  }
0xac: {  	[sflag:s10] =	ssyncset.done $0x0  }
0xad: {  	[sflag:s10] =	ssyncadd.s32 $0xFFFFFC18  }
0xae: {  	_ =	swait.ge [sflag:s10], $0x3E8  }
0xaf: {  	[sflag:s10] =	ssyncset.done $0x0  }
0xb0: {  	[sflag:s10] =	ssyncadd.s32 $0xFFFFFC18  }
0xb1: {  	_ =	swait.ge [sflag:s10], $0x3E8  }
0xb2: {  	[sflag:s10] =	ssyncset.done $0x0  }
0xb3: {  	[sflag:s10] =	ssyncadd.s32 $0xFFFFFC18  }
0xb4: {  	_ =	swait.ge [sflag:s10], $0x3E8  }
0xb5: {  	[sflag:s10] =	ssyncset.done $0x0  }
0xb6: {  	[sflag:s10] =	ssyncadd.s32 $0xFFFFFC18  }
0xb7: {  	_ =	swait.ge [sflag:s10], $0x3E8  }
0xb8: {  	[sflag:s10] =	ssyncset.done $0x0  }
0xb9: {  	[sflag:s10] =	ssyncadd.s32 $0xFFFFFC18  }
0xba: {  	_ =	swait.ge [sflag:s10], $0x3E8  }
0xbb: {  	[sflag:s10] =	ssyncset.done $0x0  }
0xbc: {  	[sflag:s10] =	ssyncadd.s32 $0xFFFFFC18  }
0xbd: {  	_ =	swait.ge [sflag:s10], $0x3E8  }
0xbe: {  	[sflag:s10] =	ssyncset.done $0x0  }
0xbf: {  	[sflag:s10] =	ssyncadd.s32 $0xFFFFFC18  }
0xc0: {  	_ =	swait.ge [sflag:s10], $0x3E8  }
0xc1: {  	[sflag:s10] =	ssyncset.done $0x0  }
0xc2: {  	[sflag:s10] =	ssyncadd.s32 $0xFFFFFC18  }
0xc3: {  	_ =	swait.ge [sflag:s10], $0x3E8  }
0xc4: {  	[sflag:s10] =	ssyncset.done $0x0  }
0xc5: {  	[sflag:s10] =	ssyncadd.s32 $0xFFFFFC18  }
0xc6: {  	_ =	swait.ge [sflag:s10], $0x3E8  }
0xc7: {  	[sflag:s10] =	ssyncset.done $0x0  }
0xc8: {  	[sflag:s10] =	ssyncadd.s32 $0xFFFFFC18  }
0xc9: {  	_ =	swait.ge [sflag:s10], $0x3E8  }
0xca: {  	[sflag:s10] =	ssyncset.done $0x0  }
0xcb: {  	[sflag:s10] =	ssyncadd.s32 $0xFFFFFC18  }
0xcc: {  	_ =	swait.ge [sflag:s10], $0x3E8  }
0xcd: {  	[sflag:s10] =	ssyncset.done $0x0  }
0xce: {  	[sflag:s10] =	ssyncadd.s32 $0xFFFFFC18  }
0xcf: {  	_ =	swait.ge [sflag:s10], $0x3E8  }
0xd0: {  	[sflag:s10] =	ssyncset.done $0x0  }
0xd1: {  	[sflag:s10] =	ssyncadd.s32 $0xFFFFFC18  }
0xd2: {  	_ =	swait.ge [sflag:s10], $0x3E8  }
0xd3: {  	[sflag:s10] =	ssyncset.done $0x0  }
0xd4: {  	[sflag:s10] =	ssyncadd.s32 $0xFFFFFC18  }
0xd5: {  	_ =	swait.ge [sflag:s10], $0x3E8  }
0xd6: {  	[sflag:s10] =	ssyncset.done $0x0  }
0xd7: {  	[sflag:s10] =	ssyncadd.s32 $0xFFFFFC18  }
0xd8: {  	_ =	swait.ge [sflag:s10], $0x3E8  }
0xd9: {  	[sflag:s10] =	ssyncset.done $0x0  }
0xda: {  	[sflag:s10] =	ssyncadd.s32 $0xFFFFFC18  }
0xdb: {  	_ =	swait.ge [sflag:s10], $0x3E8  }
0xdc: {  	[sflag:s10] =	ssyncset.done $0x0  }
0xdd: {  	[sflag:s10] =	ssyncadd.s32 $0xFFFFFC18  }
0xde: {  	_ =	swait.ge [sflag:s10], $0x3E8  }
0xdf: {  	[sflag:s10] =	ssyncset.done $0x0  }
0xe0: {  	[sflag:s10] =	ssyncadd.s32 $0xFFFFFC18  }
0xe1: {  	_ =	swait.ge [sflag:s10], $0x3E8  }
0xe2: {  	[sflag:s10] =	ssyncset.done $0x0  }
0xe3: {  	[sflag:s10] =	ssyncadd.s32 $0xFFFFFC18  }
0xe4: {  	_ =	swait.ge [sflag:s10], $0x3E8  }
0xe5: {  	[sflag:s10] =	ssyncset.done $0x0  }
0xe6: {  	[sflag:s10] =	ssyncadd.s32 $0xFFFFFC18  }
0xe7: {  	_ =	swait.ge [sflag:s10], $0x3E8  }
0xe8: {  	[sflag:s10] =	ssyncset.done $0x0  }
0xe9: {  	[sflag:s10] =	ssyncadd.s32 $0xFFFFFC18  }
0xea: {  	_ =	swait.ge [sflag:s10], $0x3E8  }
0xeb: {  	[sflag:s10] =	ssyncset.done $0x0  }
0xec: {  	[sflag:s10] =	ssyncadd.s32 $0xFFFFFC18  }
0xed: {  	_ =	swait.ge [sflag:s10], $0x3E8  }
0xee: {  	[sflag:s10] =	ssyncset.done $0x0  }
0xef: {  	[sflag:s10] =	ssyncadd.s32 $0xFFFFFC18  }
0xf0: {  	_ =	swait.ge [sflag:s10], $0x3E8  }
0xf1: {  	[sflag:s10] =	ssyncset.done $0x0  }
0xf2: {  	[sflag:s10] =	ssyncadd.s32 $0xFFFFFC18  }
0xf3: {  	_ =	swait.ge [sflag:s10], $0x3E8  }
0xf4: {  	[sflag:s10] =	ssyncset.done $0x0  }
0xf5: {  	[sflag:s10] =	ssyncadd.s32 $0xFFFFFC18  }
0xf6: {  	_ =	swait.ge [sflag:s10], $0x3E8  }
0xf7: {  	[sflag:s10] =	ssyncset.done $0x0  }
0xf8: {  	[sflag:s10] =	ssyncadd.s32 $0xFFFFFC18  }
0xf9: {  	_ =	swait.ge [sflag:s10], $0x3E8  }
0xfa: {  	[sflag:s10] =	ssyncset.done $0x0  }
0xfb: {  	[sflag:s10] =	ssyncadd.s32 $0xFFFFFC18  }
0xfc: {  	[hbm4b:s6+s2] =	stream.linear.scatter [tilespmem:s9], [sflag:$0x2], $0x9C40, $0x38;
	[tilespmem:$0x10040] =	vst v63  }
0xfd: {  	s12 =	sadd.s32 $0x1388, s6;
	_ =	swait.ge [sflag:s7], $0x9C40  }
0xfe: {  	s13 =	simm.s32 $0x5000;
	s16 =	simm.s32 $0xA000;
	[sflag:s7] =	ssyncset.done $0x0  }
.LBB2_2:
0xff: {  	s15 =	sshra.s32 s13, $0x2;
	s17 =	rddreg [dreg:$0x3];
	[sflag:s7] =	ssyncadd.s32 $0xFFFF63C0  }
0x100: {  	[tilespmem:s9], [sflag:$0x1] =	stream.indirect.gather [hbm4b:s1+s8], $0x8, s15, s8, $0xb8;
	[tilespmem:$0x10040] =	vst v63  }
0x101: {  	s19 =	rddreg [dreg:$0x4];
	s18 =	sadd.s32 $0x80, s15  }
0x102: {  	[tilespmem:s17], [sflag:$0x1] =	stream.indirect.gather [hbm4b:s1+s8], $0x8, s18, s8, $0xb8;
	[tilespmem:$0x10040] =	vst v63  }
0x103: {  	s20 =	rddreg [dreg:$0x6];
	s17 =	sadd.s32 $0x100, s15  }
0x104: {  	[tilespmem:s19], [sflag:$0x1] =	stream.indirect.gather [hbm4b:s1+s8], $0x8, s17, s8, $0xb8;
	[tilespmem:$0x10040] =	vst v63  }
0x105: {  	s18 =	rddreg [dreg:$0x5];
	s19 =	sadd.s32 $0x180, s15  }
0x106: {  	[tilespmem:s18], [sflag:$0x1] =	stream.indirect.gather [hbm4b:s1+s8], $0x8, s19, s8, $0xb8;
	[tilespmem:$0x10040] =	vst v63  }
0x107: {  	s22 =	rddreg [dreg:$0x7];
	s21 =	sadd.s32 $0x200, s15  }
0x108: {  	[tilespmem:s20], [sflag:$0x1] =	stream.indirect.gather [hbm4b:s1+s8], $0x8, s21, s8, $0xb8;
	[tilespmem:$0x10040] =	vst v63  }
0x109: {  	s24 =	rddreg [dreg:$0x8];
	s23 =	sadd.s32 $0x280, s15  }
0x10a: {  	[tilespmem:s22], [sflag:$0x1] =	stream.indirect.gather [hbm4b:s1+s8], $0x8, s23, s8, $0xb8;
	[tilespmem:$0x10040] =	vst v63  }
0x10b: {  	s26 =	rddreg [dreg:$0x9];
	s25 =	sadd.s32 $0x300, s15  }
0x10c: {  	[tilespmem:s24], [sflag:$0x1] =	stream.indirect.gather [hbm4b:s1+s8], $0x8, s25, s8, $0xb8;
	[tilespmem:$0x10040] =	vst v63  }
0x10d: {  	s29 =	rddreg [dreg:$0xa];
	s28 =	sadd.s32 $0x380, s15  }
0x10e: {  	[tilespmem:s26], [sflag:$0x1] =	stream.indirect.gather [hbm4b:s1+s8], $0x8, s28, s8, $0xb8;
	[tilespmem:$0x10040] =	vst v63  }
0x10f: {  	s31 =	rddreg [dreg:$0xb];
	s30 =	sadd.s32 $0x400, s15  }
0x110: {  	[tilespmem:s29], [sflag:$0x1] =	stream.indirect.gather [hbm4b:s1+s8], $0x8, s30, s8, $0xb8;
	[tilespmem:$0x10040] =	vst v63  }
0x111: {  	s19 =	sadd.s32 $0x480, s15;
	s20 =	rddreg [dreg:$0xc]  }
0x112: {  	[tilespmem:s31], [sflag:$0x1] =	stream.indirect.gather [hbm4b:s1+s8], $0x8, s19, s8, $0xb8;
	[tilespmem:$0x10040] =	vst v63  }
0x113: {  	s21 =	sadd.s32 $0x500, s15;
	s22 =	rddreg [dreg:$0xd]  }
0x114: {  	[tilespmem:s20], [sflag:$0x1] =	stream.indirect.gather [hbm4b:s1+s8], $0x8, s21, s8, $0xb8;
	[tilespmem:$0x10040] =	vst v63  }
0x115: {  	s23 =	sadd.s32 $0x580, s15;
	s24 =	rddreg [dreg:$0xe]  }
0x116: {  	[tilespmem:s22], [sflag:$0x1] =	stream.indirect.gather [hbm4b:s1+s8], $0x8, s23, s8, $0xb8;
	[tilespmem:$0x10040] =	vst v63  }
0x117: {  	s25 =	sadd.s32 $0x600, s15;
	s26 =	rddreg [dreg:$0xf]  }
0x118: {  	[tilespmem:s24], [sflag:$0x1] =	stream.indirect.gather [hbm4b:s1+s8], $0x8, s25, s8, $0xb8;
	[tilespmem:$0x10040] =	vst v63  }
0x119: {  	s28 =	sadd.s32 $0x680, s15;
	s29 =	rddreg [dreg:$0x10]  }
0x11a: {  	[tilespmem:s26], [sflag:$0x1] =	stream.indirect.gather [hbm4b:s1+s8], $0x8, s28, s8, $0xb8;
	[tilespmem:$0x10040] =	vst v63  }
0x11b: {  	s30 =	sadd.s32 $0x700, s15;
	s31 =	rddreg [dreg:$0x11]  }
0x11c: {  	[tilespmem:s29], [sflag:$0x1] =	stream.indirect.gather [hbm4b:s1+s8], $0x8, s30, s8, $0xb8;
	[tilespmem:$0x10040] =	vst v63  }
0x11d: {  	s19 =	sadd.s32 $0x780, s15;
	s20 =	rddreg [dreg:$0x12]  }
0x11e: {  	[tilespmem:s31], [sflag:$0x1] =	stream.indirect.gather [hbm4b:s1+s8], $0x8, s19, s8, $0xb8;
	[tilespmem:$0x10040] =	vst v63  }
0x11f: {  	s21 =	sadd.s32 $0x800, s15;
	s22 =	rddreg [dreg:$0x13]  }
0x120: {  	[tilespmem:s20], [sflag:$0x1] =	stream.indirect.gather [hbm4b:s1+s8], $0x8, s21, s8, $0xb8;
	[tilespmem:$0x10040] =	vst v63  }
0x121: {  	s23 =	sadd.s32 $0x880, s15;
	s24 =	rddreg [dreg:$0x14]  }
0x122: {  	[tilespmem:s22], [sflag:$0x1] =	stream.indirect.gather [hbm4b:s1+s8], $0x8, s23, s8, $0xb8;
	[tilespmem:$0x10040] =	vst v63  }
0x123: {  	s25 =	sadd.s32 $0x900, s15;
	s26 =	rddreg [dreg:$0x15]  }
0x124: {  	[tilespmem:s24], [sflag:$0x1] =	stream.indirect.gather [hbm4b:s1+s8], $0x8, s25, s8, $0xb8;
	[tilespmem:$0x10040] =	vst v63  }
0x125: {  	s28 =	sadd.s32 $0x980, s15;
	s29 =	rddreg [dreg:$0x16]  }
0x126: {  	[tilespmem:s26], [sflag:$0x1] =	stream.indirect.gather [hbm4b:s1+s8], $0x8, s28, s8, $0xb8;
	[tilespmem:$0x10040] =	vst v63  }
0x127: {  	s30 =	sadd.s32 $0xA00, s15;
	s31 =	rddreg [dreg:$0x17]  }
0x128: {  	[tilespmem:s29], [sflag:$0x1] =	stream.indirect.gather [hbm4b:s1+s8], $0x8, s30, s8, $0xb8;
	[tilespmem:$0x10040] =	vst v63  }
0x129: {  	s19 =	sadd.s32 $0xA80, s15;
	s20 =	rddreg [dreg:$0x18]  }
0x12a: {  	[tilespmem:s31], [sflag:$0x1] =	stream.indirect.gather [hbm4b:s1+s8], $0x8, s19, s8, $0xb8;
	[tilespmem:$0x10040] =	vst v63  }
0x12b: {  	s21 =	sadd.s32 $0xB00, s15;
	s22 =	rddreg [dreg:$0x19]  }
0x12c: {  	[tilespmem:s20], [sflag:$0x1] =	stream.indirect.gather [hbm4b:s1+s8], $0x8, s21, s8, $0xb8;
	[tilespmem:$0x10040] =	vst v63  }
0x12d: {  	s23 =	sadd.s32 $0xB80, s15;
	s24 =	rddreg [dreg:$0x1a]  }
0x12e: {  	[tilespmem:s22], [sflag:$0x1] =	stream.indirect.gather [hbm4b:s1+s8], $0x8, s23, s8, $0xb8;
	[tilespmem:$0x10040] =	vst v63  }
0x12f: {  	s25 =	sadd.s32 $0xC00, s15;
	s26 =	rddreg [dreg:$0x1b]  }
0x130: {  	[tilespmem:s24], [sflag:$0x1] =	stream.indirect.gather [hbm4b:s1+s8], $0x8, s25, s8, $0xb8;
	[tilespmem:$0x10040] =	vst v63  }
0x131: {  	s28 =	sadd.s32 $0xC80, s15;
	s29 =	rddreg [dreg:$0x1c]  }
0x132: {  	[tilespmem:s26], [sflag:$0x1] =	stream.indirect.gather [hbm4b:s1+s8], $0x8, s28, s8, $0xb8;
	[tilespmem:$0x10040] =	vst v63  }
0x133: {  	s30 =	sadd.s32 $0xD00, s15;
	s31 =	rddreg [dreg:$0x1d]  }
0x134: {  	[tilespmem:s29], [sflag:$0x1] =	stream.indirect.gather [hbm4b:s1+s8], $0x8, s30, s8, $0xb8;
	[tilespmem:$0x10040] =	vst v63  }
0x135: {  	s19 =	sadd.s32 $0xD80, s15;
	s20 =	rddreg [dreg:$0x1e]  }
0x136: {  	[tilespmem:s31], [sflag:$0x1] =	stream.indirect.gather [hbm4b:s1+s8], $0x8, s19, s8, $0xb8;
	[tilespmem:$0x10040] =	vst v63  }
0x137: {  	s21 =	sadd.s32 $0xE00, s15;
	s22 =	rddreg [dreg:$0x1f]  }
0x138: {  	[tilespmem:s20], [sflag:$0x1] =	stream.indirect.gather [hbm4b:s1+s8], $0x8, s21, s8, $0xb8;
	[tilespmem:$0x10040] =	vst v63  }
0x139: {  	s23 =	sadd.s32 $0xE80, s15;
	s24 =	sld [smem:$0x7F4]  }
0x13a: {  	[tilespmem:s22], [sflag:$0x1] =	stream.indirect.gather [hbm4b:s1+s8], $0x8, s23, s8, $0xb8;
	[tilespmem:$0x10040] =	vst v63  }
0x13b: {  	s25 =	sadd.s32 $0xF00, s15;
	s26 =	sld [smem:$0x7F5]  }
0x13c: {  	[tilespmem:s24], [sflag:$0x1] =	stream.indirect.gather [hbm4b:s1+s8], $0x8, s25, s8, $0xb8;
	[tilespmem:$0x10040] =	vst v63  }
0x13d: {  	s28 =	sadd.s32 $0xF80, s15;
	s29 =	sld [smem:$0x7F6]  }
0x13e: {  	[tilespmem:s26], [sflag:$0x1] =	stream.indirect.gather [hbm4b:s1+s8], $0x8, s28, s8, $0xb8;
	[tilespmem:$0x10040] =	vst v63  }
0x13f: {  	s30 =	sadd.s32 $0x1000, s15;
	s31 =	sld [smem:$0x7F7]  }
0x140: {  	[tilespmem:s29], [sflag:$0x1] =	stream.indirect.gather [hbm4b:s1+s8], $0x8, s30, s8, $0xb8;
	[tilespmem:$0x10040] =	vst v63  }
0x141: {  	s19 =	sadd.s32 $0x1080, s15;
	s20 =	sld [smem:$0x7F8]  }
0x142: {  	[tilespmem:s31], [sflag:$0x1] =	stream.indirect.gather [hbm4b:s1+s8], $0x8, s19, s8, $0xb8;
	[tilespmem:$0x10040] =	vst v63  }
0x143: {  	s21 =	sadd.s32 $0x1100, s15;
	s22 =	sld [smem:$0x7F9]  }
0x144: {  	[tilespmem:s20], [sflag:$0x1] =	stream.indirect.gather [hbm4b:s1+s8], $0x8, s21, s8, $0xb8;
	[tilespmem:$0x10040] =	vst v63  }
0x145: {  	s23 =	sadd.s32 $0x1180, s15;
	s24 =	sld [smem:$0x7FA]  }
0x146: {  	[tilespmem:s22], [sflag:$0x1] =	stream.indirect.gather [hbm4b:s1+s8], $0x8, s23, s8, $0xb8;
	[tilespmem:$0x10040] =	vst v63  }
0x147: {  	s25 =	sadd.s32 $0x1200, s15;
	s26 =	sld [smem:$0x7FB]  }
0x148: {  	[tilespmem:s24], [sflag:$0x1] =	stream.indirect.gather [hbm4b:s1+s8], $0x8, s25, s8, $0xb8;
	[tilespmem:$0x10040] =	vst v63  }
0x149: {  	s28 =	sadd.s32 $0x1280, s15;
	s29 =	sld [smem:$0x7FC]  }
0x14a: {  	[tilespmem:s26], [sflag:$0x1] =	stream.indirect.gather [hbm4b:s1+s8], $0x8, s28, s8, $0xb8;
	[tilespmem:$0x10040] =	vst v63  }
0x14b: {  	s30 =	sadd.s32 $0x1300, s15;
	s31 =	sld [smem:$0x7FD]  }
0x14c: {  	[tilespmem:s29], [sflag:$0x1] =	stream.indirect.gather [hbm4b:s1+s8], $0x8, s30, s8, $0xb8;
	[tilespmem:$0x10040] =	vst v63  }
0x14d: {  	s15 =	sadd.s32 $0x1380, s15  }
0x14e: {  	[tilespmem:s31], [sflag:$0x1] =	stream.indirect.gather [hbm4b:s1+s8], $0x8, s15, s8, $0xb8;
	[tilespmem:$0x10040] =	vst v63  }
0x14f: {  	_ =	swait.ge [sflag:s10], $0x3E8  }
0x150: {  	[sflag:s10] =	ssyncset.done $0x0  }
0x151: {  	[sflag:s10] =	ssyncadd.s32 $0xFFFFFC18  }
0x152: {  	_ =	swait.ge [sflag:s10], $0x3E8  }
0x153: {  	[sflag:s10] =	ssyncset.done $0x0  }
0x154: {  	[sflag:s10] =	ssyncadd.s32 $0xFFFFFC18  }
0x155: {  	_ =	swait.ge [sflag:s10], $0x3E8  }
0x156: {  	[sflag:s10] =	ssyncset.done $0x0  }
0x157: {  	[sflag:s10] =	ssyncadd.s32 $0xFFFFFC18  }
0x158: {  	_ =	swait.ge [sflag:s10], $0x3E8  }
0x159: {  	[sflag:s10] =	ssyncset.done $0x0  }
0x15a: {  	[sflag:s10] =	ssyncadd.s32 $0xFFFFFC18  }
0x15b: {  	_ =	swait.ge [sflag:s10], $0x3E8  }
0x15c: {  	[sflag:s10] =	ssyncset.done $0x0  }
0x15d: {  	[sflag:s10] =	ssyncadd.s32 $0xFFFFFC18  }
0x15e: {  	_ =	swait.ge [sflag:s10], $0x3E8  }
0x15f: {  	[sflag:s10] =	ssyncset.done $0x0  }
0x160: {  	[sflag:s10] =	ssyncadd.s32 $0xFFFFFC18  }
0x161: {  	_ =	swait.ge [sflag:s10], $0x3E8  }
0x162: {  	[sflag:s10] =	ssyncset.done $0x0  }
0x163: {  	[sflag:s10] =	ssyncadd.s32 $0xFFFFFC18  }
0x164: {  	_ =	swait.ge [sflag:s10], $0x3E8  }
0x165: {  	[sflag:s10] =	ssyncset.done $0x0  }
0x166: {  	[sflag:s10] =	ssyncadd.s32 $0xFFFFFC18  }
0x167: {  	_ =	swait.ge [sflag:s10], $0x3E8  }
0x168: {  	[sflag:s10] =	ssyncset.done $0x0  }
0x169: {  	[sflag:s10] =	ssyncadd.s32 $0xFFFFFC18  }
0x16a: {  	_ =	swait.ge [sflag:s10], $0x3E8  }
0x16b: {  	[sflag:s10] =	ssyncset.done $0x0  }
0x16c: {  	[sflag:s10] =	ssyncadd.s32 $0xFFFFFC18  }
0x16d: {  	_ =	swait.ge [sflag:s10], $0x3E8  }
0x16e: {  	[sflag:s10] =	ssyncset.done $0x0  }
0x16f: {  	[sflag:s10] =	ssyncadd.s32 $0xFFFFFC18  }
0x170: {  	_ =	swait.ge [sflag:s10], $0x3E8  }
0x171: {  	[sflag:s10] =	ssyncset.done $0x0  }
0x172: {  	[sflag:s10] =	ssyncadd.s32 $0xFFFFFC18  }
0x173: {  	_ =	swait.ge [sflag:s10], $0x3E8  }
0x174: {  	[sflag:s10] =	ssyncset.done $0x0  }
0x175: {  	[sflag:s10] =	ssyncadd.s32 $0xFFFFFC18  }
0x176: {  	_ =	swait.ge [sflag:s10], $0x3E8  }
0x177: {  	[sflag:s10] =	ssyncset.done $0x0  }
0x178: {  	[sflag:s10] =	ssyncadd.s32 $0xFFFFFC18  }
0x179: {  	_ =	swait.ge [sflag:s10], $0x3E8  }
0x17a: {  	[sflag:s10] =	ssyncset.done $0x0  }
0x17b: {  	[sflag:s10] =	ssyncadd.s32 $0xFFFFFC18  }
0x17c: {  	_ =	swait.ge [sflag:s10], $0x3E8  }
0x17d: {  	[sflag:s10] =	ssyncset.done $0x0  }
0x17e: {  	[sflag:s10] =	ssyncadd.s32 $0xFFFFFC18  }
0x17f: {  	_ =	swait.ge [sflag:s10], $0x3E8  }
0x180: {  	[sflag:s10] =	ssyncset.done $0x0  }
0x181: {  	[sflag:s10] =	ssyncadd.s32 $0xFFFFFC18  }
0x182: {  	_ =	swait.ge [sflag:s10], $0x3E8  }
0x183: {  	[sflag:s10] =	ssyncset.done $0x0  }
0x184: {  	[sflag:s10] =	ssyncadd.s32 $0xFFFFFC18  }
0x185: {  	_ =	swait.ge [sflag:s10], $0x3E8  }
0x186: {  	[sflag:s10] =	ssyncset.done $0x0  }
0x187: {  	[sflag:s10] =	ssyncadd.s32 $0xFFFFFC18  }
0x188: {  	_ =	swait.ge [sflag:s10], $0x3E8  }
0x189: {  	[sflag:s10] =	ssyncset.done $0x0  }
0x18a: {  	[sflag:s10] =	ssyncadd.s32 $0xFFFFFC18  }
0x18b: {  	_ =	swait.ge [sflag:s10], $0x3E8  }
0x18c: {  	[sflag:s10] =	ssyncset.done $0x0  }
0x18d: {  	[sflag:s10] =	ssyncadd.s32 $0xFFFFFC18  }
0x18e: {  	_ =	swait.ge [sflag:s10], $0x3E8  }
0x18f: {  	[sflag:s10] =	ssyncset.done $0x0  }
0x190: {  	[sflag:s10] =	ssyncadd.s32 $0xFFFFFC18  }
0x191: {  	_ =	swait.ge [sflag:s10], $0x3E8  }
0x192: {  	[sflag:s10] =	ssyncset.done $0x0  }
0x193: {  	[sflag:s10] =	ssyncadd.s32 $0xFFFFFC18  }
0x194: {  	_ =	swait.ge [sflag:s10], $0x3E8  }
0x195: {  	[sflag:s10] =	ssyncset.done $0x0  }
0x196: {  	[sflag:s10] =	ssyncadd.s32 $0xFFFFFC18  }
0x197: {  	_ =	swait.ge [sflag:s10], $0x3E8  }
0x198: {  	[sflag:s10] =	ssyncset.done $0x0  }
0x199: {  	[sflag:s10] =	ssyncadd.s32 $0xFFFFFC18  }
0x19a: {  	_ =	swait.ge [sflag:s10], $0x3E8  }
0x19b: {  	[sflag:s10] =	ssyncset.done $0x0  }
0x19c: {  	[sflag:s10] =	ssyncadd.s32 $0xFFFFFC18  }
0x19d: {  	_ =	swait.ge [sflag:s10], $0x3E8  }
0x19e: {  	[sflag:s10] =	ssyncset.done $0x0  }
0x19f: {  	[sflag:s10] =	ssyncadd.s32 $0xFFFFFC18  }
0x1a0: {  	_ =	swait.ge [sflag:s10], $0x3E8  }
0x1a1: {  	[sflag:s10] =	ssyncset.done $0x0  }
0x1a2: {  	[sflag:s10] =	ssyncadd.s32 $0xFFFFFC18  }
0x1a3: {  	_ =	swait.ge [sflag:s10], $0x3E8  }
0x1a4: {  	[sflag:s10] =	ssyncset.done $0x0  }
0x1a5: {  	[sflag:s10] =	ssyncadd.s32 $0xFFFFFC18  }
0x1a6: {  	_ =	swait.ge [sflag:s10], $0x3E8  }
0x1a7: {  	[sflag:s10] =	ssyncset.done $0x0  }
0x1a8: {  	[sflag:s10] =	ssyncadd.s32 $0xFFFFFC18  }
0x1a9: {  	_ =	swait.ge [sflag:s10], $0x3E8  }
0x1aa: {  	[sflag:s10] =	ssyncset.done $0x0  }
0x1ab: {  	[sflag:s10] =	ssyncadd.s32 $0xFFFFFC18  }
0x1ac: {  	_ =	swait.ge [sflag:s10], $0x3E8  }
0x1ad: {  	[sflag:s10] =	ssyncset.done $0x0  }
0x1ae: {  	[sflag:s10] =	ssyncadd.s32 $0xFFFFFC18  }
0x1af: {  	_ =	swait.ge [sflag:s10], $0x3E8  }
0x1b0: {  	[sflag:s10] =	ssyncset.done $0x0  }
0x1b1: {  	[sflag:s10] =	ssyncadd.s32 $0xFFFFFC18  }
0x1b2: {  	_ =	swait.ge [sflag:s10], $0x3E8  }
0x1b3: {  	[sflag:s10] =	ssyncset.done $0x0  }
0x1b4: {  	[sflag:s10] =	ssyncadd.s32 $0xFFFFFC18  }
0x1b5: {  	_ =	swait.ge [sflag:s10], $0x3E8  }
0x1b6: {  	[sflag:s10] =	ssyncset.done $0x0  }
0x1b7: {  	[sflag:s10] =	ssyncadd.s32 $0xFFFFFC18  }
0x1b8: {  	_ =	swait.ge [sflag:s10], $0x3E8  }
0x1b9: {  	[sflag:s10] =	ssyncset.done $0x0  }
0x1ba: {  	[sflag:s10] =	ssyncadd.s32 $0xFFFFFC18  }
0x1bb: {  	_ =	swait.ge [sflag:s10], $0x3E8  }
0x1bc: {  	[sflag:s10] =	ssyncset.done $0x0  }
0x1bd: {  	[sflag:s10] =	ssyncadd.s32 $0xFFFFFC18  }
0x1be: {  	_ =	swait.ge [sflag:s10], $0x3E8  }
0x1bf: {  	[sflag:s10] =	ssyncset.done $0x0  }
0x1c0: {  	[sflag:s10] =	ssyncadd.s32 $0xFFFFFC18  }
0x1c1: {  	_ =	swait.ge [sflag:s10], $0x3E8  }
0x1c2: {  	[sflag:s10] =	ssyncset.done $0x0  }
0x1c3: {  	[sflag:s10] =	ssyncadd.s32 $0xFFFFFC18  }
0x1c4: {  	p0 =	sne.s32 s16, $0x14000;
	_ =	swait.ge [sflag:s10], $0x3E8  }
.Ltmp0:
0x1c5: {  	[sflag:s10] =	ssyncset.done $0x0;
	(pc) =	sbr.rel @p0 .LBB2_2-.Ltmp0, $4  }
0x1c6: {  	[sflag:s10] =	ssyncadd.s32 $0xFFFFFC18  }
0x1c7: {  	[hbm4b:s12+s2] =	stream.linear.scatter [tilespmem:s9], [sflag:$0x2], $0x9C40, $0x38;
	[tilespmem:$0x10040] =	vst v63  }
0x1c8: {  	s13 =	smov.u32 s16;
	s14 =	sadd.s32 $0x5000, s16;
	_ =	swait.ge [sflag:s7], $0x9C40  }
0x1c9: {  	s16 =	smov.u32 s14;
	s12 =	sadd.s32 $0x1388, s12;
	[sflag:s7] =	ssyncset.done $0x0  }
0x1ca: {  	s13 =	sshra.s32 s13, $0x2;
	s14 =	rddreg [dreg:$0x3];
	[sflag:s7] =	ssyncadd.s32 $0xFFFF63C0  }
0x1cb: {  	[tilespmem:s9], [sflag:$0x1] =	stream.indirect.gather [hbm4b:s1+s8], $0x8, s13, s8, $0xb8;
	[tilespmem:$0x10040] =	vst v63  }
0x1cc: {  	s16 =	rddreg [dreg:$0x4];
	s15 =	sadd.s32 $0x80, s13  }
0x1cd: {  	[tilespmem:s14], [sflag:$0x1] =	stream.indirect.gather [hbm4b:s1+s8], $0x8, s15, s8, $0xb8;
	[tilespmem:$0x10040] =	vst v63  }
0x1ce: {  	s29 =	rddreg [dreg:$0x5];
	s28 =	sadd.s32 $0x100, s13  }
0x1cf: {  	[tilespmem:s16], [sflag:$0x1] =	stream.indirect.gather [hbm4b:s1+s8], $0x8, s28, s8, $0xb8;
	[tilespmem:$0x10040] =	vst v63  }
0x1d0: {  	s31 =	rddreg [dreg:$0x6];
	s30 =	sadd.s32 $0x180, s13  }
0x1d1: {  	[tilespmem:s29], [sflag:$0x1] =	stream.indirect.gather [hbm4b:s1+s8], $0x8, s30, s8, $0xb8;
	[tilespmem:$0x10040] =	vst v63  }
0x1d2: {  	s18 =	rddreg [dreg:$0x7];
	s17 =	sadd.s32 $0x200, s13  }
0x1d3: {  	[tilespmem:s31], [sflag:$0x1] =	stream.indirect.gather [hbm4b:s1+s8], $0x8, s17, s8, $0xb8;
	[tilespmem:$0x10040] =	vst v63  }
0x1d4: {  	s20 =	rddreg [dreg:$0x8];
	s19 =	sadd.s32 $0x280, s13  }
0x1d5: {  	[tilespmem:s18], [sflag:$0x1] =	stream.indirect.gather [hbm4b:s1+s8], $0x8, s19, s8, $0xb8;
	[tilespmem:$0x10040] =	vst v63  }
0x1d6: {  	s22 =	rddreg [dreg:$0x9];
	s21 =	sadd.s32 $0x300, s13  }
0x1d7: {  	[tilespmem:s20], [sflag:$0x1] =	stream.indirect.gather [hbm4b:s1+s8], $0x8, s21, s8, $0xb8;
	[tilespmem:$0x10040] =	vst v63  }
0x1d8: {  	s24 =	rddreg [dreg:$0xa];
	s23 =	sadd.s32 $0x380, s13  }
0x1d9: {  	[tilespmem:s22], [sflag:$0x1] =	stream.indirect.gather [hbm4b:s1+s8], $0x8, s23, s8, $0xb8;
	[tilespmem:$0x10040] =	vst v63  }
0x1da: {  	s26 =	rddreg [dreg:$0xb];
	s25 =	sadd.s32 $0x400, s13  }
0x1db: {  	[tilespmem:s24], [sflag:$0x1] =	stream.indirect.gather [hbm4b:s1+s8], $0x8, s25, s8, $0xb8;
	[tilespmem:$0x10040] =	vst v63  }
0x1dc: {  	s28 =	sadd.s32 $0x480, s13;
	s29 =	rddreg [dreg:$0xc]  }
0x1dd: {  	[tilespmem:s26], [sflag:$0x1] =	stream.indirect.gather [hbm4b:s1+s8], $0x8, s28, s8, $0xb8;
	[tilespmem:$0x10040] =	vst v63  }
0x1de: {  	s30 =	sadd.s32 $0x500, s13;
	s31 =	rddreg [dreg:$0xd]  }
0x1df: {  	[tilespmem:s29], [sflag:$0x1] =	stream.indirect.gather [hbm4b:s1+s8], $0x8, s30, s8, $0xb8;
	[tilespmem:$0x10040] =	vst v63  }
0x1e0: {  	s17 =	sadd.s32 $0x580, s13;
	s18 =	rddreg [dreg:$0xe]  }
0x1e1: {  	[tilespmem:s31], [sflag:$0x1] =	stream.indirect.gather [hbm4b:s1+s8], $0x8, s17, s8, $0xb8;
	[tilespmem:$0x10040] =	vst v63  }
0x1e2: {  	s19 =	sadd.s32 $0x600, s13;
	s20 =	rddreg [dreg:$0xf]  }
0x1e3: {  	[tilespmem:s18], [sflag:$0x1] =	stream.indirect.gather [hbm4b:s1+s8], $0x8, s19, s8, $0xb8;
	[tilespmem:$0x10040] =	vst v63  }
0x1e4: {  	s21 =	sadd.s32 $0x680, s13;
	s22 =	rddreg [dreg:$0x10]  }
0x1e5: {  	[tilespmem:s20], [sflag:$0x1] =	stream.indirect.gather [hbm4b:s1+s8], $0x8, s21, s8, $0xb8;
	[tilespmem:$0x10040] =	vst v63  }
0x1e6: {  	s23 =	sadd.s32 $0x700, s13;
	s24 =	rddreg [dreg:$0x11]  }
0x1e7: {  	[tilespmem:s22], [sflag:$0x1] =	stream.indirect.gather [hbm4b:s1+s8], $0x8, s23, s8, $0xb8;
	[tilespmem:$0x10040] =	vst v63  }
0x1e8: {  	s25 =	sadd.s32 $0x780, s13;
	s26 =	rddreg [dreg:$0x12]  }
0x1e9: {  	[tilespmem:s24], [sflag:$0x1] =	stream.indirect.gather [hbm4b:s1+s8], $0x8, s25, s8, $0xb8;
	[tilespmem:$0x10040] =	vst v63  }
0x1ea: {  	s28 =	sadd.s32 $0x800, s13;
	s29 =	rddreg [dreg:$0x13]  }
0x1eb: {  	[tilespmem:s26], [sflag:$0x1] =	stream.indirect.gather [hbm4b:s1+s8], $0x8, s28, s8, $0xb8;
	[tilespmem:$0x10040] =	vst v63  }
0x1ec: {  	s30 =	sadd.s32 $0x880, s13;
	s31 =	rddreg [dreg:$0x14]  }
0x1ed: {  	[tilespmem:s29], [sflag:$0x1] =	stream.indirect.gather [hbm4b:s1+s8], $0x8, s30, s8, $0xb8;
	[tilespmem:$0x10040] =	vst v63  }
0x1ee: {  	s17 =	sadd.s32 $0x900, s13;
	s18 =	rddreg [dreg:$0x15]  }
0x1ef: {  	[tilespmem:s31], [sflag:$0x1] =	stream.indirect.gather [hbm4b:s1+s8], $0x8, s17, s8, $0xb8;
	[tilespmem:$0x10040] =	vst v63  }
0x1f0: {  	s19 =	sadd.s32 $0x980, s13;
	s20 =	rddreg [dreg:$0x16]  }
0x1f1: {  	[tilespmem:s18], [sflag:$0x1] =	stream.indirect.gather [hbm4b:s1+s8], $0x8, s19, s8, $0xb8;
	[tilespmem:$0x10040] =	vst v63  }
0x1f2: {  	s21 =	sadd.s32 $0xA00, s13;
	s22 =	rddreg [dreg:$0x17]  }
0x1f3: {  	[tilespmem:s20], [sflag:$0x1] =	stream.indirect.gather [hbm4b:s1+s8], $0x8, s21, s8, $0xb8;
	[tilespmem:$0x10040] =	vst v63  }
0x1f4: {  	s23 =	sadd.s32 $0xA80, s13;
	s24 =	rddreg [dreg:$0x18]  }
0x1f5: {  	[tilespmem:s22], [sflag:$0x1] =	stream.indirect.gather [hbm4b:s1+s8], $0x8, s23, s8, $0xb8;
	[tilespmem:$0x10040] =	vst v63  }
0x1f6: {  	s25 =	sadd.s32 $0xB00, s13;
	s26 =	rddreg [dreg:$0x19]  }
0x1f7: {  	[tilespmem:s24], [sflag:$0x1] =	stream.indirect.gather [hbm4b:s1+s8], $0x8, s25, s8, $0xb8;
	[tilespmem:$0x10040] =	vst v63  }
0x1f8: {  	s28 =	sadd.s32 $0xB80, s13;
	s29 =	rddreg [dreg:$0x1a]  }
0x1f9: {  	[tilespmem:s26], [sflag:$0x1] =	stream.indirect.gather [hbm4b:s1+s8], $0x8, s28, s8, $0xb8;
	[tilespmem:$0x10040] =	vst v63  }
0x1fa: {  	s30 =	sadd.s32 $0xC00, s13;
	s31 =	rddreg [dreg:$0x1b]  }
0x1fb: {  	[tilespmem:s29], [sflag:$0x1] =	stream.indirect.gather [hbm4b:s1+s8], $0x8, s30, s8, $0xb8;
	[tilespmem:$0x10040] =	vst v63  }
0x1fc: {  	s17 =	sadd.s32 $0xC80, s13;
	s18 =	rddreg [dreg:$0x1c]  }
0x1fd: {  	[tilespmem:s31], [sflag:$0x1] =	stream.indirect.gather [hbm4b:s1+s8], $0x8, s17, s8, $0xb8;
	[tilespmem:$0x10040] =	vst v63  }
0x1fe: {  	s19 =	sadd.s32 $0xD00, s13;
	s20 =	rddreg [dreg:$0x1d]  }
0x1ff: {  	[tilespmem:s18], [sflag:$0x1] =	stream.indirect.gather [hbm4b:s1+s8], $0x8, s19, s8, $0xb8;
	[tilespmem:$0x10040] =	vst v63  }
0x200: {  	s21 =	sadd.s32 $0xD80, s13;
	s22 =	rddreg [dreg:$0x1e]  }
0x201: {  	[tilespmem:s20], [sflag:$0x1] =	stream.indirect.gather [hbm4b:s1+s8], $0x8, s21, s8, $0xb8;
	[tilespmem:$0x10040] =	vst v63  }
0x202: {  	s23 =	sadd.s32 $0xE00, s13;
	s24 =	rddreg [dreg:$0x1f]  }
0x203: {  	[tilespmem:s22], [sflag:$0x1] =	stream.indirect.gather [hbm4b:s1+s8], $0x8, s23, s8, $0xb8;
	[tilespmem:$0x10040] =	vst v63  }
0x204: {  	s25 =	sadd.s32 $0xE80, s13;
	s26 =	sld [smem:$0x7F4]  }
0x205: {  	[tilespmem:s24], [sflag:$0x1] =	stream.indirect.gather [hbm4b:s1+s8], $0x8, s25, s8, $0xb8;
	[tilespmem:$0x10040] =	vst v63  }
0x206: {  	s28 =	sadd.s32 $0xF00, s13;
	s29 =	sld [smem:$0x7F5]  }
0x207: {  	[tilespmem:s26], [sflag:$0x1] =	stream.indirect.gather [hbm4b:s1+s8], $0x8, s28, s8, $0xb8;
	[tilespmem:$0x10040] =	vst v63  }
0x208: {  	s30 =	sadd.s32 $0xF80, s13;
	s31 =	sld [smem:$0x7F6]  }
0x209: {  	[tilespmem:s29], [sflag:$0x1] =	stream.indirect.gather [hbm4b:s1+s8], $0x8, s30, s8, $0xb8;
	[tilespmem:$0x10040] =	vst v63  }
0x20a: {  	s17 =	sadd.s32 $0x1000, s13;
	s18 =	sld [smem:$0x7F7]  }
0x20b: {  	[tilespmem:s31], [sflag:$0x1] =	stream.indirect.gather [hbm4b:s1+s8], $0x8, s17, s8, $0xb8;
	[tilespmem:$0x10040] =	vst v63  }
0x20c: {  	s19 =	sadd.s32 $0x1080, s13;
	s20 =	sld [smem:$0x7F8]  }
0x20d: {  	[tilespmem:s18], [sflag:$0x1] =	stream.indirect.gather [hbm4b:s1+s8], $0x8, s19, s8, $0xb8;
	[tilespmem:$0x10040] =	vst v63  }
0x20e: {  	s21 =	sadd.s32 $0x1100, s13;
	s22 =	sld [smem:$0x7F9]  }
0x20f: {  	[tilespmem:s20], [sflag:$0x1] =	stream.indirect.gather [hbm4b:s1+s8], $0x8, s21, s8, $0xb8;
	[tilespmem:$0x10040] =	vst v63  }
0x210: {  	s23 =	sadd.s32 $0x1180, s13;
	s24 =	sld [smem:$0x7FA]  }
0x211: {  	[tilespmem:s22], [sflag:$0x1] =	stream.indirect.gather [hbm4b:s1+s8], $0x8, s23, s8, $0xb8;
	[tilespmem:$0x10040] =	vst v63  }
0x212: {  	s25 =	sadd.s32 $0x1200, s13;
	s26 =	sld [smem:$0x7FB]  }
0x213: {  	[tilespmem:s24], [sflag:$0x1] =	stream.indirect.gather [hbm4b:s1+s8], $0x8, s25, s8, $0xb8;
	[tilespmem:$0x10040] =	vst v63  }
0x214: {  	s28 =	sadd.s32 $0x1280, s13;
	s29 =	sld [smem:$0x7FC]  }
0x215: {  	[tilespmem:s26], [sflag:$0x1] =	stream.indirect.gather [hbm4b:s1+s8], $0x8, s28, s8, $0xb8;
	[tilespmem:$0x10040] =	vst v63  }
0x216: {  	s30 =	sadd.s32 $0x1300, s13;
	s31 =	sld [smem:$0x7FD]  }
0x217: {  	[tilespmem:s29], [sflag:$0x1] =	stream.indirect.gather [hbm4b:s1+s8], $0x8, s30, s8, $0xb8;
	[tilespmem:$0x10040] =	vst v63  }
0x218: {  	s13 =	sadd.s32 $0x1380, s13  }
0x219: {  	[tilespmem:s31], [sflag:$0x1] =	stream.indirect.gather [hbm4b:s1+s8], $0x8, s13, s8, $0xb8;
	[tilespmem:$0x10040] =	vst v63  }
0x21a: {  	_ =	swait.ge [sflag:s10], $0x3E8  }
0x21b: {  	[sflag:s10] =	ssyncset.done $0x0  }
0x21c: {  	[sflag:s10] =	ssyncadd.s32 $0xFFFFFC18  }
0x21d: {  	_ =	swait.ge [sflag:s10], $0x3E8  }
0x21e: {  	[sflag:s10] =	ssyncset.done $0x0  }
0x21f: {  	[sflag:s10] =	ssyncadd.s32 $0xFFFFFC18  }
0x220: {  	_ =	swait.ge [sflag:s10], $0x3E8  }
0x221: {  	[sflag:s10] =	ssyncset.done $0x0  }
0x222: {  	[sflag:s10] =	ssyncadd.s32 $0xFFFFFC18  }
0x223: {  	_ =	swait.ge [sflag:s10], $0x3E8  }
0x224: {  	[sflag:s10] =	ssyncset.done $0x0  }
0x225: {  	[sflag:s10] =	ssyncadd.s32 $0xFFFFFC18  }
0x226: {  	_ =	swait.ge [sflag:s10], $0x3E8  }
0x227: {  	[sflag:s10] =	ssyncset.done $0x0  }
0x228: {  	[sflag:s10] =	ssyncadd.s32 $0xFFFFFC18  }
0x229: {  	_ =	swait.ge [sflag:s10], $0x3E8  }
0x22a: {  	[sflag:s10] =	ssyncset.done $0x0  }
0x22b: {  	[sflag:s10] =	ssyncadd.s32 $0xFFFFFC18  }
0x22c: {  	_ =	swait.ge [sflag:s10], $0x3E8  }
0x22d: {  	[sflag:s10] =	ssyncset.done $0x0  }
0x22e: {  	[sflag:s10] =	ssyncadd.s32 $0xFFFFFC18  }
0x22f: {  	_ =	swait.ge [sflag:s10], $0x3E8  }
0x230: {  	[sflag:s10] =	ssyncset.done $0x0  }
0x231: {  	[sflag:s10] =	ssyncadd.s32 $0xFFFFFC18  }
0x232: {  	_ =	swait.ge [sflag:s10], $0x3E8  }
0x233: {  	[sflag:s10] =	ssyncset.done $0x0  }
0x234: {  	[sflag:s10] =	ssyncadd.s32 $0xFFFFFC18  }
0x235: {  	_ =	swait.ge [sflag:s10], $0x3E8  }
0x236: {  	[sflag:s10] =	ssyncset.done $0x0  }
0x237: {  	[sflag:s10] =	ssyncadd.s32 $0xFFFFFC18  }
0x238: {  	_ =	swait.ge [sflag:s10], $0x3E8  }
0x239: {  	[sflag:s10] =	ssyncset.done $0x0  }
0x23a: {  	[sflag:s10] =	ssyncadd.s32 $0xFFFFFC18  }
0x23b: {  	_ =	swait.ge [sflag:s10], $0x3E8  }
0x23c: {  	[sflag:s10] =	ssyncset.done $0x0  }
0x23d: {  	[sflag:s10] =	ssyncadd.s32 $0xFFFFFC18  }
0x23e: {  	_ =	swait.ge [sflag:s10], $0x3E8  }
0x23f: {  	[sflag:s10] =	ssyncset.done $0x0  }
0x240: {  	[sflag:s10] =	ssyncadd.s32 $0xFFFFFC18  }
0x241: {  	_ =	swait.ge [sflag:s10], $0x3E8  }
0x242: {  	[sflag:s10] =	ssyncset.done $0x0  }
0x243: {  	[sflag:s10] =	ssyncadd.s32 $0xFFFFFC18  }
0x244: {  	_ =	swait.ge [sflag:s10], $0x3E8  }
0x245: {  	[sflag:s10] =	ssyncset.done $0x0  }
0x246: {  	[sflag:s10] =	ssyncadd.s32 $0xFFFFFC18  }
0x247: {  	_ =	swait.ge [sflag:s10], $0x3E8  }
0x248: {  	[sflag:s10] =	ssyncset.done $0x0  }
0x249: {  	[sflag:s10] =	ssyncadd.s32 $0xFFFFFC18  }
0x24a: {  	_ =	swait.ge [sflag:s10], $0x3E8  }
0x24b: {  	[sflag:s10] =	ssyncset.done $0x0  }
0x24c: {  	[sflag:s10] =	ssyncadd.s32 $0xFFFFFC18  }
0x24d: {  	_ =	swait.ge [sflag:s10], $0x3E8  }
0x24e: {  	[sflag:s10] =	ssyncset.done $0x0  }
0x24f: {  	[sflag:s10] =	ssyncadd.s32 $0xFFFFFC18  }
0x250: {  	_ =	swait.ge [sflag:s10], $0x3E8  }
0x251: {  	[sflag:s10] =	ssyncset.done $0x0  }
0x252: {  	[sflag:s10] =	ssyncadd.s32 $0xFFFFFC18  }
0x253: {  	_ =	swait.ge [sflag:s10], $0x3E8  }
0x254: {  	[sflag:s10] =	ssyncset.done $0x0  }
0x255: {  	[sflag:s10] =	ssyncadd.s32 $0xFFFFFC18  }
0x256: {  	_ =	swait.ge [sflag:s10], $0x3E8  }
0x257: {  	[sflag:s10] =	ssyncset.done $0x0  }
0x258: {  	[sflag:s10] =	ssyncadd.s32 $0xFFFFFC18  }
0x259: {  	_ =	swait.ge [sflag:s10], $0x3E8  }
0x25a: {  	[sflag:s10] =	ssyncset.done $0x0  }
0x25b: {  	[sflag:s10] =	ssyncadd.s32 $0xFFFFFC18  }
0x25c: {  	_ =	swait.ge [sflag:s10], $0x3E8  }
0x25d: {  	[sflag:s10] =	ssyncset.done $0x0  }
0x25e: {  	[sflag:s10] =	ssyncadd.s32 $0xFFFFFC18  }
0x25f: {  	_ =	swait.ge [sflag:s10], $0x3E8  }
0x260: {  	[sflag:s10] =	ssyncset.done $0x0  }
0x261: {  	[sflag:s10] =	ssyncadd.s32 $0xFFFFFC18  }
0x262: {  	_ =	swait.ge [sflag:s10], $0x3E8  }
0x263: {  	[sflag:s10] =	ssyncset.done $0x0  }
0x264: {  	[sflag:s10] =	ssyncadd.s32 $0xFFFFFC18  }
0x265: {  	_ =	swait.ge [sflag:s10], $0x3E8  }
0x266: {  	[sflag:s10] =	ssyncset.done $0x0  }
0x267: {  	[sflag:s10] =	ssyncadd.s32 $0xFFFFFC18  }
0x268: {  	_ =	swait.ge [sflag:s10], $0x3E8  }
0x269: {  	[sflag:s10] =	ssyncset.done $0x0  }
0x26a: {  	[sflag:s10] =	ssyncadd.s32 $0xFFFFFC18  }
0x26b: {  	_ =	swait.ge [sflag:s10], $0x3E8  }
0x26c: {  	[sflag:s10] =	ssyncset.done $0x0  }
0x26d: {  	[sflag:s10] =	ssyncadd.s32 $0xFFFFFC18  }
0x26e: {  	_ =	swait.ge [sflag:s10], $0x3E8  }
0x26f: {  	[sflag:s10] =	ssyncset.done $0x0  }
0x270: {  	[sflag:s10] =	ssyncadd.s32 $0xFFFFFC18  }
0x271: {  	_ =	swait.ge [sflag:s10], $0x3E8  }
0x272: {  	[sflag:s10] =	ssyncset.done $0x0  }
0x273: {  	[sflag:s10] =	ssyncadd.s32 $0xFFFFFC18  }
0x274: {  	_ =	swait.ge [sflag:s10], $0x3E8  }
0x275: {  	[sflag:s10] =	ssyncset.done $0x0  }
0x276: {  	[sflag:s10] =	ssyncadd.s32 $0xFFFFFC18  }
0x277: {  	_ =	swait.ge [sflag:s10], $0x3E8  }
0x278: {  	[sflag:s10] =	ssyncset.done $0x0  }
0x279: {  	[sflag:s10] =	ssyncadd.s32 $0xFFFFFC18  }
0x27a: {  	_ =	swait.ge [sflag:s10], $0x3E8  }
0x27b: {  	[sflag:s10] =	ssyncset.done $0x0  }
0x27c: {  	[sflag:s10] =	ssyncadd.s32 $0xFFFFFC18  }
0x27d: {  	_ =	swait.ge [sflag:s10], $0x3E8  }
0x27e: {  	[sflag:s10] =	ssyncset.done $0x0  }
0x27f: {  	[sflag:s10] =	ssyncadd.s32 $0xFFFFFC18  }
0x280: {  	_ =	swait.ge [sflag:s10], $0x3E8  }
0x281: {  	[sflag:s10] =	ssyncset.done $0x0  }
0x282: {  	[sflag:s10] =	ssyncadd.s32 $0xFFFFFC18  }
0x283: {  	_ =	swait.ge [sflag:s10], $0x3E8  }
0x284: {  	[sflag:s10] =	ssyncset.done $0x0  }
0x285: {  	[sflag:s10] =	ssyncadd.s32 $0xFFFFFC18  }
0x286: {  	_ =	swait.ge [sflag:s10], $0x3E8  }
0x287: {  	[sflag:s10] =	ssyncset.done $0x0  }
0x288: {  	[sflag:s10] =	ssyncadd.s32 $0xFFFFFC18  }
0x289: {  	_ =	swait.ge [sflag:s10], $0x3E8  }
0x28a: {  	[sflag:s10] =	ssyncset.done $0x0  }
0x28b: {  	[sflag:s10] =	ssyncadd.s32 $0xFFFFFC18  }
0x28c: {  	_ =	swait.ge [sflag:s10], $0x3E8  }
0x28d: {  	[sflag:s10] =	ssyncset.done $0x0  }
0x28e: {  	[sflag:s10] =	ssyncadd.s32 $0xFFFFFC18  }
0x28f: {  	s11 =	sadd.s32 $0x1, s11;
	_ =	swait.ge [sflag:s10], $0x3E8  }
0x290: {  	p0 =	sne.s32 s11, s5;
	[sflag:s10] =	ssyncset.done $0x0  }
.Ltmp1:
0x291: {  	[sflag:s10] =	ssyncadd.s32 $0xFFFFFC18;
	(pc) =	sbr.rel @p0 .LBB2_1-.Ltmp1, $4  }
0x292: {  	[hbm4b:s12+s2] =	stream.linear.scatter [tilespmem:s9], [sflag:$0x2], $0x9C40, $0x38;
	[tilespmem:$0x10040] =	vst v63  }
0x293: {  	_ =	swait.ge [sflag:s7], $0x9C40  }
0x294: {  	[sflag:s7] =	ssyncset.done $0x0  }
0x295: {  	[sflag:s7] =	ssyncadd.s32 $0xFFFF63C0  }
0x296: {  	_ =	sfence.sel $0x180000  }
0x297: {  	[bflag:$0x0] =	sbarrier.arrive $0xFFFF  }
0x298: {  	p0 =	sne.s32 s3, $0x0;
	_ =	strace $0x9000004A  }
0x299: {  	s0 =	sadd.s32 @!p0 $0x100000, s0;
	[bflag:$0x2] =	sbarrier.arrive $0xFFFF  }
0x29a: {  	[sflag:s0] =	ssyncadd.tile.s32 @!p0 $0x1;
	_ =	shalt  }
.Lfunc_end2:
_tile_overlayer_lowered:
.L_overlay_start_2:
0x29b: {  	(tag) =	ssettag $0x2  }
0x29c: {  	s0 =	rddreg [dreg:$0x0];
	s2 =	stileid.u32  }
0x29d: {  	s1 =	rddreg [dreg:$0x1];
	p0 =	sne.s32 s2, $0x0  }
0x29e: {  	s3 =	rddreg [dreg:$0x2];
	[bflag:$0x3] =	sbarrier.arrive $0xFFFF;
	s2 =	simm.s32 @!p0 $0x1C02  }
0x29f: {  	[timem:s3], [sflag:s2] =	dma.local @!p0 [hbm:s0], s1  }
0x2a0: {  	s0 =	simm.s32 @!p0 $0x2  }
0x2a1: {  	_ =	swait.ge @!p0 [sflag:s0], s1  }
0x2a2: {  	s1 =	ssub.s32 @!p0 $0x0, s1;
	[sflag:s0] =	ssyncset.done @!p0 $0x0  }
0x2a3: {  	[sflag:s0] =	ssyncadd.s32 @!p0 s1  }
0x2a4: {  	[bflag:$0x3] =	sbarrier.arrive $0xFFFF  }
0x2a5: {  	_ =	shalt  }

// kernel: kernel.9.cloned.1.call-start
scs
__scs_entry_jumppad:
0x0: {  	(pc) =	sbr.rel $0x88, $3  }
0x1: {  	(tag) =	ssettag $0x0;
	lr =	simm.s32 $0x1  }
0x2: {  	[smem:$0x3F8F] =	sst lr;
	_ =	strace $0xD0000000  }
0x3: {  	_ = 	snop  }
0x4: {  	_ = 	snop  }
0x5: {  	_ = 	snop  }
0x6: {  	_ = 	snop  }
0x7: {  	_ = 	snop  }
__scs_overlays_trampoline_lowered:
0x8: {  	[smem:$0x3F9E] =	sst s0  }
0x9: {  	[smem:$0x3F9F] =	sst s1  }
0xa: {  	[smem:$0x3FA0] =	sst s2  }
0xb: {  	[smem:$0x3FA1] =	sst s3  }
0xc: {  	[smem:$0x3FA2] =	sst s4  }
0xd: {  	[smem:$0x3FA3] =	sst s5  }
0xe: {  	[smem:$0x3FA4] =	sst s6  }
0xf: {  	[smem:$0x3FA5] =	sst s7  }
0x10: {  	[smem:$0x3FA6] =	sst s8  }
0x11: {  	[smem:$0x3FA7] =	sst s9;
	s0 =	simm.s32 @!p0 $0x0  }
0x12: {  	s1 =	sld [smem:$0x3F8D];
	s0 =	simm.s32 @p0 $0x1  }
0x13: {  	[smem:$0x3FA8] =	sst s0;
	s0 =	simm.s32 @!p1 $0x0  }
0x14: {  	s2 =	sld [smem:$0x3F8C];
	s0 =	simm.s32 @p1 $0x1  }
0x15: {  	[smem:$0x3FA9] =	sst s0;
	s0 =	simm.s32 @!p2 $0x0  }
0x16: {  	s3 =	sld [smem:$0x3FDB];
	s0 =	simm.s32 @p2 $0x1  }
0x17: {  	s4 =	simm.s32 $0x1BF5;
	[smem:$0x3FAB] =	sst s0  }
0x18: {  	s0 =	sld [smem:$0x3F8E];
	_ =	swait.ge [sflag:s4], $0x0  }
0x19: {  	s7 =	sld [smem:$0x3F8F]  }
0x1a: {  	s8 =	sadd.s32 $0xFFFFE003, lr  }
0x1b: {  	s9 =	sadd.s32 $0xFFFFFEF7, lr;
	s5 =	simm.s32 $0xFFFFFFFF;
	p2 =	slt.u32 s8, $0xFFFFF086  }
0x1c: {  	p1 =	slt.u32 s9, $0xF7A;
	s5 =	simm.s32 @!p2 $0x0  }
0x1d: {  	s5 =	simm.s32 @p1 $0x1;
	p0 =	seq.s32 s7, s2  }
0x1e: {  	s7 =	smul.u32 @!p0 $0xF7A, s2;
	p2 =	seq.s32 @!p0 s5, $0x0  }
0x1f: {  	s9 =	smul.u32 $0xF7A, s1;
	s8 =	simm.s32 @!p0 $0x1BF5;
	p2 =	por !p2, p0  }
0x20: {  	[sflag:s8] =	ssyncset.s32 @!p0 $0xFFFFF086;
	s6 =	sadd.s32 @!p0 s3, s7;
	s7 =	simm.s32 @!p0 $0x108  }
0x21: {  	s3 =	sadd.s32 s3, s9;
	s6 =	sadd.s32 @!p0 $0x88, s6;
	s7 =	simm.s32 @p2 $0x1082  }
0x22: {  	[simem:s7], [sflag:s8] =	dma.local @!p0 [hbm:s6], $0xF7A  }
0x23: {  	s9 =	sor.u32 $0xD0000000, s2;
	s6 =	simm.s32 $0x108;
	_ =	swait.ge @!p0 [sflag:s8], $0x0  }
0x24: {  	s3 =	sadd.s32 $0x88, s3;
	s6 =	simm.s32 @!p1 $0x1082;
	[sflag:s4] =	ssyncset.s32 $0xFFFFF086  }
0x25: {  	[simem:s6], [sflag:s4] =	dma.local [hbm:s3], $0xF7A  }
0x26: {  	[smem:$0x3F8F] =	sst s1;
	(tag) =	ssettag s2;
	_ =	strace s9  }
0x27: {  	s1 =	sld [smem:$0x3F9F]  }
0x28: {  	s2 =	sld [smem:$0x3FA0]  }
0x29: {  	s4 =	sld [smem:$0x3FA2]  }
0x2a: {  	p0 =	seq.s32 s5, $0x0;
	s5 =	sld [smem:$0x3FA3]  }
0x2b: {  	s6 =	sld [smem:$0x3FA4]  }
0x2c: {  	s7 =	sld [smem:$0x3FA5]  }
0x2d: {  	s3 =	simm.s32 $0x108;
	s8 =	sld [smem:$0x3FA6]  }
0x2e: {  	s3 =	simm.s32 @!p0 $0x1082;
	s9 =	sld [smem:$0x3FA7]  }
0x2f: {  	lr =	sadd.s32 s0, s3;
	s0 =	sld [smem:$0x3F9E]  }
0x30: {  	s3 =	sld [smem:$0x3FA1]  }
0x31: {  	[smem:$0x3FAA] =	sst s10  }
0x32: {  	s10 =	sld [smem:$0x3FA8];
	_ =	sdelay $0x3  }
0x33: {  	p0 =	seq.s32 s10, $0x1;
	s10 =	sld [smem:$0x3FAA];
	_ =	sdelay $0x3  }
0x34: {  	[smem:$0x3FAA] =	sst s10  }
0x35: {  	s10 =	sld [smem:$0x3FA9];
	_ =	sdelay $0x3  }
0x36: {  	p1 =	seq.s32 s10, $0x1;
	s10 =	sld [smem:$0x3FAA];
	_ =	sdelay $0x3  }
0x37: {  	[smem:$0x3FAA] =	sst s10  }
0x38: {  	s10 =	sld [smem:$0x3FAB]  }
0x39: {  	_ = 	snop;
	(pc) =	sbr.ind lr, $3  }
0x3a: {  	_ = 	snop  }
0x3b: {  	_ = 	snop  }
0x3c: {  	p2 =	seq.s32 s10, $0x1;
	s10 =	sld [smem:$0x3FAA]  }
0x3d: {  	_ =	shalt  }
0x3e: {  	_ =	shalt  }
0x3f: {  	_ =	shalt  }
0x40: {  	_ =	shalt  }
0x41: {  	_ =	shalt  }
0x42: {  	_ =	shalt  }
0x43: {  	_ =	shalt  }
0x44: {  	_ =	shalt  }
0x45: {  	_ =	shalt  }
0x46: {  	_ =	shalt  }
0x47: {  	_ =	shalt  }
0x48: {  	_ =	shalt  }
0x49: {  	_ =	shalt  }
0x4a: {  	_ =	shalt  }
0x4b: {  	_ =	shalt  }
0x4c: {  	_ =	shalt  }
0x4d: {  	_ =	shalt  }
0x4e: {  	_ =	shalt  }
0x4f: {  	_ =	shalt  }
0x50: {  	_ =	shalt  }
0x51: {  	_ =	shalt  }
0x52: {  	_ =	shalt  }
0x53: {  	_ =	shalt  }
0x54: {  	_ =	shalt  }
0x55: {  	_ =	shalt  }
0x56: {  	_ =	shalt  }
0x57: {  	_ =	shalt  }
0x58: {  	_ =	shalt  }
0x59: {  	_ =	shalt  }
0x5a: {  	_ =	shalt  }
0x5b: {  	_ =	shalt  }
0x5c: {  	_ =	shalt  }
0x5d: {  	_ =	shalt  }
0x5e: {  	_ =	shalt  }
0x5f: {  	_ =	shalt  }
0x60: {  	_ =	shalt  }
0x61: {  	_ =	shalt  }
0x62: {  	_ =	shalt  }
0x63: {  	_ =	shalt  }
0x64: {  	_ =	shalt  }
0x65: {  	_ =	shalt  }
0x66: {  	_ =	shalt  }
0x67: {  	_ =	shalt  }
0x68: {  	_ =	shalt  }
0x69: {  	_ =	shalt  }
0x6a: {  	_ =	shalt  }
0x6b: {  	_ =	shalt  }
0x6c: {  	_ =	shalt  }
0x6d: {  	_ =	shalt  }
0x6e: {  	_ =	shalt  }
0x6f: {  	_ =	shalt  }
0x70: {  	_ =	shalt  }
0x71: {  	_ =	shalt  }
0x72: {  	_ =	shalt  }
0x73: {  	_ =	shalt  }
0x74: {  	_ =	shalt  }
0x75: {  	_ =	shalt  }
0x76: {  	_ =	shalt  }
0x77: {  	_ =	shalt  }
0x78: {  	_ =	shalt  }
0x79: {  	_ =	shalt  }
0x7a: {  	_ =	shalt  }
0x7b: {  	_ =	shalt  }
0x7c: {  	_ =	shalt  }
0x7d: {  	_ =	shalt  }
0x7e: {  	_ =	shalt  }
0x7f: {  	_ =	shalt  }
0x80: {  	_ =	shalt  }
0x81: {  	_ =	shalt  }
0x82: {  	_ =	shalt  }
0x83: {  	_ =	shalt  }
0x84: {  	_ =	shalt  }
0x85: {  	_ =	shalt  }
0x86: {  	_ =	shalt  }
0x87: {  	_ =	shalt  }
.Lfunc_end0:
.L_simem_size_0:
called_computation.1_lowered:
.L_overlay_start_0:
0x88: {  	s2 =	sld [smem:$0x3FD9]  }
0x89: {  	s3 =	sld [smem:$0x3FFE];
	_ =	sdelay $0x1  }
0x8a: {  	s1 =	srdreg.scid  }
0x8b: {  	s0 =	sand.u32 $0x1, s1  }
0x8c: {  	s16 =	sshll.u32 s0, $0xA;
	s2 =	sadd.s32 s3, s2  }
0x8d: {  	s2 =	sadd.s32 s2, s16  }
0x8e: {  	[smem:$0x3FB6] =	sst s2  }
0x8f: {  	_ = 	snop  }
0x90: {  	(tm) =	ssettm $0x1  }
0x91: {  	s17 =	sld [smem:$0x3FFB];
	_ =	sdelay $0x3  }
0x92: {  	_ =	strace s17  }
0x93: {  	s2 =	sld [smem:$0x3FFC];
	_ =	sdelay $0x3  }
0x94: {  	_ =	strace s2  }
0x95: {  	s2 =	sld [smem:$0x3FFD];
	_ =	sdelay $0x3  }
0x96: {  	_ =	strace s2  }
0x97: {  	_ =	strace $0x8FFFFFFF  }
0x98: {  	s18 =	sld [smem:$0x3FDB];
	_ =	sdelay $0x1  }
0x99: {  	s19 =	simm.s32 $_scs_section_size  }
0x9a: {  	s4 =	simm.s32 $_size__tile_overlayer_lowered;
	s5 =	simm.s32 $_tile_overlayer_lowered  }
0x9b: {  	s22 =	simm.s32 $0x1BFF;
	s21 =	sshll.u32 s5, $0x1;
	s2 =	sadd.s32 s19, s18  }
0x9c: {  	s6 =	simm.s32 $0x0;
	s20 =	sshll.u32 s4, $0x1;
	s4 =	sadd.s32 s21, s2  }
0x9d: {  	[timem:s6], [sflag:s22] =	dma.local [hbm:s4], s20  }
0x9e: {  	_ =	swait.ge [sflag:s22], s20  }
0x9f: {  	s3 =	ssub.s32 $0x0, s20;
	[sflag:s22] =	ssyncset.done $0x0  }
0xa0: {  	[sflag:s22] =	ssyncadd.s32 s3;
	_ =	sdelay $0x1  }
0xa1: {  	s23 =	simm.s32 $0x1B8B  }
0xa2: {  	_ =	swait.ge [sflag:s23], $0x1  }
0xa3: {  	[sflag:s23] =	ssyncset.done $0x0  }
0xa4: {  	s25 =	simm.s32 $0x1B8E;
	s24 =	sld [smem:$0x3FFE];
	[sflag:s23] =	ssyncadd.s32 $0xFFFFFFFF  }
0xa5: {  	s26 =	simm.s32 $execute0_lowered;
	[smem:$0x3FD2] =	sst s25  }
0xa6: {  	s4 =	sshll.u32 s26, $0x1;
	_ =	strace $0x80000046;
	[dreg:$0x1] =	wrdreg $0xFFFFFFFF  }
0xa7: {  	s28 =	simm.s32 $_size_execute0_lowered;
	s2 =	sadd.s32 s2, s4;
	[dreg:$0x0] =	wrdreg $0x0  }
0xa8: {  	s4 =	sshll.u32 s28, $0x1;
	[dreg:$0x2] =	wrdreg s2  }
0xa9: {  	[dreg:$0x3] =	wrdreg s4  }
0xaa: {  	[dreg:$0x4] =	wrdreg $0xC0  }
0xab: {  	_ =	task [dreg:s6], $0x5FFFF  }
0xac: {  	[dreg:$0x1] =	wrdreg $0xFFFFFFFF  }
0xad: {  	[dreg:$0x0] =	wrdreg $0x60  }
0xae: {  	[dreg:$0x2] =	wrdreg s24  }
0xaf: {  	[dreg:$0x3] =	wrdreg $0x108400  }
0xb0: {  	[dreg:$0x4] =	wrdreg $0xA  }
0xb1: {  	_ =	task.clear_ibuf [dreg:s6], $0x5FFFF;
	_ =	strace $0x90000046  }
0xb2: {  	s29 =	simm.s32 $0xA;
	_ =	strace $0x80000048  }
0xb3: {  	_ =	swait.ge [sflag:s29], $0x1  }
0xb4: {  	[sflag:s29] =	ssyncadd.s32 $0xFFFFFFFF  }
0xb5: {  	_ =	strace $0x90000048  }
0xb6: {  	_ =	sfence  }
0xb7: {  	s30 =	sld [smem:$0x0];
	_ =	sdelay $0x2  }
0xb8: {  	s31 =	sshll.u32 s1, $0xD;
	s1 =	sshrl.u32 s1, $0x2  }
0xb9: {  	s3 =	sand.u32 $0x4000, s31;
	s1 =	sadd.s32 s1, s30  }
0xba: {  	s0 =	sor.u32 s3, s0;
	s1 =	sshll.u32 s1, $0x11  }
0xbb: {  	s0 =	sor.u32 s1, s0  }
0xbc: {  	s0 =	sadd.s32 $0x8F2B, s0  }
0xbd: {  	[sflag:s0] =	ssyncadd.remote.s32 $0x1  }
0xbe: {  	_ =	sfence.sel $0xFFFF  }
0xbf: {  	[dreg:$0x0] =	wrdreg $0xFFFFFFFF;
	(pc) =	sbr.abs _section_cstart, $3  }
0xc0: {  	[dreg:$0x1] =	wrdreg $0xFFFFFFFF  }
0xc1: {  	_ =	task.clear_ibuf [dreg:s6], $0x2FFFF;
	_ =	strace $0x9FFFFFFF  }
0xc2: {  	(tm) =	ssettm $0x7FFFFFFF  }
0xc3: {  	_ =	shalt  }
tec
execute0_lowered:
.L_overlay_start_1:
0x0: {  	(tag) =	ssettag $0x1  }
0x1: {  	s4 =	rddreg [dreg:$0x0]  }
0x2: {  	s2 =	rddreg [dreg:$0x1]  }
0x3: {  	s0 =	rddreg [dreg:$0x2];
	s3 =	simm.s32 $0x0  }
0x4: {  	s1 =	srdreg.scid;
	s11 =	simm.s32 $0x6BD0;
	[smem:$0x7FF] =	sst s3  }
0x5: {  	s19 =	simm.s32 $0x73A0;
	_ =	strace $0x80000047;
	[dreg:$0x3] =	wrdreg s11  }
0x6: {  	s20 =	simm.s32 $0x7B70;
	s21 =	simm.s32 $0x8340;
	[dreg:$0x4] =	wrdreg s19  }
0x7: {  	s22 =	simm.s32 $0x8B10;
	s23 =	simm.s32 $0x92E0;
	[dreg:$0x5] =	wrdreg s20  }
0x8: {  	s25 =	simm.s32 $0x9AB0;
	s26 =	simm.s32 $0xA280;
	[dreg:$0x6] =	wrdreg s21  }
0x9: {  	s28 =	simm.s32 $0xAA50;
	s29 =	simm.s32 $0xB220;
	[dreg:$0x7] =	wrdreg s22  }
0xa: {  	s30 =	simm.s32 $0xB9F0;
	s12 =	simm.s32 $0xC1C0;
	[dreg:$0x8] =	wrdreg s23  }
0xb: {  	s13 =	simm.s32 $0xC990;
	s31 =	simm.s32 $0xD160;
	[dreg:$0x9] =	wrdreg s25  }
0xc: {  	s5 =	sand.u32 $0x1, s1;
	s1 =	stileid.u32;
	[dreg:$0xa] =	wrdreg s26  }
0xd: {  	s14 =	simm.s32 $0xE100;
	s7 =	smul.u32 $0xC8000, s5;
	[dreg:$0xb] =	wrdreg s28  }
0xe: {  	s15 =	simm.s32 $0xE8D0;
	s8 =	smul.u32 $0xC800, s1;
	[dreg:$0xc] =	wrdreg s29  }
0xf: {  	s16 =	simm.s32 $0xF0A0;
	s9 =	smul.u32 $0xC3500, s5;
	[dreg:$0xd] =	wrdreg s30  }
0x10: {  	s6 =	sshll.u32 s5, $0x4;
	s18 =	smul.u32 $0x32000, s1;
	[dreg:$0xe] =	wrdreg s12  }
0x11: {  	s5 =	ssub.s32 $0x2, s5;
	s24 =	smul.u32 $0xC350, s1;
	[dreg:$0xf] =	wrdreg s13  }
0x12: {  	s11 =	simm.s32 $0x6400;
	s12 =	simm.s32 $0x7D;
	[dreg:$0x10] =	wrdreg s31  }
0x13: {  	s13 =	simm.s32 $0xD930;
	s20 =	simm.s32 $0x0;
	s6 =	sor.u32 s1, s6  }
0x14: {  	s17 =	sshrl.u32 s5, $0x1;
	s6 =	smul.u32 $0xC80, s6;
	s7 =	sadd.s32 s8, s7  }
0x15: {  	s9 =	sadd.s32 s9, s4;
	s10 =	ssub.s32 s5, s17;
	s5 =	sshrl.u32 s18, $0x2  }
0x16: {  	s19 =	sadd.s32 s8, s2;
	s17 =	simm.s32 $0xF870;
	s18 =	simm.s32 $0x1  }
0x17: {  	s7 =	sshrl.u32 s7, $0x3;
	s5 =	sadd.s32 s5, s2;
	s8 =	sadd.s32 s24, s9  }
0x18: {  	s9 =	simm.s32 $0x2;
	s19 =	sshrl.u32 s19, $0x3;
	s6 =	sadd.s32 s6, s4  }
0x19: {  	s7 =	sadd.s32 s7, s4;
	s8 =	sadd.s32 $0xC37600, s8;
	s4 =	sadd.s32 $0x2600, s6  }
0x1a: {  	v0 =	vimm.f32 $0.0e+00;
	s6 =	sadd.s32 $0x1B600, s7;
	s7 =	smax.u32 s10, $0x1;
	s10 =	simm.s32 $0x10040  }
.LBB2_1:
0x1b: {  	[tilespmem:s3], [sflag:$0x2] =	stream.linear.gather [hbm4b:s4+s3], $0x6400, $0x38;
	[tilespmem:$0x1D040] =	vst v63  }
0x1c: {  	_ =	swait.ge [sflag:s9], $0x6400  }
0x1d: {  	[sflag:s9] =	ssyncset.done $0x0  }
0x1e: {  	s21 =	simm.s32 $0x0;
	[sflag:s9] =	ssyncadd.s32 $0xFFFF9C00  }
.LBB2_2:
0x1f: {  	p0 =	sne.s32 s21, $0x1FC0  }
.Ltmp0:
0x20: {  	_ = 	snop;
	(pc) =	sbr.rel @p0 .LBB2_2-.Ltmp0, $3  }
0x21: {  	_ =	sdelay $0x1  }
0x22: {  	s22 =	sshra.s32 s21, $0x2  }
0x23: {  	s21 =	sadd.s32 $0x40, s21;
	[tilespmem:s22+$0x10040] =	vst v0  }
0x24: {  	s21 =	sadd.s32 $0x0, s5  }
0x25: {  	[spmem:s21] =	stream.linear.scatter [tilespmem:s10], [sflag:$0x2], $0x800, $0x38;
	[tilespmem:$0x1D040] =	vst v63  }
0x26: {  	s21 =	simm.s32 $0x2000;
	_ =	swait.ge [sflag:s9], $0x800  }
.LBB2_4:
0x27: {  	s22 =	sshra.s32 s21, $0x2;
	[sflag:s9] =	ssyncset.done $0x0;
	p0 =	sne.s32 s21, $0x30000  }
.Ltmp1:
0x28: {  	s22 =	sadd.s32 s22, s5;
	[sflag:s9] =	ssyncadd.s32 $0xFFFFF800;
	(pc) =	sbr.rel @p0 .LBB2_4-.Ltmp1, $3  }
0x29: {  	[spmem:s22] =	stream.linear.scatter [tilespmem:s10], [sflag:$0x2], $0x800, $0x38;
	[tilespmem:$0x1D040] =	vst v63  }
0x2a: {  	s21 =	sadd.s32 $0x2000, s21;
	_ =	sdelay $0x1  }
0x2b: {  	_ =	swait.ge [sflag:s9], $0x800  }
0x2c: {  	[sflag:s9] =	ssyncset.done $0x0  }
0x2d: {  	[sflag:s9] =	ssyncadd.s32 $0xFFFFF800  }
0x2e: {  	[bflag:$0x0] =	sbarrier.arrive $0xFFFF  }
0x2f: {  	[tilespmem:s11], [sflag:$0x2] =	stream.linear.gather [hbm4b:s8+s3], $0x9C40, $0x38;
	[tilespmem:$0x1D040] =	vst v63  }
0x30: {  	_ =	swait.ge [sflag:s9], $0x9C40  }
0x31: {  	[sflag:s9] =	ssyncset.done $0x0  }
0x32: {  	s21 =	simm.s32 $0x0;
	[sflag:s9] =	ssyncadd.s32 $0xFFFF63C0  }
0x33: {  	[spmem:s2] =	stream.indirect.scatter.add.f32 [tilespmem:s11], [sflag:$0x1], $0x10, s21, s12, $0xb8;
	[tilespmem:$0x1D040] =	vst v63  }
0x34: {  	s24 =	simm.s32 $0x80;
	s22 =	rddreg [dreg:$0x3]  }
0x35: {  	[spmem:s2] =	stream.indirect.scatter.add.f32 [tilespmem:s22], [sflag:$0x1], $0x10, s24, s12, $0xb8;
	[tilespmem:$0x1D040] =	vst v63  }
0x36: {  	s25 =	simm.s32 $0x100;
	s23 =	rddreg [dreg:$0x4]  }
0x37: {  	[spmem:s2] =	stream.indirect.scatter.add.f32 [tilespmem:s23], [sflag:$0x1], $0x10, s25, s12, $0xb8;
	[tilespmem:$0x1D040] =	vst v63  }
0x38: {  	s28 =	simm.s32 $0x180;
	s26 =	rddreg [dreg:$0x5]  }
0x39: {  	[spmem:s2] =	stream.indirect.scatter.add.f32 [tilespmem:s26], [sflag:$0x1], $0x10, s28, s12, $0xb8;
	[tilespmem:$0x1D040] =	vst v63  }
0x3a: {  	s30 =	simm.s32 $0x200;
	s29 =	rddreg [dreg:$0x6]  }
0x3b: {  	[spmem:s2] =	stream.indirect.scatter.add.f32 [tilespmem:s29], [sflag:$0x1], $0x10, s30, s12, $0xb8;
	[tilespmem:$0x1D040] =	vst v63  }
0x3c: {  	s31 =	rddreg [dreg:$0x7];
	s23 =	simm.s32 $0x280  }
0x3d: {  	[spmem:s2] =	stream.indirect.scatter.add.f32 [tilespmem:s31], [sflag:$0x1], $0x10, s23, s12, $0xb8;
	[tilespmem:$0x1D040] =	vst v63  }
0x3e: {  	s24 =	rddreg [dreg:$0x8];
	s25 =	simm.s32 $0x300  }
0x3f: {  	[spmem:s2] =	stream.indirect.scatter.add.f32 [tilespmem:s24], [sflag:$0x1], $0x10, s25, s12, $0xb8;
	[tilespmem:$0x1D040] =	vst v63  }
0x40: {  	s26 =	rddreg [dreg:$0x9];
	s28 =	simm.s32 $0x380  }
0x41: {  	[spmem:s2] =	stream.indirect.scatter.add.f32 [tilespmem:s26], [sflag:$0x1], $0x10, s28, s12, $0xb8;
	[tilespmem:$0x1D040] =	vst v63  }
0x42: {  	s29 =	rddreg [dreg:$0xa];
	s30 =	simm.s32 $0x400  }
0x43: {  	[spmem:s2] =	stream.indirect.scatter.add.f32 [tilespmem:s29], [sflag:$0x1], $0x10, s30, s12, $0xb8;
	[tilespmem:$0x1D040] =	vst v63  }
0x44: {  	s31 =	rddreg [dreg:$0xb];
	s23 =	simm.s32 $0x480  }
0x45: {  	[spmem:s2] =	stream.indirect.scatter.add.f32 [tilespmem:s31], [sflag:$0x1], $0x10, s23, s12, $0xb8;
	[tilespmem:$0x1D040] =	vst v63  }
0x46: {  	s24 =	rddreg [dreg:$0xc];
	s25 =	simm.s32 $0x500  }
0x47: {  	[spmem:s2] =	stream.indirect.scatter.add.f32 [tilespmem:s24], [sflag:$0x1], $0x10, s25, s12, $0xb8;
	[tilespmem:$0x1D040] =	vst v63  }
0x48: {  	s26 =	rddreg [dreg:$0xd];
	s28 =	simm.s32 $0x580  }
0x49: {  	[spmem:s2] =	stream.indirect.scatter.add.f32 [tilespmem:s26], [sflag:$0x1], $0x10, s28, s12, $0xb8;
	[tilespmem:$0x1D040] =	vst v63  }
0x4a: {  	s29 =	rddreg [dreg:$0xe];
	s30 =	simm.s32 $0x600  }
0x4b: {  	[spmem:s2] =	stream.indirect.scatter.add.f32 [tilespmem:s29], [sflag:$0x1], $0x10, s30, s12, $0xb8;
	[tilespmem:$0x1D040] =	vst v63  }
0x4c: {  	s31 =	rddreg [dreg:$0xf];
	s23 =	simm.s32 $0x680  }
0x4d: {  	[spmem:s2] =	stream.indirect.scatter.add.f32 [tilespmem:s31], [sflag:$0x1], $0x10, s23, s12, $0xb8;
	[tilespmem:$0x1D040] =	vst v63  }
0x4e: {  	s24 =	rddreg [dreg:$0x10];
	s25 =	simm.s32 $0x700  }
0x4f: {  	[spmem:s2] =	stream.indirect.scatter.add.f32 [tilespmem:s24], [sflag:$0x1], $0x10, s25, s12, $0xb8;
	[tilespmem:$0x1D040] =	vst v63  }
0x50: {  	s26 =	simm.s32 $0x780  }
0x51: {  	[spmem:s2] =	stream.indirect.scatter.add.f32 [tilespmem:s13], [sflag:$0x1], $0x10, s26, s12, $0xb8;
	[tilespmem:$0x1D040] =	vst v63  }
0x52: {  	s28 =	simm.s32 $0x800  }
0x53: {  	[spmem:s2] =	stream.indirect.scatter.add.f32 [tilespmem:s14], [sflag:$0x1], $0x10, s28, s12, $0xb8;
	[tilespmem:$0x1D040] =	vst v63  }
0x54: {  	s29 =	simm.s32 $0x880  }
0x55: {  	[spmem:s2] =	stream.indirect.scatter.add.f32 [tilespmem:s15], [sflag:$0x1], $0x10, s29, s12, $0xb8;
	[tilespmem:$0x1D040] =	vst v63  }
0x56: {  	s30 =	simm.s32 $0x900  }
0x57: {  	[spmem:s2] =	stream.indirect.scatter.add.f32 [tilespmem:s16], [sflag:$0x1], $0x10, s30, s12, $0xb8;
	[tilespmem:$0x1D040] =	vst v63  }
0x58: {  	s31 =	simm.s32 $0x980  }
0x59: {  	[spmem:s2] =	stream.indirect.scatter.add.f32 [tilespmem:s17], [sflag:$0x1], $0x10, s31, s12, $0xb8;
	[tilespmem:$0x1D040] =	vst v63  }
0x5a: {  	_ =	swait.ge [sflag:s18], $0x7D0  }
0x5b: {  	[sflag:s18] =	ssyncset.done $0x0  }
0x5c: {  	[sflag:s18] =	ssyncadd.s32 $0xFFFFF830  }
0x5d: {  	_ =	swait.ge [sflag:s18], $0x7D0  }
0x5e: {  	[sflag:s18] =	ssyncset.done $0x0  }
0x5f: {  	[sflag:s18] =	ssyncadd.s32 $0xFFFFF830  }
0x60: {  	_ =	swait.ge [sflag:s18], $0x7D0  }
0x61: {  	[sflag:s18] =	ssyncset.done $0x0  }
0x62: {  	[sflag:s18] =	ssyncadd.s32 $0xFFFFF830  }
0x63: {  	_ =	swait.ge [sflag:s18], $0x7D0  }
0x64: {  	[sflag:s18] =	ssyncset.done $0x0  }
0x65: {  	[sflag:s18] =	ssyncadd.s32 $0xFFFFF830  }
0x66: {  	_ =	swait.ge [sflag:s18], $0x7D0  }
0x67: {  	[sflag:s18] =	ssyncset.done $0x0  }
0x68: {  	[sflag:s18] =	ssyncadd.s32 $0xFFFFF830  }
0x69: {  	_ =	swait.ge [sflag:s18], $0x7D0  }
0x6a: {  	[sflag:s18] =	ssyncset.done $0x0  }
0x6b: {  	[sflag:s18] =	ssyncadd.s32 $0xFFFFF830  }
0x6c: {  	_ =	swait.ge [sflag:s18], $0x7D0  }
0x6d: {  	[sflag:s18] =	ssyncset.done $0x0  }
0x6e: {  	[sflag:s18] =	ssyncadd.s32 $0xFFFFF830  }
0x6f: {  	_ =	swait.ge [sflag:s18], $0x7D0  }
0x70: {  	[sflag:s18] =	ssyncset.done $0x0  }
0x71: {  	[sflag:s18] =	ssyncadd.s32 $0xFFFFF830  }
0x72: {  	_ =	swait.ge [sflag:s18], $0x7D0  }
0x73: {  	[sflag:s18] =	ssyncset.done $0x0  }
0x74: {  	[sflag:s18] =	ssyncadd.s32 $0xFFFFF830  }
0x75: {  	_ =	swait.ge [sflag:s18], $0x7D0  }
0x76: {  	[sflag:s18] =	ssyncset.done $0x0  }
0x77: {  	[sflag:s18] =	ssyncadd.s32 $0xFFFFF830  }
0x78: {  	_ =	swait.ge [sflag:s18], $0x7D0  }
0x79: {  	[sflag:s18] =	ssyncset.done $0x0  }
0x7a: {  	[sflag:s18] =	ssyncadd.s32 $0xFFFFF830  }
0x7b: {  	_ =	swait.ge [sflag:s18], $0x7D0  }
0x7c: {  	[sflag:s18] =	ssyncset.done $0x0  }
0x7d: {  	[sflag:s18] =	ssyncadd.s32 $0xFFFFF830  }
0x7e: {  	_ =	swait.ge [sflag:s18], $0x7D0  }
0x7f: {  	[sflag:s18] =	ssyncset.done $0x0  }
0x80: {  	[sflag:s18] =	ssyncadd.s32 $0xFFFFF830  }
0x81: {  	_ =	swait.ge [sflag:s18], $0x7D0  }
0x82: {  	[sflag:s18] =	ssyncset.done $0x0  }
0x83: {  	[sflag:s18] =	ssyncadd.s32 $0xFFFFF830  }
0x84: {  	_ =	swait.ge [sflag:s18], $0x7D0  }
0x85: {  	[sflag:s18] =	ssyncset.done $0x0  }
0x86: {  	[sflag:s18] =	ssyncadd.s32 $0xFFFFF830  }
0x87: {  	_ =	swait.ge [sflag:s18], $0x7D0  }
0x88: {  	[sflag:s18] =	ssyncset.done $0x0  }
0x89: {  	[sflag:s18] =	ssyncadd.s32 $0xFFFFF830  }
0x8a: {  	_ =	swait.ge [sflag:s18], $0x7D0  }
0x8b: {  	[sflag:s18] =	ssyncset.done $0x0  }
0x8c: {  	[sflag:s18] =	ssyncadd.s32 $0xFFFFF830  }
0x8d: {  	_ =	swait.ge [sflag:s18], $0x7D0  }
0x8e: {  	[sflag:s18] =	ssyncset.done $0x0  }
0x8f: {  	[sflag:s18] =	ssyncadd.s32 $0xFFFFF830  }
0x90: {  	_ =	swait.ge [sflag:s18], $0x7D0  }
0x91: {  	[sflag:s18] =	ssyncset.done $0x0  }
0x92: {  	[sflag:s18] =	ssyncadd.s32 $0xFFFFF830  }
0x93: {  	_ =	swait.ge [sflag:s18], $0x7D0  }
0x94: {  	s21 =	simm.s32 $0x2800;
	s22 =	smov.u32 s8;
	[sflag:s18] =	ssyncset.done $0x0  }
.LBB2_6:
0x95: {  	[sflag:s18] =	ssyncadd.s32 $0xFFFFF830;
	s22 =	sadd.s32 $0x1388, s22  }
0x96: {  	[tilespmem:s11], [sflag:$0x2] =	stream.linear.gather [hbm4b:s22+s3], $0x9C40, $0x38;
	[tilespmem:$0x1D040] =	vst v63  }
0x97: {  	_ =	swait.ge [sflag:s9], $0x9C40  }
0x98: {  	s23 =	smov.u32 s21;
	[sflag:s9] =	ssyncset.done $0x0  }
0x99: {  	s23 =	sshra.s32 s23, $0x2;
	[sflag:s9] =	ssyncadd.s32 $0xFFFF63C0  }
0x9a: {  	[spmem:s2] =	stream.indirect.scatter.add.f32 [tilespmem:s11], [sflag:$0x1], $0x10, s23, s12, $0xb8;
	[tilespmem:$0x1D040] =	vst v63  }
0x9b: {  	s25 =	sadd.s32 $0x80, s23;
	s24 =	rddreg [dreg:$0x3]  }
0x9c: {  	[spmem:s2] =	stream.indirect.scatter.add.f32 [tilespmem:s24], [sflag:$0x1], $0x10, s25, s12, $0xb8;
	[tilespmem:$0x1D040] =	vst v63  }
0x9d: {  	s28 =	sadd.s32 $0x100, s23;
	s26 =	rddreg [dreg:$0x4]  }
0x9e: {  	[spmem:s2] =	stream.indirect.scatter.add.f32 [tilespmem:s26], [sflag:$0x1], $0x10, s28, s12, $0xb8;
	[tilespmem:$0x1D040] =	vst v63  }
0x9f: {  	s30 =	sadd.s32 $0x180, s23;
	s29 =	rddreg [dreg:$0x5]  }
0xa0: {  	[spmem:s2] =	stream.indirect.scatter.add.f32 [tilespmem:s29], [sflag:$0x1], $0x10, s30, s12, $0xb8;
	[tilespmem:$0x1D040] =	vst v63  }
0xa1: {  	s31 =	rddreg [dreg:$0x6];
	s28 =	sadd.s32 $0x200, s23  }
0xa2: {  	[spmem:s2] =	stream.indirect.scatter.add.f32 [tilespmem:s31], [sflag:$0x1], $0x10, s28, s12, $0xb8;
	[tilespmem:$0x1D040] =	vst v63  }
0xa3: {  	s29 =	rddreg [dreg:$0x7];
	s30 =	sadd.s32 $0x280, s23  }
0xa4: {  	[spmem:s2] =	stream.indirect.scatter.add.f32 [tilespmem:s29], [sflag:$0x1], $0x10, s30, s12, $0xb8;
	[tilespmem:$0x1D040] =	vst v63  }
0xa5: {  	s31 =	rddreg [dreg:$0x8];
	s28 =	sadd.s32 $0x300, s23  }
0xa6: {  	[spmem:s2] =	stream.indirect.scatter.add.f32 [tilespmem:s31], [sflag:$0x1], $0x10, s28, s12, $0xb8;
	[tilespmem:$0x1D040] =	vst v63  }
0xa7: {  	s29 =	rddreg [dreg:$0x9];
	s30 =	sadd.s32 $0x380, s23  }
0xa8: {  	[spmem:s2] =	stream.indirect.scatter.add.f32 [tilespmem:s29], [sflag:$0x1], $0x10, s30, s12, $0xb8;
	[tilespmem:$0x1D040] =	vst v63  }
0xa9: {  	s31 =	rddreg [dreg:$0xa];
	s28 =	sadd.s32 $0x400, s23  }
0xaa: {  	[spmem:s2] =	stream.indirect.scatter.add.f32 [tilespmem:s31], [sflag:$0x1], $0x10, s28, s12, $0xb8;
	[tilespmem:$0x1D040] =	vst v63  }
0xab: {  	s29 =	rddreg [dreg:$0xb];
	s30 =	sadd.s32 $0x480, s23  }
0xac: {  	[spmem:s2] =	stream.indirect.scatter.add.f32 [tilespmem:s29], [sflag:$0x1], $0x10, s30, s12, $0xb8;
	[tilespmem:$0x1D040] =	vst v63  }
0xad: {  	s31 =	rddreg [dreg:$0xc];
	s28 =	sadd.s32 $0x500, s23  }
0xae: {  	[spmem:s2] =	stream.indirect.scatter.add.f32 [tilespmem:s31], [sflag:$0x1], $0x10, s28, s12, $0xb8;
	[tilespmem:$0x1D040] =	vst v63  }
0xaf: {  	s29 =	rddreg [dreg:$0xd];
	s30 =	sadd.s32 $0x580, s23  }
0xb0: {  	[spmem:s2] =	stream.indirect.scatter.add.f32 [tilespmem:s29], [sflag:$0x1], $0x10, s30, s12, $0xb8;
	[tilespmem:$0x1D040] =	vst v63  }
0xb1: {  	s31 =	rddreg [dreg:$0xe];
	s28 =	sadd.s32 $0x600, s23  }
0xb2: {  	[spmem:s2] =	stream.indirect.scatter.add.f32 [tilespmem:s31], [sflag:$0x1], $0x10, s28, s12, $0xb8;
	[tilespmem:$0x1D040] =	vst v63  }
0xb3: {  	s29 =	rddreg [dreg:$0xf];
	s30 =	sadd.s32 $0x680, s23  }
0xb4: {  	[spmem:s2] =	stream.indirect.scatter.add.f32 [tilespmem:s29], [sflag:$0x1], $0x10, s30, s12, $0xb8;
	[tilespmem:$0x1D040] =	vst v63  }
0xb5: {  	s25 =	sadd.s32 $0x700, s23;
	s31 =	rddreg [dreg:$0x10]  }
0xb6: {  	[spmem:s2] =	stream.indirect.scatter.add.f32 [tilespmem:s31], [sflag:$0x1], $0x10, s25, s12, $0xb8;
	[tilespmem:$0x1D040] =	vst v63  }
0xb7: {  	s28 =	sadd.s32 $0x780, s23  }
0xb8: {  	[spmem:s2] =	stream.indirect.scatter.add.f32 [tilespmem:s13], [sflag:$0x1], $0x10, s28, s12, $0xb8;
	[tilespmem:$0x1D040] =	vst v63  }
0xb9: {  	s29 =	sadd.s32 $0x800, s23  }
0xba: {  	[spmem:s2] =	stream.indirect.scatter.add.f32 [tilespmem:s14], [sflag:$0x1], $0x10, s29, s12, $0xb8;
	[tilespmem:$0x1D040] =	vst v63  }
0xbb: {  	s30 =	sadd.s32 $0x880, s23  }
0xbc: {  	[spmem:s2] =	stream.indirect.scatter.add.f32 [tilespmem:s15], [sflag:$0x1], $0x10, s30, s12, $0xb8;
	[tilespmem:$0x1D040] =	vst v63  }
0xbd: {  	s31 =	sadd.s32 $0x900, s23  }
0xbe: {  	[spmem:s2] =	stream.indirect.scatter.add.f32 [tilespmem:s16], [sflag:$0x1], $0x10, s31, s12, $0xb8;
	[tilespmem:$0x1D040] =	vst v63  }
0xbf: {  	s23 =	sadd.s32 $0x980, s23  }
0xc0: {  	[spmem:s2] =	stream.indirect.scatter.add.f32 [tilespmem:s17], [sflag:$0x1], $0x10, s23, s12, $0xb8;
	[tilespmem:$0x1D040] =	vst v63  }
0xc1: {  	_ =	swait.ge [sflag:s18], $0x7D0  }
0xc2: {  	[sflag:s18] =	ssyncset.done $0x0  }
0xc3: {  	[sflag:s18] =	ssyncadd.s32 $0xFFFFF830  }
0xc4: {  	_ =	swait.ge [sflag:s18], $0x7D0  }
0xc5: {  	[sflag:s18] =	ssyncset.done $0x0  }
0xc6: {  	[sflag:s18] =	ssyncadd.s32 $0xFFFFF830  }
0xc7: {  	_ =	swait.ge [sflag:s18], $0x7D0  }
0xc8: {  	[sflag:s18] =	ssyncset.done $0x0  }
0xc9: {  	[sflag:s18] =	ssyncadd.s32 $0xFFFFF830  }
0xca: {  	_ =	swait.ge [sflag:s18], $0x7D0  }
0xcb: {  	[sflag:s18] =	ssyncset.done $0x0  }
0xcc: {  	[sflag:s18] =	ssyncadd.s32 $0xFFFFF830  }
0xcd: {  	_ =	swait.ge [sflag:s18], $0x7D0  }
0xce: {  	[sflag:s18] =	ssyncset.done $0x0  }
0xcf: {  	[sflag:s18] =	ssyncadd.s32 $0xFFFFF830  }
0xd0: {  	_ =	swait.ge [sflag:s18], $0x7D0  }
0xd1: {  	[sflag:s18] =	ssyncset.done $0x0  }
0xd2: {  	[sflag:s18] =	ssyncadd.s32 $0xFFFFF830  }
0xd3: {  	_ =	swait.ge [sflag:s18], $0x7D0  }
0xd4: {  	[sflag:s18] =	ssyncset.done $0x0  }
0xd5: {  	[sflag:s18] =	ssyncadd.s32 $0xFFFFF830  }
0xd6: {  	_ =	swait.ge [sflag:s18], $0x7D0  }
0xd7: {  	[sflag:s18] =	ssyncset.done $0x0  }
0xd8: {  	[sflag:s18] =	ssyncadd.s32 $0xFFFFF830  }
0xd9: {  	_ =	swait.ge [sflag:s18], $0x7D0  }
0xda: {  	[sflag:s18] =	ssyncset.done $0x0  }
0xdb: {  	[sflag:s18] =	ssyncadd.s32 $0xFFFFF830  }
0xdc: {  	_ =	swait.ge [sflag:s18], $0x7D0  }
0xdd: {  	[sflag:s18] =	ssyncset.done $0x0  }
0xde: {  	[sflag:s18] =	ssyncadd.s32 $0xFFFFF830  }
0xdf: {  	_ =	swait.ge [sflag:s18], $0x7D0  }
0xe0: {  	[sflag:s18] =	ssyncset.done $0x0  }
0xe1: {  	[sflag:s18] =	ssyncadd.s32 $0xFFFFF830  }
0xe2: {  	_ =	swait.ge [sflag:s18], $0x7D0  }
0xe3: {  	[sflag:s18] =	ssyncset.done $0x0  }
0xe4: {  	[sflag:s18] =	ssyncadd.s32 $0xFFFFF830  }
0xe5: {  	_ =	swait.ge [sflag:s18], $0x7D0  }
0xe6: {  	[sflag:s18] =	ssyncset.done $0x0  }
0xe7: {  	[sflag:s18] =	ssyncadd.s32 $0xFFFFF830  }
0xe8: {  	_ =	swait.ge [sflag:s18], $0x7D0  }
0xe9: {  	[sflag:s18] =	ssyncset.done $0x0  }
0xea: {  	[sflag:s18] =	ssyncadd.s32 $0xFFFFF830  }
0xeb: {  	_ =	swait.ge [sflag:s18], $0x7D0  }
0xec: {  	[sflag:s18] =	ssyncset.done $0x0  }
0xed: {  	[sflag:s18] =	ssyncadd.s32 $0xFFFFF830  }
0xee: {  	_ =	swait.ge [sflag:s18], $0x7D0  }
0xef: {  	[sflag:s18] =	ssyncset.done $0x0  }
0xf0: {  	[sflag:s18] =	ssyncadd.s32 $0xFFFFF830  }
0xf1: {  	_ =	swait.ge [sflag:s18], $0x7D0  }
0xf2: {  	[sflag:s18] =	ssyncset.done $0x0  }
0xf3: {  	[sflag:s18] =	ssyncadd.s32 $0xFFFFF830  }
0xf4: {  	_ =	swait.ge [sflag:s18], $0x7D0  }
0xf5: {  	[sflag:s18] =	ssyncset.done $0x0  }
0xf6: {  	p0 =	sne.s32 s21, $0x16800;
	[sflag:s18] =	ssyncadd.s32 $0xFFFFF830  }
.Ltmp2:
0xf7: {  	_ =	swait.ge [sflag:s18], $0x7D0;
	(pc) =	sbr.rel @p0 .LBB2_6-.Ltmp2, $4  }
0xf8: {  	[sflag:s18] =	ssyncset.done $0x0  }
0xf9: {  	[sflag:s18] =	ssyncadd.s32 $0xFFFFF830  }
0xfa: {  	_ =	swait.ge [sflag:s18], $0x7D0  }
0xfb: {  	s21 =	sadd.s32 $0x2800, s21;
	[sflag:s18] =	ssyncset.done $0x0  }
0xfc: {  	s20 =	sadd.s32 $0x1, s20  }
0xfd: {  	[sflag:s18] =	ssyncadd.s32 $0xFFFFF830;
	s21 =	sshll.u32 s1, $0x6;
	p0 =	sne.s32 s20, s7  }
.Ltmp3:
0xfe: {  	[bflag:$0x0] =	sbarrier.arrive $0xFFFF;
	s21 =	sor.u32 $0x1C02, s21;
	(pc) =	sbr.rel @p0 .LBB2_1-.Ltmp3, $4  }
0xff: {  	[hbm:s6], [sflag:s21] =	dma.local [spmem:s19], $0x1900  }
0x100: {  	_ =	swait.ge [sflag:s9], $0x1900  }
0x101: {  	[sflag:s9] =	ssyncset.done $0x0  }
0x102: {  	[sflag:s9] =	ssyncadd.s32 $0xFFFFE700  }
0x103: {  	_ =	sfence.sel $0x180000  }
0x104: {  	[bflag:$0x0] =	sbarrier.arrive $0xFFFF  }
0x105: {  	p0 =	sne.s32 s1, $0x0;
	_ =	strace $0x90000047  }
0x106: {  	s0 =	sadd.s32 @!p0 $0x100000, s0;
	[bflag:$0x2] =	sbarrier.arrive $0xFFFF  }
0x107: {  	[sflag:s0] =	ssyncadd.tile.s32 @!p0 $0x1;
	_ =	shalt  }
.Lfunc_end2:
_tile_overlayer_lowered:
.L_overlay_start_2:
0x108: {  	(tag) =	ssettag $0x2  }
0x109: {  	s0 =	rddreg [dreg:$0x0];
	s2 =	stileid.u32  }
0x10a: {  	s1 =	rddreg [dreg:$0x1];
	p0 =	sne.s32 s2, $0x0  }
0x10b: {  	s3 =	rddreg [dreg:$0x2];
	[bflag:$0x3] =	sbarrier.arrive $0xFFFF;
	s2 =	simm.s32 @!p0 $0x1C02  }
0x10c: {  	[timem:s3], [sflag:s2] =	dma.local @!p0 [hbm:s0], s1  }
0x10d: {  	s0 =	simm.s32 @!p0 $0x2  }
0x10e: {  	_ =	swait.ge @!p0 [sflag:s0], s1  }
0x10f: {  	s1 =	ssub.s32 @!p0 $0x0, s1;
	[sflag:s0] =	ssyncset.done @!p0 $0x0  }
0x110: {  	[sflag:s0] =	ssyncadd.s32 @!p0 s1  }
0x111: {  	[bflag:$0x3] =	sbarrier.arrive $0xFFFF  }
0x112: {  	_ =	shalt  }

</sc_bundles>
